<compile_context>
chip_gen: v7x
topology: tpu7x:2x2x1
jax: 0.10.2.dev20260603
libtpu: 0.0.44.dev20260713+nightly
codegen_flags: <defaults>
</compile_context>

<pallas_src>
import functools

import jax
import jax.numpy as jnp
from jax import lax
from jax.experimental import pallas as pl
from jax.experimental.pallas import tpu as pltpu
from jax.experimental.pallas import tpu_sc as plsc

NUM_CLASS = 100000
INPUT_SIZE = 256
WORD_EMB_DIM = 300
TOP_K = 5
B = 64

BN1 = 2048
BN2 = 2048
NEG_INF = float("-inf")
INT_BIG = 2**30

_CONTRACT_RHS1 = (((1,), (1,)), ((), ()))
_CONTRACT_STD = (((1,), (0,)), ((), ()))


def _fc1_topk_body(x_ref, lab_ref, w1_ref, b1_ref, out_ref, tk_ref, cv_ref, ci_ref):
    j = pl.program_id(0)
    nb = pl.num_programs(0)

    @pl.when(j == 0)
    def _init():
        cv_ref[...] = jnp.full((B, 128), NEG_INF, jnp.float32)
        ci_ref[...] = jnp.zeros((B, 128), jnp.int32)

    logits = lax.dot_general(
        x_ref[...], w1_ref[...], _CONTRACT_RHS1,
        preferred_element_type=jnp.float32,
    ) + b1_ref[...]
    out_ref[...] = logits

    cols = jax.lax.broadcasted_iota(jnp.int32, (B, BN1), 1) + j * BN1
    lab = lab_ref[...]
    valid = (cols < NUM_CLASS) & (cols != lab)
    masked = jnp.where(valid, logits, NEG_INF)

    cand_v = jnp.concatenate([cv_ref[...], masked], axis=1)
    cand_i = jnp.concatenate([ci_ref[...], cols], axis=1)

    top_v = []
    top_i = []
    for _ in range(TOP_K - 1):
        mx = jnp.max(cand_v, axis=1, keepdims=True)
        sel = jnp.min(jnp.where(cand_v == mx, cand_i, INT_BIG), axis=1, keepdims=True)
        top_v.append(mx)
        top_i.append(sel)
        cand_v = jnp.where((cand_v == mx) & (cand_i == sel), NEG_INF, cand_v)

    pad_v = jnp.full((B, 128 - (TOP_K - 1)), NEG_INF, jnp.float32)
    pad_i = jnp.zeros((B, 128 - (TOP_K - 1)), jnp.int32)
    cv_ref[...] = jnp.concatenate(top_v + [pad_v], axis=1)
    ci_ref[...] = jnp.concatenate(top_i + [pad_i], axis=1)

    @pl.when(j == nb - 1)
    def _emit():
        tk_ref[...] = jnp.concatenate([lab] + top_i, axis=1)


def _fc1_topk(x, lab2d, W1, b1_2d):
    nb = pl.cdiv(NUM_CLASS, BN1)
    return pl.pallas_call(
        _fc1_topk_body,
        grid=(nb,),
        in_specs=[
            pl.BlockSpec((B, INPUT_SIZE), lambda j: (0, 0)),
            pl.BlockSpec((B, 1), lambda j: (0, 0)),
            pl.BlockSpec((BN1, INPUT_SIZE), lambda j: (j, 0)),
            pl.BlockSpec((1, BN1), lambda j: (0, j)),
        ],
        out_specs=[
            pl.BlockSpec((B, BN1), lambda j: (0, j)),
            pl.BlockSpec((B, TOP_K), lambda j: (0, 0)),
        ],
        out_shape=[
            jax.ShapeDtypeStruct((B, NUM_CLASS), jnp.float32),
            jax.ShapeDtypeStruct((B, TOP_K), jnp.int32),
        ],
        scratch_shapes=[
            pltpu.VMEM((B, 128), jnp.float32),
            pltpu.VMEM((B, 128), jnp.int32),
        ],
        compiler_params=pltpu.CompilerParams(
            dimension_semantics=("arbitrary",),
        ),
    )(x, lab2d, W1, b1_2d)


_GATHER_WORKERS = 8
_ROWS_PER_WORKER = (B * TOP_K) // _GATHER_WORKERS


def _sc_gather(table, idx_flat):
    mesh = plsc.VectorSubcoreMesh(core_axis_name="c", subcore_axis_name="s")
    rpw = _ROWS_PER_WORKER
    chunk = 20

    @functools.partial(
        pl.kernel,
        mesh=mesh,
        out_type=jax.ShapeDtypeStruct((B * TOP_K, WORD_EMB_DIM), jnp.float32),
        scratch_types=[
            pltpu.VMEM((rpw + 8,), jnp.int32),
            pltpu.VMEM((rpw, WORD_EMB_DIM), jnp.float32),
            pltpu.SemaphoreType.DMA,
        ],
    )
    def gather_k(table_hbm, idx_hbm, out_hbm, idx_v, rows_v, sem):
        wid = lax.axis_index("s") * 2 + lax.axis_index("c")

        @pl.when(wid < _GATHER_WORKERS)
        def _():
            base = wid * rpw
            pltpu.sync_copy(idx_hbm.at[pl.ds(base, rpw)], idx_v.at[pl.ds(0, rpw)])
            for c0 in range(0, rpw, chunk):
                copies = []
                for i in range(c0, c0 + chunk):
                    vec = idx_v[pl.ds((i // 16) * 16, 16)]
                    copies.append(
                        pltpu.async_copy(table_hbm.at[vec[i % 16]], rows_v.at[i], sem))
                for cp in copies:
                    cp.wait()
            pltpu.sync_copy(rows_v, out_hbm.at[pl.ds(base, rpw)])

    return gather_k(table, idx_flat)


def _fc2_body(g_ref, wmt_ref, bm_ref, x5_ref, w2_ref, b2_ref, out_ref, ff_ref):
    j = pl.program_id(0)

    @pl.when(j == 0)
    def _ff():
        e_sel = lax.dot_general(
            g_ref[...], wmt_ref[...], _CONTRACT_STD,
            preferred_element_type=jnp.float32,
        ) + bm_ref[...]
        ff_ref[...] = x5_ref[...] + e_sel

    res = lax.dot_general(
        ff_ref[...], w2_ref[...], _CONTRACT_RHS1,
        preferred_element_type=jnp.float32,
    ) + b2_ref[...]
    for t in range(TOP_K):
        out_ref[:, t, :] = res[t * B:(t + 1) * B, :]


def _fc2(g, WmT, bm_2d, x5, W2, b2_2d):
    nb = pl.cdiv(NUM_CLASS, BN2)
    m = B * TOP_K
    return pl.pallas_call(
        _fc2_body,
        grid=(nb,),
        in_specs=[
            pl.BlockSpec((m, WORD_EMB_DIM), lambda j: (0, 0)),
            pl.BlockSpec((WORD_EMB_DIM, INPUT_SIZE), lambda j: (0, 0)),
            pl.BlockSpec((1, INPUT_SIZE), lambda j: (0, 0)),
            pl.BlockSpec((m, INPUT_SIZE), lambda j: (0, 0)),
            pl.BlockSpec((BN2, INPUT_SIZE), lambda j: (j, 0)),
            pl.BlockSpec((1, BN2), lambda j: (0, j)),
        ],
        out_specs=pl.BlockSpec((B, TOP_K, BN2), lambda j: (0, 0, j)),
        out_shape=jax.ShapeDtypeStruct((B, TOP_K, NUM_CLASS), jnp.float32),
        scratch_shapes=[pltpu.VMEM((m, INPUT_SIZE), jnp.float32)],
        compiler_params=pltpu.CompilerParams(
            dimension_semantics=("arbitrary",),
        ),
    )(g, WmT, bm_2d, x5, W2, b2_2d)


def kernel(x, label, W1, b1, Wm, bm, W2, b2, word_emb_tab):
    lab2d = label.reshape(B, 1).astype(jnp.int32)
    fc1, topk = _fc1_topk(x, lab2d, W1, b1.reshape(1, NUM_CLASS))
    idx_tmaj = topk.T.reshape(B * TOP_K)
    g = _sc_gather(word_emb_tab, idx_tmaj)
    x5 = jnp.broadcast_to(x[None, :, :], (TOP_K, B, INPUT_SIZE)).reshape(
        B * TOP_K, INPUT_SIZE)
    fc2 = _fc2(g, Wm.T, bm.reshape(1, INPUT_SIZE), x5, W2,
               b2.reshape(1, NUM_CLASS))
    return fc1, fc2, topk

# --- scband reference (transcript-rebuilt; emitter-appended) ---
"""Pipeline reference for scband-visual-head-83468394431088 (READ-ONLY COPY).

The authoritative reference and input builder live on the scoring server;
editing this copy changes nothing except your own understanding.
"""

import jax, jax.numpy as jnp
import numpy as np

NUM_CLASS = 100000
INPUT_SIZE = 256
WORD_EMB_DIM = 300
TOP_K = 5
B = 64


def setup_inputs(seed: int = 0) -> dict:
    key = jax.random.key(seed)
    ks = jax.random.split(key, 8)
    x = jax.random.normal(ks[0], (B, INPUT_SIZE), dtype=jnp.float32)
    label = jax.random.randint(ks[1], (B,), 0, NUM_CLASS, dtype=jnp.int32)
    word_emb_tab = jax.random.normal(ks[2], (NUM_CLASS, WORD_EMB_DIM), dtype=jnp.float32) * 0.02
    W1 = jax.random.normal(ks[3], (NUM_CLASS, INPUT_SIZE), dtype=jnp.float32) * (1.0 / np.sqrt(INPUT_SIZE))
    b1 = jnp.zeros((NUM_CLASS,), dtype=jnp.float32)
    Wm = jax.random.normal(ks[4], (INPUT_SIZE, WORD_EMB_DIM), dtype=jnp.float32) * (1.0 / np.sqrt(WORD_EMB_DIM))
    bm = jnp.zeros((INPUT_SIZE,), dtype=jnp.float32)
    W2 = jax.random.normal(ks[5], (NUM_CLASS, INPUT_SIZE), dtype=jnp.float32) * (1.0 / np.sqrt(INPUT_SIZE))
    b2 = jnp.zeros((NUM_CLASS,), dtype=jnp.float32)
    return {"x": x, "label": label, "W1": W1, "b1": b1, "Wm": Wm, "bm": bm, "W2": W2, "b2": b2, "word_emb_tab": word_emb_tab}


def reference(x, label, W1, b1, Wm, bm, W2, b2, word_emb_tab):
    # training-path forward of VisualHead (is_training=True)
    Bn, C = x.shape[0], x.shape[-1]
    output_fc1 = x @ W1.T + b1  # [B, num_class]
    # detached logits with gt label masked to -inf
    logits_data = jax.lax.stop_gradient(output_fc1)
    logits_data = logits_data.at[jnp.arange(Bn), label].set(-jnp.inf)
    # argsort descending, take top_k-1 hardest negatives
    idx = jnp.argsort(-logits_data, axis=1)[:, : TOP_K - 1]  # [B, top_k-1]
    topk_idx = jnp.concatenate([label[:, None], idx.astype(label.dtype)], axis=1).reshape(-1)  # [B*top_k]
    # map full word-embedding table into feature space, then gather
    e_ = word_emb_tab @ Wm.T + bm  # [num_class, C]
    e_sel = jnp.take(e_, topk_idx, axis=0).reshape(Bn, -1, C)  # [B, top_k, C]
    Ff = x[:, None, :] + e_sel  # [B, top_k, C]
    output_fc2 = Ff @ W2.T + b2  # [B, top_k, num_class]
    return (output_fc1, output_fc2, topk_idx.reshape(Bn, TOP_K))

if __name__ == "__main__":
    import jax
    _d = setup_inputs()
    print(jax.jit(kernel)(*tuple(_d.values())))

</pallas_src>

<mosaic_0001>
#map = affine_map<(d0, d1) -> (0, 0)>
#map1 = affine_map<(d0, d1) -> (0)>
module attributes {stable_mosaic.version = 14 : i64} {
  func.func @gather_k(%arg0: i32, %arg1: i32, %arg2: memref<100000x300xf32, #tpu.memory_space<hbm>>, %arg3: memref<320xi32, #tpu.memory_space<hbm>>, %arg4: memref<320x300xf32, #tpu.memory_space<hbm>>, %arg5: memref<48xi32, #tpu.memory_space<vmem>>, %arg6: memref<40x300xf32, #tpu.memory_space<vmem>>, %arg7: memref<!tpu.dma_semaphore, #tpu.memory_space<semaphore_mem>>) attributes {dimension_semantics = [#tpu.dimension_semantics<core_parallel>, #tpu.dimension_semantics<subcore_parallel>], iteration_bounds = array<i64: 2, 16>, scalar_prefetch = 0 : i64, scratch_operands = 3 : i64, tpu.core_type = #tpu.core_type<sc_vector_subcore>, window_params = [{transform_indices = #map}, {transform_indices = #map1}, {transform_indices = #map}]} {
    %mul3A = arith.constant 2 : i32
    %mul3A_0 = arith.muli %arg1, %mul3A : i32
    %add3A = arith.addi %mul3A_0, %arg0 : i32
    %lt3A = arith.constant 8 : i32
    %lt3A_1 = arith.cmpi slt, %add3A, %lt3A : i32
    %convert_element_type3A = arith.extui %lt3A_1 : i1 to i32
    %cond3A = arith.constant 0 : i32
    %cond3A_2 = arith.cmpi ne, %convert_element_type3A, %cond3A : i32
    scf.if %cond3A_2 {
      %mul3A_3 = arith.constant 40 : i32
      %mul3A_4 = arith.muli %add3A, %mul3A_3 : i32
      "tpu.region"() ({
        %run_scoped3A = tpu.sem_alloc : memref<!tpu.dma_semaphore, #tpu.memory_space<semaphore_mem>>
        %dma_start3A_1240 = arith.constant 0 : i32
        %dma_start3A_1241 = tpu.memref_slice %arg5[%dma_start3A_1240] : memref<48xi32, #tpu.memory_space<vmem>> -> memref<40xi32, #tpu.memory_space<vmem>>
        %dma_start3A_1242 = tpu.memref_slice %arg3[%mul3A_4] : memref<320xi32, #tpu.memory_space<hbm>> -> memref<40xi32, #tpu.memory_space<hbm>>
        %dma_start3A_1243 = arith.constant 0 : i32
        %dma_start3A_1244 = tpu.memref_slice %arg5[%dma_start3A_1243] : memref<48xi32, #tpu.memory_space<vmem>> -> memref<40xi32, #tpu.memory_space<vmem>>
        %dma_start3A_1245 = tpu.memref_slice %arg3[%mul3A_4] : memref<320xi32, #tpu.memory_space<hbm>> -> memref<40xi32, #tpu.memory_space<hbm>>
        tpu.enqueue_dma source(%dma_start3A_1245 : memref<40xi32, #tpu.memory_space<hbm>>) target(%dma_start3A_1244 : memref<40xi32, #tpu.memory_space<vmem>>) target_semaphore(%run_scoped3A : memref<!tpu.dma_semaphore, #tpu.memory_space<semaphore_mem>>)
        %dma_wait3A_1246 = arith.constant 0 : i32
        %dma_wait3A_1247 = tpu.memref_slice %arg5[%dma_wait3A_1246] : memref<48xi32, #tpu.memory_space<vmem>> -> memref<40xi32, #tpu.memory_space<vmem>>
        %dma_wait3A_1248 = tpu.memref_slice %arg3[%mul3A_4] : memref<320xi32, #tpu.memory_space<hbm>> -> memref<40xi32, #tpu.memory_space<hbm>>
        %dma_wait3A_1249 = arith.constant 0 : i32
        %dma_wait3A_1250 = tpu.memref_slice %arg5[%dma_wait3A_1249] : memref<48xi32, #tpu.memory_space<vmem>> -> memref<40xi32, #tpu.memory_space<vmem>>
        %dma_wait3A_1251 = tpu.memref_slice %arg3[%mul3A_4] : memref<320xi32, #tpu.memory_space<hbm>> -> memref<40xi32, #tpu.memory_space<hbm>>
        tpu.wait_dma2 semaphore(%run_scoped3A : memref<!tpu.dma_semaphore, #tpu.memory_space<semaphore_mem>>) src(%dma_wait3A_1251 : memref<40xi32, #tpu.memory_space<hbm>>) dst(%dma_wait3A_1250 : memref<40xi32, #tpu.memory_space<vmem>>)
        tpu.yield
      }) : () -> ()
      %get3A = arith.constant 0 : index
      %get3A_5 = tpu.vector_load %arg5[%get3A] {strides = array<i32>} : memref<48xi32, #tpu.memory_space<vmem>>, vector<16xi32>,
      %get3A_6 = vector.shape_cast %get3A_5 : vector<16xi32> to vector<16xi32>
      %slice3A = vector.extract_strided_slice %get3A_6 {offsets = [0], sizes = [1], strides = [1]} : vector<16xi32> to vector<1xi32>
      %squeeze3A = vector.extract %slice3A[0] : i32 from vector<1xi32>
      %dma_start3A = arith.constant 0 : i32
      %dma_start3A_7 = arith.constant 0 : i32
      %dma_start3A_8 = tpu.memref_slice %arg6[%dma_start3A, %dma_start3A_7] : memref<40x300xf32, #tpu.memory_space<vmem>> -> memref<1x300xf32, #tpu.memory_space<vmem>>
      %dma_start3A_9 = tpu.memref_squeeze %dma_start3A_8 : memref<1x300xf32, #tpu.memory_space<vmem>> -> memref<300xf32, #tpu.memory_space<vmem>>
      %dma_start3A_10 = arith.constant 0 : i32
      %dma_start3A_11 = tpu.memref_slice %arg2[%squeeze3A, %dma_start3A_10] : memref<100000x300xf32, #tpu.memory_space<hbm>> -> memref<1x300xf32, #tpu.memory_space<hbm>>
      %dma_start3A_12 = tpu.memref_squeeze %dma_start3A_11 : memref<1x300xf32, #tpu.memory_space<hbm>> -> memref<300xf32, #tpu.memory_space<hbm>>
      %dma_start3A_13 = arith.constant 0 : i32
      %dma_start3A_14 = tpu.memref_slice %arg6[%dma_start3A, %dma_start3A_13] : memref<40x300xf32, #tpu.memory_space<vmem>> -> memref<1x300xf32, #tpu.memory_space<vmem>>
      %dma_start3A_15 = tpu.memref_squeeze %dma_start3A_14 : memref<1x300xf32, #tpu.memory_space<vmem>> -> memref<300xf32, #tpu.memory_space<vmem>>
      %dma_start3A_16 = arith.constant 0 : i32
      %dma_start3A_17 = tpu.memref_slice %arg2[%squeeze3A, %dma_start3A_16] : memref<100000x300xf32, #tpu.memory_space<hbm>> -> memref<1x300xf32, #tpu.memory_space<hbm>>
      %dma_start3A_18 = tpu.memref_squeeze %dma_start3A_17 : memref<1x300xf32, #tpu.memory_space<hbm>> -> memref<300xf32, #tpu.memory_space<hbm>>
      tpu.enqueue_dma source(%dma_start3A_18 : memref<300xf32, #tpu.memory_space<hbm>>) target(%dma_start3A_15 : memref<300xf32, #tpu.memory_space<vmem>>) target_semaphore(%arg7 : memref<!tpu.dma_semaphore, #tpu.memory_space<semaphore_mem>>)
      %get3A_19 = arith.constant 0 : index
      %get3A_20 = tpu.vector_load %arg5[%get3A_19] {strides = array<i32>} : memref<48xi32, #tpu.memory_space<vmem>>, vector<16xi32>,
      %get3A_21 = vector.shape_cast %get3A_20 : vector<16xi32> to vector<16xi32>
      %slice3A_22 = vector.extract_strided_slice %get3A_21 {offsets = [1], sizes = [1], strides = [1]} : vector<16xi32> to vector<1xi32>
      %squeeze3A_23 = vector.extract %slice3A_22[0] : i32 from vector<1xi32>
      %dma_start3A_24 = arith.constant 1 : i32
      %dma_start3A_25 = arith.constant 0 : i32
      %dma_start3A_26 = tpu.memref_slice %arg6[%dma_start3A_24, %dma_start3A_25] : memref<40x300xf32, #tpu.memory_space<vmem>> -> memref<1x300xf32, #tpu.memory_space<vmem>>
      %dma_start3A_27 = tpu.memref_squeeze %dma_start3A_26 : memref<1x300xf32, #tpu.memory_space<vmem>> -> memref<300xf32, #tpu.memory_space<vmem>>
      %dma_start3A_28 = arith.constant 0 : i32
      %dma_start3A_29 = tpu.memref_slice %arg2[%squeeze3A_23, %dma_start3A_28] : memref<100000x300xf32, #tpu.memory_space<hbm>> -> memref<1x300xf32, #tpu.memory_space<hbm>>
      %dma_start3A_30 = tpu.memref_squeeze %dma_start3A_29 : memref<1x300xf32, #tpu.memory_space<hbm>> -> memref<300xf32, #tpu.memory_space<hbm>>
      %dma_start3A_31 = arith.constant 0 : i32
      %dma_start3A_32 = tpu.memref_slice %arg6[%dma_start3A_24, %dma_start3A_31] : memref<40x300xf32, #tpu.memory_space<vmem>> -> memref<1x300xf32, #tpu.memory_space<vmem>>
      %dma_start3A_33 = tpu.memref_squeeze %dma_start3A_32 : memref<1x300xf32, #tpu.memory_space<vmem>> -> memref<300xf32, #tpu.memory_space<vmem>>
      %dma_start3A_34 = arith.constant 0 : i32
      %dma_start3A_35 = tpu.memref_slice %arg2[%squeeze3A_23, %dma_start3A_34] : memref<100000x300xf32, #tpu.memory_space<hbm>> -> memref<1x300xf32, #tpu.memory_space<hbm>>
      %dma_start3A_36 = tpu.memref_squeeze %dma_start3A_35 : memref<1x300xf32, #tpu.memory_space<hbm>> -> memref<300xf32, #tpu.memory_space<hbm>>
      tpu.enqueue_dma source(%dma_start3A_36 : memref<300xf32, #tpu.memory_space<hbm>>) target(%dma_start3A_33 : memref<300xf32, #tpu.memory_space<vmem>>) target_semaphore(%arg7 : memref<!tpu.dma_semaphore, #tpu.memory_space<semaphore_mem>>)
      %get3A_37 = arith.constant 0 : index
      %get3A_38 = tpu.vector_load %arg5[%get3A_37] {strides = array<i32>} : memref<48xi32, #tpu.memory_space<vmem>>, vector<16xi32>,
      %get3A_39 = vector.shape_cast %get3A_38 : vector<16xi32> to vector<16xi32>
      %slice3A_40 = vector.extract_strided_slice %get3A_39 {offsets = [2], sizes = [1], strides = [1]} : vector<16xi32> to vector<1xi32>
      %squeeze3A_41 = vector.extract %slice3A_40[0] : i32 from vector<1xi32>
      %dma_start3A_42 = arith.constant 2 : i32
      %dma_start3A_43 = arith.constant 0 : i32
      %dma_start3A_44 = tpu.memref_slice %arg6[%dma_start3A_42, %dma_start3A_43] : memref<40x300xf32, #tpu.memory_space<vmem>> -> memref<1x300xf32, #tpu.memory_space<vmem>>
      %dma_start3A_45 = tpu.memref_squeeze %dma_start3A_44 : memref<1x300xf32, #tpu.memory_space<vmem>> -> memref<300xf32, #tpu.memory_space<vmem>>
      %dma_start3A_46 = arith.constant 0 : i32
      %dma_start3A_47 = tpu.memref_slice %arg2[%squeeze3A_41, %dma_start3A_46] : memref<100000x300xf32, #tpu.memory_space<hbm>> -> memref<1x300xf32, #tpu.memory_space<hbm>>
      %dma_start3A_48 = tpu.memref_squeeze %dma_start3A_47 : memref<1x300xf32, #tpu.memory_space<hbm>> -> memref<300xf32, #tpu.memory_space<hbm>>
      %dma_start3A_49 = arith.constant 0 : i32
      %dma_start3A_50 = tpu.memref_slice %arg6[%dma_start3A_42, %dma_start3A_49] : memref<40x300xf32, #tpu.memory_space<vmem>> -> memref<1x300xf32, #tpu.memory_space<vmem>>
      %dma_start3A_51 = tpu.memref_squeeze %dma_start3A_50 : memref<1x300xf32, #tpu.memory_space<vmem>> -> memref<300xf32, #tpu.memory_space<vmem>>
      %dma_start3A_52 = arith.constant 0 : i32
      %dma_start3A_53 = tpu.memref_slice %arg2[%squeeze3A_41, %dma_start3A_52] : memref<100000x300xf32, #tpu.memory_space<hbm>> -> memref<1x300xf32, #tpu.memory_space<hbm>>
      %dma_start3A_54 = tpu.memref_squeeze %dma_start3A_53 : memref<1x300xf32, #tpu.memory_space<hbm>> -> memref<300xf32, #tpu.memory_space<hbm>>
      tpu.enqueue_dma source(%dma_start3A_54 : memref<300xf32, #tpu.memory_space<hbm>>) target(%dma_start3A_51 : memref<300xf32, #tpu.memory_space<vmem>>) target_semaphore(%arg7 : memref<!tpu.dma_semaphore, #tpu.memory_space<semaphore_mem>>)
      %get3A_55 = arith.constant 0 : index
      %get3A_56 = tpu.vector_load %arg5[%get3A_55] {strides = array<i32>} : memref<48xi32, #tpu.memory_space<vmem>>, vector<16xi32>,
      %get3A_57 = vector.shape_cast %get3A_56 : vector<16xi32> to vector<16xi32>
      %slice3A_58 = vector.extract_strided_slice %get3A_57 {offsets = [3], sizes = [1], strides = [1]} : vector<16xi32> to vector<1xi32>
      %squeeze3A_59 = vector.extract %slice3A_58[0] : i32 from vector<1xi32>
      %dma_start3A_60 = arith.constant 3 : i32
      %dma_start3A_61 = arith.constant 0 : i32
      %dma_start3A_62 = tpu.memref_slice %arg6[%dma_start3A_60, %dma_start3A_61] : memref<40x300xf32, #tpu.memory_space<vmem>> -> memref<1x300xf32, #tpu.memory_space<vmem>>
      %dma_start3A_63 = tpu.memref_squeeze %dma_start3A_62 : memref<1x300xf32, #tpu.memory_space<vmem>> -> memref<300xf32, #tpu.memory_space<vmem>>
      %dma_start3A_64 = arith.constant 0 : i32
      %dma_start3A_65 = tpu.memref_slice %arg2[%squeeze3A_59, %dma_start3A_64] : memref<100000x300xf32, #tpu.memory_space<hbm>> -> memref<1x300xf32, #tpu.memory_space<hbm>>
      %dma_start3A_66 = tpu.memref_squeeze %dma_start3A_65 : memref<1x300xf32, #tpu.memory_space<hbm>> -> memref<300xf32, #tpu.memory_space<hbm>>
      %dma_start3A_67 = arith.constant 0 : i32
      %dma_start3A_68 = tpu.memref_slice %arg6[%dma_start3A_60, %dma_start3A_67] : memref<40x300xf32, #tpu.memory_space<vmem>> -> memref<1x300xf32, #tpu.memory_space<vmem>>
      %dma_start3A_69 = tpu.memref_squeeze %dma_start3A_68 : memref<1x300xf32, #tpu.memory_space<vmem>> -> memref<300xf32, #tpu.memory_space<vmem>>
      %dma_start3A_70 = arith.constant 0 : i32
      %dma_start3A_71 = tpu.memref_slice %arg2[%squeeze3A_59, %dma_start3A_70] : memref<100000x300xf32, #tpu.memory_space<hbm>> -> memref<1x300xf32, #tpu.memory_space<hbm>>
      %dma_start3A_72 = tpu.memref_squeeze %dma_start3A_71 : memref<1x300xf32, #tpu.memory_space<hbm>> -> memref<300xf32, #tpu.memory_space<hbm>>
      tpu.enqueue_dma source(%dma_start3A_72 : memref<300xf32, #tpu.memory_space<hbm>>) target(%dma_start3A_69 : memref<300xf32, #tpu.memory_space<vmem>>) target_semaphore(%arg7 : memref<!tpu.dma_semaphore, #tpu.memory_space<semaphore_mem>>)
      %get3A_73 = arith.constant 0 : index
      %get3A_74 = tpu.vector_load %arg5[%get3A_73] {strides = array<i32>} : memref<48xi32, #tpu.memory_space<vmem>>, vector<16xi32>,
      %get3A_75 = vector.shape_cast %get3A_74 : vector<16xi32> to vector<16xi32>
      %slice3A_76 = vector.extract_strided_slice %get3A_75 {offsets = [4], sizes = [1], strides = [1]} : vector<16xi32> to vector<1xi32>
      %squeeze3A_77 = vector.extract %slice3A_76[0] : i32 from vector<1xi32>
      %dma_start3A_78 = arith.constant 4 : i32
      %dma_start3A_79 = arith.constant 0 : i32
      %dma_start3A_80 = tpu.memref_slice %arg6[%dma_start3A_78, %dma_start3A_79] : memref<40x300xf32, #tpu.memory_space<vmem>> -> memref<1x300xf32, #tpu.memory_space<vmem>>
      %dma_start3A_81 = tpu.memref_squeeze %dma_start3A_80 : memref<1x300xf32, #tpu.memory_space<vmem>> -> memref<300xf32, #tpu.memory_space<vmem>>
      %dma_start3A_82 = arith.constant 0 : i32
      %dma_start3A_83 = tpu.memref_slice %arg2[%squeeze3A_77, %dma_start3A_82] : memref<100000x300xf32, #tpu.memory_space<hbm>> -> memref<1x300xf32, #tpu.memory_space<hbm>>
      %dma_start3A_84 = tpu.memref_squeeze %dma_start3A_83 : memref<1x300xf32, #tpu.memory_space<hbm>> -> memref<300xf32, #tpu.memory_space<hbm>>
      %dma_start3A_85 = arith.constant 0 : i32
      %dma_start3A_86 = tpu.memref_slice %arg6[%dma_start3A_78, %dma_start3A_85] : memref<40x300xf32, #tpu.memory_space<vmem>> -> memref<1x300xf32, #tpu.memory_space<vmem>>
      %dma_start3A_87 = tpu.memref_squeeze %dma_start3A_86 : memref<1x300xf32, #tpu.memory_space<vmem>> -> memref<300xf32, #tpu.memory_space<vmem>>
      %dma_start3A_88 = arith.constant 0 : i32
      %dma_start3A_89 = tpu.memref_slice %arg2[%squeeze3A_77, %dma_start3A_88] : memref<100000x300xf32, #tpu.memory_space<hbm>> -> memref<1x300xf32, #tpu.memory_space<hbm>>
      %dma_start3A_90 = tpu.memref_squeeze %dma_start3A_89 : memref<1x300xf32, #tpu.memory_space<hbm>> -> memref<300xf32, #tpu.memory_space<hbm>>
      tpu.enqueue_dma source(%dma_start3A_90 : memref<300xf32, #tpu.memory_space<hbm>>) target(%dma_start3A_87 : memref<300xf32, #tpu.memory_space<vmem>>) target_semaphore(%arg7 : memref<!tpu.dma_semaphore, #tpu.memory_space<semaphore_mem>>)
      %get3A_91 = arith.constant 0 : index
      %get3A_92 = tpu.vector_load %arg5[%get3A_91] {strides = array<i32>} : memref<48xi32, #tpu.memory_space<vmem>>, vector<16xi32>,
      %get3A_93 = vector.shape_cast %get3A_92 : vector<16xi32> to vector<16xi32>
      %slice3A_94 = vector.extract_strided_slice %get3A_93 {offsets = [5], sizes = [1], strides = [1]} : vector<16xi32> to vector<1xi32>
      %squeeze3A_95 = vector.extract %slice3A_94[0] : i32 from vector<1xi32>
      %dma_start3A_96 = arith.constant 5 : i32
      %dma_start3A_97 = arith.constant 0 : i32
      %dma_start3A_98 = tpu.memref_slice %arg6[%dma_start3A_96, %dma_start3A_97] : memref<40x300xf32, #tpu.memory_space<vmem>> -> memref<1x300xf32, #tpu.memory_space<vmem>>
      %dma_start3A_99 = tpu.memref_squeeze %dma_start3A_98 : memref<1x300xf32, #tpu.memory_space<vmem>> -> memref<300xf32, #tpu.memory_space<vmem>>
      %dma_start3A_100 = arith.constant 0 : i32
      %dma_start3A_101 = tpu.memref_slice %arg2[%squeeze3A_95, %dma_start3A_100] : memref<100000x300xf32, #tpu.memory_space<hbm>> -> memref<1x300xf32, #tpu.memory_space<hbm>>
      %dma_start3A_102 = tpu.memref_squeeze %dma_start3A_101 : memref<1x300xf32, #tpu.memory_space<hbm>> -> memref<300xf32, #tpu.memory_space<hbm>>
      %dma_start3A_103 = arith.constant 0 : i32
      %dma_start3A_104 = tpu.memref_slice %arg6[%dma_start3A_96, %dma_start3A_103] : memref<40x300xf32, #tpu.memory_space<vmem>> -> memref<1x300xf32, #tpu.memory_space<vmem>>
      %dma_start3A_105 = tpu.memref_squeeze %dma_start3A_104 : memref<1x300xf32, #tpu.memory_space<vmem>> -> memref<300xf32, #tpu.memory_space<vmem>>
      %dma_start3A_106 = arith.constant 0 : i32
      %dma_start3A_107 = tpu.memref_slice %arg2[%squeeze3A_95, %dma_start3A_106] : memref<100000x300xf32, #tpu.memory_space<hbm>> -> memref<1x300xf32, #tpu.memory_space<hbm>>
      %dma_start3A_108 = tpu.memref_squeeze %dma_start3A_107 : memref<1x300xf32, #tpu.memory_space<hbm>> -> memref<300xf32, #tpu.memory_space<hbm>>
      tpu.enqueue_dma source(%dma_start3A_108 : memref<300xf32, #tpu.memory_space<hbm>>) target(%dma_start3A_105 : memref<300xf32, #tpu.memory_space<vmem>>) target_semaphore(%arg7 : memref<!tpu.dma_semaphore, #tpu.memory_space<semaphore_mem>>)
      %get3A_109 = arith.constant 0 : index
      %get3A_110 = tpu.vector_load %arg5[%get3A_109] {strides = array<i32>} : memref<48xi32, #tpu.memory_space<vmem>>, vector<16xi32>,
      %get3A_111 = vector.shape_cast %get3A_110 : vector<16xi32> to vector<16xi32>
      %slice3A_112 = vector.extract_strided_slice %get3A_111 {offsets = [6], sizes = [1], strides = [1]} : vector<16xi32> to vector<1xi32>
      %squeeze3A_113 = vector.extract %slice3A_112[0] : i32 from vector<1xi32>
      %dma_start3A_114 = arith.constant 6 : i32
      %dma_start3A_115 = arith.constant 0 : i32
      %dma_start3A_116 = tpu.memref_slice %arg6[%dma_start3A_114, %dma_start3A_115] : memref<40x300xf32, #tpu.memory_space<vmem>> -> memref<1x300xf32, #tpu.memory_space<vmem>>
      %dma_start3A_117 = tpu.memref_squeeze %dma_start3A_116 : memref<1x300xf32, #tpu.memory_space<vmem>> -> memref<300xf32, #tpu.memory_space<vmem>>
      %dma_start3A_118 = arith.constant 0 : i32
      %dma_start3A_119 = tpu.memref_slice %arg2[%squeeze3A_113, %dma_start3A_118] : memref<100000x300xf32, #tpu.memory_space<hbm>> -> memref<1x300xf32, #tpu.memory_space<hbm>>
      %dma_start3A_120 = tpu.memref_squeeze %dma_start3A_119 : memref<1x300xf32, #tpu.memory_space<hbm>> -> memref<300xf32, #tpu.memory_space<hbm>>
      %dma_start3A_121 = arith.constant 0 : i32
      %dma_start3A_122 = tpu.memref_slice %arg6[%dma_start3A_114, %dma_start3A_121] : memref<40x300xf32, #tpu.memory_space<vmem>> -> memref<1x300xf32, #tpu.memory_space<vmem>>
      %dma_start3A_123 = tpu.memref_squeeze %dma_start3A_122 : memref<1x300xf32, #tpu.memory_space<vmem>> -> memref<300xf32, #tpu.memory_space<vmem>>
      %dma_start3A_124 = arith.constant 0 : i32
      %dma_start3A_125 = tpu.memref_slice %arg2[%squeeze3A_113, %dma_start3A_124] : memref<100000x300xf32, #tpu.memory_space<hbm>> -> memref<1x300xf32, #tpu.memory_space<hbm>>
      %dma_start3A_126 = tpu.memref_squeeze %dma_start3A_125 : memref<1x300xf32, #tpu.memory_space<hbm>> -> memref<300xf32, #tpu.memory_space<hbm>>
      tpu.enqueue_dma source(%dma_start3A_126 : memref<300xf32, #tpu.memory_space<hbm>>) target(%dma_start3A_123 : memref<300xf32, #tpu.memory_space<vmem>>) target_semaphore(%arg7 : memref<!tpu.dma_semaphore, #tpu.memory_space<semaphore_mem>>)
      %get3A_127 = arith.constant 0 : index
      %get3A_128 = tpu.vector_load %arg5[%get3A_127] {strides = array<i32>} : memref<48xi32, #tpu.memory_space<vmem>>, vector<16xi32>,
      %get3A_129 = vector.shape_cast %get3A_128 : vector<16xi32> to vector<16xi32>
      %slice3A_130 = vector.extract_strided_slice %get3A_129 {offsets = [7], sizes = [1], strides = [1]} : vector<16xi32> to vector<1xi32>
      %squeeze3A_131 = vector.extract %slice3A_130[0] : i32 from vector<1xi32>
      %dma_start3A_132 = arith.constant 7 : i32
      %dma_start3A_133 = arith.constant 0 : i32
      %dma_start3A_134 = tpu.memref_slice %arg6[%dma_start3A_132, %dma_start3A_133] : memref<40x300xf32, #tpu.memory_space<vmem>> -> memref<1x300xf32, #tpu.memory_space<vmem>>
      %dma_start3A_135 = tpu.memref_squeeze %dma_start3A_134 : memref<1x300xf32, #tpu.memory_space<vmem>> -> memref<300xf32, #tpu.memory_space<vmem>>
      %dma_start3A_136 = arith.constant 0 : i32
      %dma_start3A_137 = tpu.memref_slice %arg2[%squeeze3A_131, %dma_start3A_136] : memref<100000x300xf32, #tpu.memory_space<hbm>> -> memref<1x300xf32, #tpu.memory_space<hbm>>
      %dma_start3A_138 = tpu.memref_squeeze %dma_start3A_137 : memref<1x300xf32, #tpu.memory_space<hbm>> -> memref<300xf32, #tpu.memory_space<hbm>>
      %dma_start3A_139 = arith.constant 0 : i32
      %dma_start3A_140 = tpu.memref_slice %arg6[%dma_start3A_132, %dma_start3A_139] : memref<40x300xf32, #tpu.memory_space<vmem>> -> memref<1x300xf32, #tpu.memory_space<vmem>>
      %dma_start3A_141 = tpu.memref_squeeze %dma_start3A_140 : memref<1x300xf32, #tpu.memory_space<vmem>> -> memref<300xf32, #tpu.memory_space<vmem>>
      %dma_start3A_142 = arith.constant 0 : i32
      %dma_start3A_143 = tpu.memref_slice %arg2[%squeeze3A_131, %dma_start3A_142] : memref<100000x300xf32, #tpu.memory_space<hbm>> -> memref<1x300xf32, #tpu.memory_space<hbm>>
      %dma_start3A_144 = tpu.memref_squeeze %dma_start3A_143 : memref<1x300xf32, #tpu.memory_space<hbm>> -> memref<300xf32, #tpu.memory_space<hbm>>
      tpu.enqueue_dma source(%dma_start3A_144 : memref<300xf32, #tpu.memory_space<hbm>>) target(%dma_start3A_141 : memref<300xf32, #tpu.memory_space<vmem>>) target_semaphore(%arg7 : memref<!tpu.dma_semaphore, #tpu.memory_space<semaphore_mem>>)
      %get3A_145 = arith.constant 0 : index
      %get3A_146 = tpu.vector_load %arg5[%get3A_145] {strides = array<i32>} : memref<48xi32, #tpu.memory_space<vmem>>, vector<16xi32>,
      %get3A_147 = vector.shape_cast %get3A_146 : vector<16xi32> to vector<16xi32>
      %slice3A_148 = vector.extract_strided_slice %get3A_147 {offsets = [8], sizes = [1], strides = [1]} : vector<16xi32> to vector<1xi32>
      %squeeze3A_149 = vector.extract %slice3A_148[0] : i32 from vector<1xi32>
      %dma_start3A_150 = arith.constant 8 : i32
      %dma_start3A_151 = arith.constant 0 : i32
      %dma_start3A_152 = tpu.memref_slice %arg6[%dma_start3A_150, %dma_start3A_151] : memref<40x300xf32, #tpu.memory_space<vmem>> -> memref<1x300xf32, #tpu.memory_space<vmem>>
      %dma_start3A_153 = tpu.memref_squeeze %dma_start3A_152 : memref<1x300xf32, #tpu.memory_space<vmem>> -> memref<300xf32, #tpu.memory_space<vmem>>
      %dma_start3A_154 = arith.constant 0 : i32
      %dma_start3A_155 = tpu.memref_slice %arg2[%squeeze3A_149, %dma_start3A_154] : memref<100000x300xf32, #tpu.memory_space<hbm>> -> memref<1x300xf32, #tpu.memory_space<hbm>>
      %dma_start3A_156 = tpu.memref_squeeze %dma_start3A_155 : memref<1x300xf32, #tpu.memory_space<hbm>> -> memref<300xf32, #tpu.memory_space<hbm>>
      %dma_start3A_157 = arith.constant 0 : i32
      %dma_start3A_158 = tpu.memref_slice %arg6[%dma_start3A_150, %dma_start3A_157] : memref<40x300xf32, #tpu.memory_space<vmem>> -> memref<1x300xf32, #tpu.memory_space<vmem>>
      %dma_start3A_159 = tpu.memref_squeeze %dma_start3A_158 : memref<1x300xf32, #tpu.memory_space<vmem>> -> memref<300xf32, #tpu.memory_space<vmem>>
      %dma_start3A_160 = arith.constant 0 : i32
      %dma_start3A_161 = tpu.memref_slice %arg2[%squeeze3A_149, %dma_start3A_160] : memref<100000x300xf32, #tpu.memory_space<hbm>> -> memref<1x300xf32, #tpu.memory_space<hbm>>
      %dma_start3A_162 = tpu.memref_squeeze %dma_start3A_161 : memref<1x300xf32, #tpu.memory_space<hbm>> -> memref<300xf32, #tpu.memory_space<hbm>>
      tpu.enqueue_dma source(%dma_start3A_162 : memref<300xf32, #tpu.memory_space<hbm>>) target(%dma_start3A_159 : memref<300xf32, #tpu.memory_space<vmem>>) target_semaphore(%arg7 : memref<!tpu.dma_semaphore, #tpu.memory_space<semaphore_mem>>)
      %get3A_163 = arith.constant 0 : index
      %get3A_164 = tpu.vector_load %arg5[%get3A_163] {strides = array<i32>} : memref<48xi32, #tpu.memory_space<vmem>>, vector<16xi32>,
      %get3A_165 = vector.shape_cast %get3A_164 : vector<16xi32> to vector<16xi32>
      %slice3A_166 = vector.extract_strided_slice %get3A_165 {offsets = [9], sizes = [1], strides = [1]} : vector<16xi32> to vector<1xi32>
      %squeeze3A_167 = vector.extract %slice3A_166[0] : i32 from vector<1xi32>
      %dma_start3A_168 = arith.constant 9 : i32
      %dma_start3A_169 = arith.constant 0 : i32
      %dma_start3A_170 = tpu.memref_slice %arg6[%dma_start3A_168, %dma_start3A_169] : memref<40x300xf32, #tpu.memory_space<vmem>> -> memref<1x300xf32, #tpu.memory_space<vmem>>
      %dma_start3A_171 = tpu.memref_squeeze %dma_start3A_170 : memref<1x300xf32, #tpu.memory_space<vmem>> -> memref<300xf32, #tpu.memory_space<vmem>>
      %dma_start3A_172 = arith.constant 0 : i32
      %dma_start3A_173 = tpu.memref_slice %arg2[%squeeze3A_167, %dma_start3A_172] : memref<100000x300xf32, #tpu.memory_space<hbm>> -> memref<1x300xf32, #tpu.memory_space<hbm>>
      %dma_start3A_174 = tpu.memref_squeeze %dma_start3A_173 : memref<1x300xf32, #tpu.memory_space<hbm>> -> memref<300xf32, #tpu.memory_space<hbm>>
      %dma_start3A_175 = arith.constant 0 : i32
      %dma_start3A_176 = tpu.memref_slice %arg6[%dma_start3A_168, %dma_start3A_175] : memref<40x300xf32, #tpu.memory_space<vmem>> -> memref<1x300xf32, #tpu.memory_space<vmem>>
      %dma_start3A_177 = tpu.memref_squeeze %dma_start3A_176 : memref<1x300xf32, #tpu.memory_space<vmem>> -> memref<300xf32, #tpu.memory_space<vmem>>
      %dma_start3A_178 = arith.constant 0 : i32
      %dma_start3A_179 = tpu.memref_slice %arg2[%squeeze3A_167, %dma_start3A_178] : memref<100000x300xf32, #tpu.memory_space<hbm>> -> memref<1x300xf32, #tpu.memory_space<hbm>>
      %dma_start3A_180 = tpu.memref_squeeze %dma_start3A_179 : memref<1x300xf32, #tpu.memory_space<hbm>> -> memref<300xf32, #tpu.memory_space<hbm>>
      tpu.enqueue_dma source(%dma_start3A_180 : memref<300xf32, #tpu.memory_space<hbm>>) target(%dma_start3A_177 : memref<300xf32, #tpu.memory_space<vmem>>) target_semaphore(%arg7 : memref<!tpu.dma_semaphore, #tpu.memory_space<semaphore_mem>>)
      %get3A_181 = arith.constant 0 : index
      %get3A_182 = tpu.vector_load %arg5[%get3A_181] {strides = array<i32>} : memref<48xi32, #tpu.memory_space<vmem>>, vector<16xi32>,
      %get3A_183 = vector.shape_cast %get3A_182 : vector<16xi32> to vector<16xi32>
      %slice3A_184 = vector.extract_strided_slice %get3A_183 {offsets = [10], sizes = [1], strides = [1]} : vector<16xi32> to vector<1xi32>
      %squeeze3A_185 = vector.extract %slice3A_184[0] : i32 from vector<1xi32>
      %dma_start3A_186 = arith.constant 10 : i32
      %dma_start3A_187 = arith.constant 0 : i32
      %dma_start3A_188 = tpu.memref_slice %arg6[%dma_start3A_186, %dma_start3A_187] : memref<40x300xf32, #tpu.memory_space<vmem>> -> memref<1x300xf32, #tpu.memory_space<vmem>>
      %dma_start3A_189 = tpu.memref_squeeze %dma_start3A_188 : memref<1x300xf32, #tpu.memory_space<vmem>> -> memref<300xf32, #tpu.memory_space<vmem>>
      %dma_start3A_190 = arith.constant 0 : i32
      %dma_start3A_191 = tpu.memref_slice %arg2[%squeeze3A_185, %dma_start3A_190] : memref<100000x300xf32, #tpu.memory_space<hbm>> -> memref<1x300xf32, #tpu.memory_space<hbm>>
      %dma_start3A_192 = tpu.memref_squeeze %dma_start3A_191 : memref<1x300xf32, #tpu.memory_space<hbm>> -> memref<300xf32, #tpu.memory_space<hbm>>
      %dma_start3A_193 = arith.constant 0 : i32
      %dma_start3A_194 = tpu.memref_slice %arg6[%dma_start3A_186, %dma_start3A_193] : memref<40x300xf32, #tpu.memory_space<vmem>> -> memref<1x300xf32, #tpu.memory_space<vmem>>
      %dma_start3A_195 = tpu.memref_squeeze %dma_start3A_194 : memref<1x300xf32, #tpu.memory_space<vmem>> -> memref<300xf32, #tpu.memory_space<vmem>>
      %dma_start3A_196 = arith.constant 0 : i32
      %dma_start3A_197 = tpu.memref_slice %arg2[%squeeze3A_185, %dma_start3A_196] : memref<100000x300xf32, #tpu.memory_space<hbm>> -> memref<1x300xf32, #tpu.memory_space<hbm>>
      %dma_start3A_198 = tpu.memref_squeeze %dma_start3A_197 : memref<1x300xf32, #tpu.memory_space<hbm>> -> memref<300xf32, #tpu.memory_space<hbm>>
      tpu.enqueue_dma source(%dma_start3A_198 : memref<300xf32, #tpu.memory_space<hbm>>) target(%dma_start3A_195 : memref<300xf32, #tpu.memory_space<vmem>>) target_semaphore(%arg7 : memref<!tpu.dma_semaphore, #tpu.memory_space<semaphore_mem>>)
      %get3A_199 = arith.constant 0 : index
      %get3A_200 = tpu.vector_load %arg5[%get3A_199] {strides = array<i32>} : memref<48xi32, #tpu.memory_space<vmem>>, vector<16xi32>,
      %get3A_201 = vector.shape_cast %get3A_200 : vector<16xi32> to vector<16xi32>
      %slice3A_202 = vector.extract_strided_slice %get3A_201 {offsets = [11], sizes = [1], strides = [1]} : vector<16xi32> to vector<1xi32>
      %squeeze3A_203 = vector.extract %slice3A_202[0] : i32 from vector<1xi32>
      %dma_start3A_204 = arith.constant 11 : i32
      %dma_start3A_205 = arith.constant 0 : i32
      %dma_start3A_206 = tpu.memref_slice %arg6[%dma_start3A_204, %dma_start3A_205] : memref<40x300xf32, #tpu.memory_space<vmem>> -> memref<1x300xf32, #tpu.memory_space<vmem>>
      %dma_start3A_207 = tpu.memref_squeeze %dma_start3A_206 : memref<1x300xf32, #tpu.memory_space<vmem>> -> memref<300xf32, #tpu.memory_space<vmem>>
      %dma_start3A_208 = arith.constant 0 : i32
      %dma_start3A_209 = tpu.memref_slice %arg2[%squeeze3A_203, %dma_start3A_208] : memref<100000x300xf32, #tpu.memory_space<hbm>> -> memref<1x300xf32, #tpu.memory_space<hbm>>
      %dma_start3A_210 = tpu.memref_squeeze %dma_start3A_209 : memref<1x300xf32, #tpu.memory_space<hbm>> -> memref<300xf32, #tpu.memory_space<hbm>>
      %dma_start3A_211 = arith.constant 0 : i32
      %dma_start3A_212 = tpu.memref_slice %arg6[%dma_start3A_204, %dma_start3A_211] : memref<40x300xf32, #tpu.memory_space<vmem>> -> memref<1x300xf32, #tpu.memory_space<vmem>>
      %dma_start3A_213 = tpu.memref_squeeze %dma_start3A_212 : memref<1x300xf32, #tpu.memory_space<vmem>> -> memref<300xf32, #tpu.memory_space<vmem>>
      %dma_start3A_214 = arith.constant 0 : i32
      %dma_start3A_215 = tpu.memref_slice %arg2[%squeeze3A_203, %dma_start3A_214] : memref<100000x300xf32, #tpu.memory_space<hbm>> -> memref<1x300xf32, #tpu.memory_space<hbm>>
      %dma_start3A_216 = tpu.memref_squeeze %dma_start3A_215 : memref<1x300xf32, #tpu.memory_space<hbm>> -> memref<300xf32, #tpu.memory_space<hbm>>
      tpu.enqueue_dma source(%dma_start3A_216 : memref<300xf32, #tpu.memory_space<hbm>>) target(%dma_start3A_213 : memref<300xf32, #tpu.memory_space<vmem>>) target_semaphore(%arg7 : memref<!tpu.dma_semaphore, #tpu.memory_space<semaphore_mem>>)
      %get3A_217 = arith.constant 0 : index
      %get3A_218 = tpu.vector_load %arg5[%get3A_217] {strides = array<i32>} : memref<48xi32, #tpu.memory_space<vmem>>, vector<16xi32>,
      %get3A_219 = vector.shape_cast %get3A_218 : vector<16xi32> to vector<16xi32>
      %slice3A_220 = vector.extract_strided_slice %get3A_219 {offsets = [12], sizes = [1], strides = [1]} : vector<16xi32> to vector<1xi32>
      %squeeze3A_221 = vector.extract %slice3A_220[0] : i32 from vector<1xi32>
      %dma_start3A_222 = arith.constant 12 : i32
      %dma_start3A_223 = arith.constant 0 : i32
      %dma_start3A_224 = tpu.memref_slice %arg6[%dma_start3A_222, %dma_start3A_223] : memref<40x300xf32, #tpu.memory_space<vmem>> -> memref<1x300xf32, #tpu.memory_space<vmem>>
      %dma_start3A_225 = tpu.memref_squeeze %dma_start3A_224 : memref<1x300xf32, #tpu.memory_space<vmem>> -> memref<300xf32, #tpu.memory_space<vmem>>
      %dma_start3A_226 = arith.constant 0 : i32
      %dma_start3A_227 = tpu.memref_slice %arg2[%squeeze3A_221, %dma_start3A_226] : memref<100000x300xf32, #tpu.memory_space<hbm>> -> memref<1x300xf32, #tpu.memory_space<hbm>>
      %dma_start3A_228 = tpu.memref_squeeze %dma_start3A_227 : memref<1x300xf32, #tpu.memory_space<hbm>> -> memref<300xf32, #tpu.memory_space<hbm>>
      %dma_start3A_229 = arith.constant 0 : i32
      %dma_start3A_230 = tpu.memref_slice %arg6[%dma_start3A_222, %dma_start3A_229] : memref<40x300xf32, #tpu.memory_space<vmem>> -> memref<1x300xf32, #tpu.memory_space<vmem>>
      %dma_start3A_231 = tpu.memref_squeeze %dma_start3A_230 : memref<1x300xf32, #tpu.memory_space<vmem>> -> memref<300xf32, #tpu.memory_space<vmem>>
      %dma_start3A_232 = arith.constant 0 : i32
      %dma_start3A_233 = tpu.memref_slice %arg2[%squeeze3A_221, %dma_start3A_232] : memref<100000x300xf32, #tpu.memory_space<hbm>> -> memref<1x300xf32, #tpu.memory_space<hbm>>
      %dma_start3A_234 = tpu.memref_squeeze %dma_start3A_233 : memref<1x300xf32, #tpu.memory_space<hbm>> -> memref<300xf32, #tpu.memory_space<hbm>>
      tpu.enqueue_dma source(%dma_start3A_234 : memref<300xf32, #tpu.memory_space<hbm>>) target(%dma_start3A_231 : memref<300xf32, #tpu.memory_space<vmem>>) target_semaphore(%arg7 : memref<!tpu.dma_semaphore, #tpu.memory_space<semaphore_mem>>)
      %get3A_235 = arith.constant 0 : index
      %get3A_236 = tpu.vector_load %arg5[%get3A_235] {strides = array<i32>} : memref<48xi32, #tpu.memory_space<vmem>>, vector<16xi32>,
      %get3A_237 = vector.shape_cast %get3A_236 : vector<16xi32> to vector<16xi32>
      %slice3A_238 = vector.extract_strided_slice %get3A_237 {offsets = [13], sizes = [1], strides = [1]} : vector<16xi32> to vector<1xi32>
      %squeeze3A_239 = vector.extract %slice3A_238[0] : i32 from vector<1xi32>
      %dma_start3A_240 = arith.constant 13 : i32
      %dma_start3A_241 = arith.constant 0 : i32
      %dma_start3A_242 = tpu.memref_slice %arg6[%dma_start3A_240, %dma_start3A_241] : memref<40x300xf32, #tpu.memory_space<vmem>> -> memref<1x300xf32, #tpu.memory_space<vmem>>
      %dma_start3A_243 = tpu.memref_squeeze %dma_start3A_242 : memref<1x300xf32, #tpu.memory_space<vmem>> -> memref<300xf32, #tpu.memory_space<vmem>>
      %dma_start3A_244 = arith.constant 0 : i32
      %dma_start3A_245 = tpu.memref_slice %arg2[%squeeze3A_239, %dma_start3A_244] : memref<100000x300xf32, #tpu.memory_space<hbm>> -> memref<1x300xf32, #tpu.memory_space<hbm>>
      %dma_start3A_246 = tpu.memref_squeeze %dma_start3A_245 : memref<1x300xf32, #tpu.memory_space<hbm>> -> memref<300xf32, #tpu.memory_space<hbm>>
      %dma_start3A_247 = arith.constant 0 : i32
      %dma_start3A_248 = tpu.memref_slice %arg6[%dma_start3A_240, %dma_start3A_247] : memref<40x300xf32, #tpu.memory_space<vmem>> -> memref<1x300xf32, #tpu.memory_space<vmem>>
      %dma_start3A_249 = tpu.memref_squeeze %dma_start3A_248 : memref<1x300xf32, #tpu.memory_space<vmem>> -> memref<300xf32, #tpu.memory_space<vmem>>
      %dma_start3A_250 = arith.constant 0 : i32
      %dma_start3A_251 = tpu.memref_slice %arg2[%squeeze3A_239, %dma_start3A_250] : memref<100000x300xf32, #tpu.memory_space<hbm>> -> memref<1x300xf32, #tpu.memory_space<hbm>>
      %dma_start3A_252 = tpu.memref_squeeze %dma_start3A_251 : memref<1x300xf32, #tpu.memory_space<hbm>> -> memref<300xf32, #tpu.memory_space<hbm>>
      tpu.enqueue_dma source(%dma_start3A_252 : memref<300xf32, #tpu.memory_space<hbm>>) target(%dma_start3A_249 : memref<300xf32, #tpu.memory_space<vmem>>) target_semaphore(%arg7 : memref<!tpu.dma_semaphore, #tpu.memory_space<semaphore_mem>>)
      %get3A_253 = arith.constant 0 : index
      %get3A_254 = tpu.vector_load %arg5[%get3A_253] {strides = array<i32>} : memref<48xi32, #tpu.memory_space<vmem>>, vector<16xi32>,
      %get3A_255 = vector.shape_cast %get3A_254 : vector<16xi32> to vector<16xi32>
      %slice3A_256 = vector.extract_strided_slice %get3A_255 {offsets = [14], sizes = [1], strides = [1]} : vector<16xi32> to vector<1xi32>
      %squeeze3A_257 = vector.extract %slice3A_256[0] : i32 from vector<1xi32>
      %dma_start3A_258 = arith.constant 14 : i32
      %dma_start3A_259 = arith.constant 0 : i32
      %dma_start3A_260 = tpu.memref_slice %arg6[%dma_start3A_258, %dma_start3A_259] : memref<40x300xf32, #tpu.memory_space<vmem>> -> memref<1x300xf32, #tpu.memory_space<vmem>>
      %dma_start3A_261 = tpu.memref_squeeze %dma_start3A_260 : memref<1x300xf32, #tpu.memory_space<vmem>> -> memref<300xf32, #tpu.memory_space<vmem>>
      %dma_start3A_262 = arith.constant 0 : i32
      %dma_start3A_263 = tpu.memref_slice %arg2[%squeeze3A_257, %dma_start3A_262] : memref<100000x300xf32, #tpu.memory_space<hbm>> -> memref<1x300xf32, #tpu.memory_space<hbm>>
      %dma_start3A_264 = tpu.memref_squeeze %dma_start3A_263 : memref<1x300xf32, #tpu.memory_space<hbm>> -> memref<300xf32, #tpu.memory_space<hbm>>
      %dma_start3A_265 = arith.constant 0 : i32
      %dma_start3A_266 = tpu.memref_slice %arg6[%dma_start3A_258, %dma_start3A_265] : memref<40x300xf32, #tpu.memory_space<vmem>> -> memref<1x300xf32, #tpu.memory_space<vmem>>
      %dma_start3A_267 = tpu.memref_squeeze %dma_start3A_266 : memref<1x300xf32, #tpu.memory_space<vmem>> -> memref<300xf32, #tpu.memory_space<vmem>>
      %dma_start3A_268 = arith.constant 0 : i32
      %dma_start3A_269 = tpu.memref_slice %arg2[%squeeze3A_257, %dma_start3A_268] : memref<100000x300xf32, #tpu.memory_space<hbm>> -> memref<1x300xf32, #tpu.memory_space<hbm>>
      %dma_start3A_270 = tpu.memref_squeeze %dma_start3A_269 : memref<1x300xf32, #tpu.memory_space<hbm>> -> memref<300xf32, #tpu.memory_space<hbm>>
      tpu.enqueue_dma source(%dma_start3A_270 : memref<300xf32, #tpu.memory_space<hbm>>) target(%dma_start3A_267 : memref<300xf32, #tpu.memory_space<vmem>>) target_semaphore(%arg7 : memref<!tpu.dma_semaphore, #tpu.memory_space<semaphore_mem>>)
      %get3A_271 = arith.constant 0 : index
      %get3A_272 = tpu.vector_load %arg5[%get3A_271] {strides = array<i32>} : memref<48xi32, #tpu.memory_space<vmem>>, vector<16xi32>,
      %get3A_273 = vector.shape_cast %get3A_272 : vector<16xi32> to vector<16xi32>
      %slice3A_274 = vector.extract_strided_slice %get3A_273 {offsets = [15], sizes = [1], strides = [1]} : vector<16xi32> to vector<1xi32>
      %squeeze3A_275 = vector.extract %slice3A_274[0] : i32 from vector<1xi32>
      %dma_start3A_276 = arith.constant 15 : i32
      %dma_start3A_277 = arith.constant 0 : i32
      %dma_start3A_278 = tpu.memref_slice %arg6[%dma_start3A_276, %dma_start3A_277] : memref<40x300xf32, #tpu.memory_space<vmem>> -> memref<1x300xf32, #tpu.memory_space<vmem>>
      %dma_start3A_279 = tpu.memref_squeeze %dma_start3A_278 : memref<1x300xf32, #tpu.memory_space<vmem>> -> memref<300xf32, #tpu.memory_space<vmem>>
      %dma_start3A_280 = arith.constant 0 : i32
      %dma_start3A_281 = tpu.memref_slice %arg2[%squeeze3A_275, %dma_start3A_280] : memref<100000x300xf32, #tpu.memory_space<hbm>> -> memref<1x300xf32, #tpu.memory_space<hbm>>
      %dma_start3A_282 = tpu.memref_squeeze %dma_start3A_281 : memref<1x300xf32, #tpu.memory_space<hbm>> -> memref<300xf32, #tpu.memory_space<hbm>>
      %dma_start3A_283 = arith.constant 0 : i32
      %dma_start3A_284 = tpu.memref_slice %arg6[%dma_start3A_276, %dma_start3A_283] : memref<40x300xf32, #tpu.memory_space<vmem>> -> memref<1x300xf32, #tpu.memory_space<vmem>>
      %dma_start3A_285 = tpu.memref_squeeze %dma_start3A_284 : memref<1x300xf32, #tpu.memory_space<vmem>> -> memref<300xf32, #tpu.memory_space<vmem>>
      %dma_start3A_286 = arith.constant 0 : i32
      %dma_start3A_287 = tpu.memref_slice %arg2[%squeeze3A_275, %dma_start3A_286] : memref<100000x300xf32, #tpu.memory_space<hbm>> -> memref<1x300xf32, #tpu.memory_space<hbm>>
      %dma_start3A_288 = tpu.memref_squeeze %dma_start3A_287 : memref<1x300xf32, #tpu.memory_space<hbm>> -> memref<300xf32, #tpu.memory_space<hbm>>
      tpu.enqueue_dma source(%dma_start3A_288 : memref<300xf32, #tpu.memory_space<hbm>>) target(%dma_start3A_285 : memref<300xf32, #tpu.memory_space<vmem>>) target_semaphore(%arg7 : memref<!tpu.dma_semaphore, #tpu.memory_space<semaphore_mem>>)
      %get3A_289 = arith.constant 16 : index
      %get3A_290 = tpu.vector_load %arg5[%get3A_289] {strides = array<i32>} : memref<48xi32, #tpu.memory_space<vmem>>, vector<16xi32>,
      %get3A_291 = vector.shape_cast %get3A_290 : vector<16xi32> to vector<16xi32>
      %slice3A_292 = vector.extract_strided_slice %get3A_291 {offsets = [0], sizes = [1], strides = [1]} : vector<16xi32> to vector<1xi32>
      %squeeze3A_293 = vector.extract %slice3A_292[0] : i32 from vector<1xi32>
      %dma_start3A_294 = arith.constant 16 : i32
      %dma_start3A_295 = arith.constant 0 : i32
      %dma_start3A_296 = tpu.memref_slice %arg6[%dma_start3A_294, %dma_start3A_295] : memref<40x300xf32, #tpu.memory_space<vmem>> -> memref<1x300xf32, #tpu.memory_space<vmem>>
      %dma_start3A_297 = tpu.memref_squeeze %dma_start3A_296 : memref<1x300xf32, #tpu.memory_space<vmem>> -> memref<300xf32, #tpu.memory_space<vmem>>
      %dma_start3A_298 = arith.constant 0 : i32
      %dma_start3A_299 = tpu.memref_slice %arg2[%squeeze3A_293, %dma_start3A_298] : memref<100000x300xf32, #tpu.memory_space<hbm>> -> memref<1x300xf32, #tpu.memory_space<hbm>>
      %dma_start3A_300 = tpu.memref_squeeze %dma_start3A_299 : memref<1x300xf32, #tpu.memory_space<hbm>> -> memref<300xf32, #tpu.memory_space<hbm>>
      %dma_start3A_301 = arith.constant 0 : i32
      %dma_start3A_302 = tpu.memref_slice %arg6[%dma_start3A_294, %dma_start3A_301] : memref<40x300xf32, #tpu.memory_space<vmem>> -> memref<1x300xf32, #tpu.memory_space<vmem>>
      %dma_start3A_303 = tpu.memref_squeeze %dma_start3A_302 : memref<1x300xf32, #tpu.memory_space<vmem>> -> memref<300xf32, #tpu.memory_space<vmem>>
      %dma_start3A_304 = arith.constant 0 : i32
      %dma_start3A_305 = tpu.memref_slice %arg2[%squeeze3A_293, %dma_start3A_304] : memref<100000x300xf32, #tpu.memory_space<hbm>> -> memref<1x300xf32, #tpu.memory_space<hbm>>
      %dma_start3A_306 = tpu.memref_squeeze %dma_start3A_305 : memref<1x300xf32, #tpu.memory_space<hbm>> -> memref<300xf32, #tpu.memory_space<hbm>>
      tpu.enqueue_dma source(%dma_start3A_306 : memref<300xf32, #tpu.memory_space<hbm>>) target(%dma_start3A_303 : memref<300xf32, #tpu.memory_space<vmem>>) target_semaphore(%arg7 : memref<!tpu.dma_semaphore, #tpu.memory_space<semaphore_mem>>)
      %get3A_307 = arith.constant 16 : index
      %get3A_308 = tpu.vector_load %arg5[%get3A_307] {strides = array<i32>} : memref<48xi32, #tpu.memory_space<vmem>>, vector<16xi32>,
      %get3A_309 = vector.shape_cast %get3A_308 : vector<16xi32> to vector<16xi32>
      %slice3A_310 = vector.extract_strided_slice %get3A_309 {offsets = [1], sizes = [1], strides = [1]} : vector<16xi32> to vector<1xi32>
      %squeeze3A_311 = vector.extract %slice3A_310[0] : i32 from vector<1xi32>
      %dma_start3A_312 = arith.constant 17 : i32
      %dma_start3A_313 = arith.constant 0 : i32
      %dma_start3A_314 = tpu.memref_slice %arg6[%dma_start3A_312, %dma_start3A_313] : memref<40x300xf32, #tpu.memory_space<vmem>> -> memref<1x300xf32, #tpu.memory_space<vmem>>
      %dma_start3A_315 = tpu.memref_squeeze %dma_start3A_314 : memref<1x300xf32, #tpu.memory_space<vmem>> -> memref<300xf32, #tpu.memory_space<vmem>>
      %dma_start3A_316 = arith.constant 0 : i32
      %dma_start3A_317 = tpu.memref_slice %arg2[%squeeze3A_311, %dma_start3A_316] : memref<100000x300xf32, #tpu.memory_space<hbm>> -> memref<1x300xf32, #tpu.memory_space<hbm>>
      %dma_start3A_318 = tpu.memref_squeeze %dma_start3A_317 : memref<1x300xf32, #tpu.memory_space<hbm>> -> memref<300xf32, #tpu.memory_space<hbm>>
      %dma_start3A_319 = arith.constant 0 : i32
      %dma_start3A_320 = tpu.memref_slice %arg6[%dma_start3A_312, %dma_start3A_319] : memref<40x300xf32, #tpu.memory_space<vmem>> -> memref<1x300xf32, #tpu.memory_space<vmem>>
      %dma_start3A_321 = tpu.memref_squeeze %dma_start3A_320 : memref<1x300xf32, #tpu.memory_space<vmem>> -> memref<300xf32, #tpu.memory_space<vmem>>
      %dma_start3A_322 = arith.constant 0 : i32
      %dma_start3A_323 = tpu.memref_slice %arg2[%squeeze3A_311, %dma_start3A_322] : memref<100000x300xf32, #tpu.memory_space<hbm>> -> memref<1x300xf32, #tpu.memory_space<hbm>>
      %dma_start3A_324 = tpu.memref_squeeze %dma_start3A_323 : memref<1x300xf32, #tpu.memory_space<hbm>> -> memref<300xf32, #tpu.memory_space<hbm>>
      tpu.enqueue_dma source(%dma_start3A_324 : memref<300xf32, #tpu.memory_space<hbm>>) target(%dma_start3A_321 : memref<300xf32, #tpu.memory_space<vmem>>) target_semaphore(%arg7 : memref<!tpu.dma_semaphore, #tpu.memory_space<semaphore_mem>>)
      %get3A_325 = arith.constant 16 : index
      %get3A_326 = tpu.vector_load %arg5[%get3A_325] {strides = array<i32>} : memref<48xi32, #tpu.memory_space<vmem>>, vector<16xi32>,
      %get3A_327 = vector.shape_cast %get3A_326 : vector<16xi32> to vector<16xi32>
      %slice3A_328 = vector.extract_strided_slice %get3A_327 {offsets = [2], sizes = [1], strides = [1]} : vector<16xi32> to vector<1xi32>
      %squeeze3A_329 = vector.extract %slice3A_328[0] : i32 from vector<1xi32>
      %dma_start3A_330 = arith.constant 18 : i32
      %dma_start3A_331 = arith.constant 0 : i32
      %dma_start3A_332 = tpu.memref_slice %arg6[%dma_start3A_330, %dma_start3A_331] : memref<40x300xf32, #tpu.memory_space<vmem>> -> memref<1x300xf32, #tpu.memory_space<vmem>>
      %dma_start3A_333 = tpu.memref_squeeze %dma_start3A_332 : memref<1x300xf32, #tpu.memory_space<vmem>> -> memref<300xf32, #tpu.memory_space<vmem>>
      %dma_start3A_334 = arith.constant 0 : i32
      %dma_start3A_335 = tpu.memref_slice %arg2[%squeeze3A_329, %dma_start3A_334] : memref<100000x300xf32, #tpu.memory_space<hbm>> -> memref<1x300xf32, #tpu.memory_space<hbm>>
      %dma_start3A_336 = tpu.memref_squeeze %dma_start3A_335 : memref<1x300xf32, #tpu.memory_space<hbm>> -> memref<300xf32, #tpu.memory_space<hbm>>
      %dma_start3A_337 = arith.constant 0 : i32
      %dma_start3A_338 = tpu.memref_slice %arg6[%dma_start3A_330, %dma_start3A_337] : memref<40x300xf32, #tpu.memory_space<vmem>> -> memref<1x300xf32, #tpu.memory_space<vmem>>
      %dma_start3A_339 = tpu.memref_squeeze %dma_start3A_338 : memref<1x300xf32, #tpu.memory_space<vmem>> -> memref<300xf32, #tpu.memory_space<vmem>>
      %dma_start3A_340 = arith.constant 0 : i32
      %dma_start3A_341 = tpu.memref_slice %arg2[%squeeze3A_329, %dma_start3A_340] : memref<100000x300xf32, #tpu.memory_space<hbm>> -> memref<1x300xf32, #tpu.memory_space<hbm>>
      %dma_start3A_342 = tpu.memref_squeeze %dma_start3A_341 : memref<1x300xf32, #tpu.memory_space<hbm>> -> memref<300xf32, #tpu.memory_space<hbm>>
      tpu.enqueue_dma source(%dma_start3A_342 : memref<300xf32, #tpu.memory_space<hbm>>) target(%dma_start3A_339 : memref<300xf32, #tpu.memory_space<vmem>>) target_semaphore(%arg7 : memref<!tpu.dma_semaphore, #tpu.memory_space<semaphore_mem>>)
      %get3A_343 = arith.constant 16 : index
      %get3A_344 = tpu.vector_load %arg5[%get3A_343] {strides = array<i32>} : memref<48xi32, #tpu.memory_space<vmem>>, vector<16xi32>,
      %get3A_345 = vector.shape_cast %get3A_344 : vector<16xi32> to vector<16xi32>
      %slice3A_346 = vector.extract_strided_slice %get3A_345 {offsets = [3], sizes = [1], strides = [1]} : vector<16xi32> to vector<1xi32>
      %squeeze3A_347 = vector.extract %slice3A_346[0] : i32 from vector<1xi32>
      %dma_start3A_348 = arith.constant 19 : i32
      %dma_start3A_349 = arith.constant 0 : i32
      %dma_start3A_350 = tpu.memref_slice %arg6[%dma_start3A_348, %dma_start3A_349] : memref<40x300xf32, #tpu.memory_space<vmem>> -> memref<1x300xf32, #tpu.memory_space<vmem>>
      %dma_start3A_351 = tpu.memref_squeeze %dma_start3A_350 : memref<1x300xf32, #tpu.memory_space<vmem>> -> memref<300xf32, #tpu.memory_space<vmem>>
      %dma_start3A_352 = arith.constant 0 : i32
      %dma_start3A_353 = tpu.memref_slice %arg2[%squeeze3A_347, %dma_start3A_352] : memref<100000x300xf32, #tpu.memory_space<hbm>> -> memref<1x300xf32, #tpu.memory_space<hbm>>
      %dma_start3A_354 = tpu.memref_squeeze %dma_start3A_353 : memref<1x300xf32, #tpu.memory_space<hbm>> -> memref<300xf32, #tpu.memory_space<hbm>>
      %dma_start3A_355 = arith.constant 0 : i32
      %dma_start3A_356 = tpu.memref_slice %arg6[%dma_start3A_348, %dma_start3A_355] : memref<40x300xf32, #tpu.memory_space<vmem>> -> memref<1x300xf32, #tpu.memory_space<vmem>>
      %dma_start3A_357 = tpu.memref_squeeze %dma_start3A_356 : memref<1x300xf32, #tpu.memory_space<vmem>> -> memref<300xf32, #tpu.memory_space<vmem>>
      %dma_start3A_358 = arith.constant 0 : i32
      %dma_start3A_359 = tpu.memref_slice %arg2[%squeeze3A_347, %dma_start3A_358] : memref<100000x300xf32, #tpu.memory_space<hbm>> -> memref<1x300xf32, #tpu.memory_space<hbm>>
      %dma_start3A_360 = tpu.memref_squeeze %dma_start3A_359 : memref<1x300xf32, #tpu.memory_space<hbm>> -> memref<300xf32, #tpu.memory_space<hbm>>
      tpu.enqueue_dma source(%dma_start3A_360 : memref<300xf32, #tpu.memory_space<hbm>>) target(%dma_start3A_357 : memref<300xf32, #tpu.memory_space<vmem>>) target_semaphore(%arg7 : memref<!tpu.dma_semaphore, #tpu.memory_space<semaphore_mem>>)
      %dma_wait3A = arith.constant 0 : i32
      %dma_wait3A_361 = arith.constant 0 : i32
      %dma_wait3A_362 = tpu.memref_slice %arg6[%dma_wait3A, %dma_wait3A_361] : memref<40x300xf32, #tpu.memory_space<vmem>> -> memref<1x300xf32, #tpu.memory_space<vmem>>
      %dma_wait3A_363 = tpu.memref_squeeze %dma_wait3A_362 : memref<1x300xf32, #tpu.memory_space<vmem>> -> memref<300xf32, #tpu.memory_space<vmem>>
      %dma_wait3A_364 = arith.constant 0 : i32
      %dma_wait3A_365 = tpu.memref_slice %arg2[%squeeze3A, %dma_wait3A_364] : memref<100000x300xf32, #tpu.memory_space<hbm>> -> memref<1x300xf32, #tpu.memory_space<hbm>>
      %dma_wait3A_366 = tpu.memref_squeeze %dma_wait3A_365 : memref<1x300xf32, #tpu.memory_space<hbm>> -> memref<300xf32, #tpu.memory_space<hbm>>
      %dma_wait3A_367 = arith.constant 0 : i32
      %dma_wait3A_368 = tpu.memref_slice %arg6[%dma_wait3A, %dma_wait3A_367] : memref<40x300xf32, #tpu.memory_space<vmem>> -> memref<1x300xf32, #tpu.memory_space<vmem>>
      %dma_wait3A_369 = tpu.memref_squeeze %dma_wait3A_368 : memref<1x300xf32, #tpu.memory_space<vmem>> -> memref<300xf32, #tpu.memory_space<vmem>>
      %dma_wait3A_370 = arith.constant 0 : i32
      %dma_wait3A_371 = tpu.memref_slice %arg2[%squeeze3A, %dma_wait3A_370] : memref<100000x300xf32, #tpu.memory_space<hbm>> -> memref<1x300xf32, #tpu.memory_space<hbm>>
      %dma_wait3A_372 = tpu.memref_squeeze %dma_wait3A_371 : memref<1x300xf32, #tpu.memory_space<hbm>> -> memref<300xf32, #tpu.memory_space<hbm>>
      tpu.wait_dma2 semaphore(%arg7 : memref<!tpu.dma_semaphore, #tpu.memory_space<semaphore_mem>>) src(%dma_wait3A_372 : memref<300xf32, #tpu.memory_space<hbm>>) dst(%dma_wait3A_369 : memref<300xf32, #tpu.memory_space<vmem>>)
      %dma_wait3A_373 = arith.constant 1 : i32
      %dma_wait3A_374 = arith.constant 0 : i32
      %dma_wait3A_375 = tpu.memref_slice %arg6[%dma_wait3A_373, %dma_wait3A_374] : memref<40x300xf32, #tpu.memory_space<vmem>> -> memref<1x300xf32, #tpu.memory_space<vmem>>
      %dma_wait3A_376 = tpu.memref_squeeze %dma_wait3A_375 : memref<1x300xf32, #tpu.memory_space<vmem>> -> memref<300xf32, #tpu.memory_space<vmem>>
      %dma_wait3A_377 = arith.constant 0 : i32
      %dma_wait3A_378 = tpu.memref_slice %arg2[%squeeze3A_23, %dma_wait3A_377] : memref<100000x300xf32, #tpu.memory_space<hbm>> -> memref<1x300xf32, #tpu.memory_space<hbm>>
      %dma_wait3A_379 = tpu.memref_squeeze %dma_wait3A_378 : memref<1x300xf32, #tpu.memory_space<hbm>> -> memref<300xf32, #tpu.memory_space<hbm>>
      %dma_wait3A_380 = arith.constant 0 : i32
      %dma_wait3A_381 = tpu.memref_slice %arg6[%dma_wait3A_373, %dma_wait3A_380] : memref<40x300xf32, #tpu.memory_space<vmem>> -> memref<1x300xf32, #tpu.memory_space<vmem>>
      %dma_wait3A_382 = tpu.memref_squeeze %dma_wait3A_381 : memref<1x300xf32, #tpu.memory_space<vmem>> -> memref<300xf32, #tpu.memory_space<vmem>>
      %dma_wait3A_383 = arith.constant 0 : i32
      %dma_wait3A_384 = tpu.memref_slice %arg2[%squeeze3A_23, %dma_wait3A_383] : memref<100000x300xf32, #tpu.memory_space<hbm>> -> memref<1x300xf32, #tpu.memory_space<hbm>>
      %dma_wait3A_385 = tpu.memref_squeeze %dma_wait3A_384 : memref<1x300xf32, #tpu.memory_space<hbm>> -> memref<300xf32, #tpu.memory_space<hbm>>
      tpu.wait_dma2 semaphore(%arg7 : memref<!tpu.dma_semaphore, #tpu.memory_space<semaphore_mem>>) src(%dma_wait3A_385 : memref<300xf32, #tpu.memory_space<hbm>>) dst(%dma_wait3A_382 : memref<300xf32, #tpu.memory_space<vmem>>)
      %dma_wait3A_386 = arith.constant 2 : i32
      %dma_wait3A_387 = arith.constant 0 : i32
      %dma_wait3A_388 = tpu.memref_slice %arg6[%dma_wait3A_386, %dma_wait3A_387] : memref<40x300xf32, #tpu.memory_space<vmem>> -> memref<1x300xf32, #tpu.memory_space<vmem>>
      %dma_wait3A_389 = tpu.memref_squeeze %dma_wait3A_388 : memref<1x300xf32, #tpu.memory_space<vmem>> -> memref<300xf32, #tpu.memory_space<vmem>>
      %dma_wait3A_390 = arith.constant 0 : i32
      %dma_wait3A_391 = tpu.memref_slice %arg2[%squeeze3A_41, %dma_wait3A_390] : memref<100000x300xf32, #tpu.memory_space<hbm>> -> memref<1x300xf32, #tpu.memory_space<hbm>>
      %dma_wait3A_392 = tpu.memref_squeeze %dma_wait3A_391 : memref<1x300xf32, #tpu.memory_space<hbm>> -> memref<300xf32, #tpu.memory_space<hbm>>
      %dma_wait3A_393 = arith.constant 0 : i32
      %dma_wait3A_394 = tpu.memref_slice %arg6[%dma_wait3A_386, %dma_wait3A_393] : memref<40x300xf32, #tpu.memory_space<vmem>> -> memref<1x300xf32, #tpu.memory_space<vmem>>
      %dma_wait3A_395 = tpu.memref_squeeze %dma_wait3A_394 : memref<1x300xf32, #tpu.memory_space<vmem>> -> memref<300xf32, #tpu.memory_space<vmem>>
      %dma_wait3A_396 = arith.constant 0 : i32
      %dma_wait3A_397 = tpu.memref_slice %arg2[%squeeze3A_41, %dma_wait3A_396] : memref<100000x300xf32, #tpu.memory_space<hbm>> -> memref<1x300xf32, #tpu.memory_space<hbm>>
      %dma_wait3A_398 = tpu.memref_squeeze %dma_wait3A_397 : memref<1x300xf32, #tpu.memory_space<hbm>> -> memref<300xf32, #tpu.memory_space<hbm>>
      tpu.wait_dma2 semaphore(%arg7 : memref<!tpu.dma_semaphore, #tpu.memory_space<semaphore_mem>>) src(%dma_wait3A_398 : memref<300xf32, #tpu.memory_space<hbm>>) dst(%dma_wait3A_395 : memref<300xf32, #tpu.memory_space<vmem>>)
      %dma_wait3A_399 = arith.constant 3 : i32
      %dma_wait3A_400 = arith.constant 0 : i32
      %dma_wait3A_401 = tpu.memref_slice %arg6[%dma_wait3A_399, %dma_wait3A_400] : memref<40x300xf32, #tpu.memory_space<vmem>> -> memref<1x300xf32, #tpu.memory_space<vmem>>
      %dma_wait3A_402 = tpu.memref_squeeze %dma_wait3A_401 : memref<1x300xf32, #tpu.memory_space<vmem>> -> memref<300xf32, #tpu.memory_space<vmem>>
      %dma_wait3A_403 = arith.constant 0 : i32
      %dma_wait3A_404 = tpu.memref_slice %arg2[%squeeze3A_59, %dma_wait3A_403] : memref<100000x300xf32, #tpu.memory_space<hbm>> -> memref<1x300xf32, #tpu.memory_space<hbm>>
      %dma_wait3A_405 = tpu.memref_squeeze %dma_wait3A_404 : memref<1x300xf32, #tpu.memory_space<hbm>> -> memref<300xf32, #tpu.memory_space<hbm>>
      %dma_wait3A_406 = arith.constant 0 : i32
      %dma_wait3A_407 = tpu.memref_slice %arg6[%dma_wait3A_399, %dma_wait3A_406] : memref<40x300xf32, #tpu.memory_space<vmem>> -> memref<1x300xf32, #tpu.memory_space<vmem>>
      %dma_wait3A_408 = tpu.memref_squeeze %dma_wait3A_407 : memref<1x300xf32, #tpu.memory_space<vmem>> -> memref<300xf32, #tpu.memory_space<vmem>>
      %dma_wait3A_409 = arith.constant 0 : i32
      %dma_wait3A_410 = tpu.memref_slice %arg2[%squeeze3A_59, %dma_wait3A_409] : memref<100000x300xf32, #tpu.memory_space<hbm>> -> memref<1x300xf32, #tpu.memory_space<hbm>>
      %dma_wait3A_411 = tpu.memref_squeeze %dma_wait3A_410 : memref<1x300xf32, #tpu.memory_space<hbm>> -> memref<300xf32, #tpu.memory_space<hbm>>
      tpu.wait_dma2 semaphore(%arg7 : memref<!tpu.dma_semaphore, #tpu.memory_space<semaphore_mem>>) src(%dma_wait3A_411 : memref<300xf32, #tpu.memory_space<hbm>>) dst(%dma_wait3A_408 : memref<300xf32, #tpu.memory_space<vmem>>)
      %dma_wait3A_412 = arith.constant 4 : i32
      %dma_wait3A_413 = arith.constant 0 : i32
      %dma_wait3A_414 = tpu.memref_slice %arg6[%dma_wait3A_412, %dma_wait3A_413] : memref<40x300xf32, #tpu.memory_space<vmem>> -> memref<1x300xf32, #tpu.memory_space<vmem>>
      %dma_wait3A_415 = tpu.memref_squeeze %dma_wait3A_414 : memref<1x300xf32, #tpu.memory_space<vmem>> -> memref<300xf32, #tpu.memory_space<vmem>>
      %dma_wait3A_416 = arith.constant 0 : i32
      %dma_wait3A_417 = tpu.memref_slice %arg2[%squeeze3A_77, %dma_wait3A_416] : memref<100000x300xf32, #tpu.memory_space<hbm>> -> memref<1x300xf32, #tpu.memory_space<hbm>>
      %dma_wait3A_418 = tpu.memref_squeeze %dma_wait3A_417 : memref<1x300xf32, #tpu.memory_space<hbm>> -> memref<300xf32, #tpu.memory_space<hbm>>
      %dma_wait3A_419 = arith.constant 0 : i32
      %dma_wait3A_420 = tpu.memref_slice %arg6[%dma_wait3A_412, %dma_wait3A_419] : memref<40x300xf32, #tpu.memory_space<vmem>> -> memref<1x300xf32, #tpu.memory_space<vmem>>
      %dma_wait3A_421 = tpu.memref_squeeze %dma_wait3A_420 : memref<1x300xf32, #tpu.memory_space<vmem>> -> memref<300xf32, #tpu.memory_space<vmem>>
      %dma_wait3A_422 = arith.constant 0 : i32
      %dma_wait3A_423 = tpu.memref_slice %arg2[%squeeze3A_77, %dma_wait3A_422] : memref<100000x300xf32, #tpu.memory_space<hbm>> -> memref<1x300xf32, #tpu.memory_space<hbm>>
      %dma_wait3A_424 = tpu.memref_squeeze %dma_wait3A_423 : memref<1x300xf32, #tpu.memory_space<hbm>> -> memref<300xf32, #tpu.memory_space<hbm>>
      tpu.wait_dma2 semaphore(%arg7 : memref<!tpu.dma_semaphore, #tpu.memory_space<semaphore_mem>>) src(%dma_wait3A_424 : memref<300xf32, #tpu.memory_space<hbm>>) dst(%dma_wait3A_421 : memref<300xf32, #tpu.memory_space<vmem>>)
      %dma_wait3A_425 = arith.constant 5 : i32
      %dma_wait3A_426 = arith.constant 0 : i32
      %dma_wait3A_427 = tpu.memref_slice %arg6[%dma_wait3A_425, %dma_wait3A_426] : memref<40x300xf32, #tpu.memory_space<vmem>> -> memref<1x300xf32, #tpu.memory_space<vmem>>
      %dma_wait3A_428 = tpu.memref_squeeze %dma_wait3A_427 : memref<1x300xf32, #tpu.memory_space<vmem>> -> memref<300xf32, #tpu.memory_space<vmem>>
      %dma_wait3A_429 = arith.constant 0 : i32
      %dma_wait3A_430 = tpu.memref_slice %arg2[%squeeze3A_95, %dma_wait3A_429] : memref<100000x300xf32, #tpu.memory_space<hbm>> -> memref<1x300xf32, #tpu.memory_space<hbm>>
      %dma_wait3A_431 = tpu.memref_squeeze %dma_wait3A_430 : memref<1x300xf32, #tpu.memory_space<hbm>> -> memref<300xf32, #tpu.memory_space<hbm>>
      %dma_wait3A_432 = arith.constant 0 : i32
      %dma_wait3A_433 = tpu.memref_slice %arg6[%dma_wait3A_425, %dma_wait3A_432] : memref<40x300xf32, #tpu.memory_space<vmem>> -> memref<1x300xf32, #tpu.memory_space<vmem>>
      %dma_wait3A_434 = tpu.memref_squeeze %dma_wait3A_433 : memref<1x300xf32, #tpu.memory_space<vmem>> -> memref<300xf32, #tpu.memory_space<vmem>>
      %dma_wait3A_435 = arith.constant 0 : i32
      %dma_wait3A_436 = tpu.memref_slice %arg2[%squeeze3A_95, %dma_wait3A_435] : memref<100000x300xf32, #tpu.memory_space<hbm>> -> memref<1x300xf32, #tpu.memory_space<hbm>>
      %dma_wait3A_437 = tpu.memref_squeeze %dma_wait3A_436 : memref<1x300xf32, #tpu.memory_space<hbm>> -> memref<300xf32, #tpu.memory_space<hbm>>
      tpu.wait_dma2 semaphore(%arg7 : memref<!tpu.dma_semaphore, #tpu.memory_space<semaphore_mem>>) src(%dma_wait3A_437 : memref<300xf32, #tpu.memory_space<hbm>>) dst(%dma_wait3A_434 : memref<300xf32, #tpu.memory_space<vmem>>)
      %dma_wait3A_438 = arith.constant 6 : i32
      %dma_wait3A_439 = arith.constant 0 : i32
      %dma_wait3A_440 = tpu.memref_slice %arg6[%dma_wait3A_438, %dma_wait3A_439] : memref<40x300xf32, #tpu.memory_space<vmem>> -> memref<1x300xf32, #tpu.memory_space<vmem>>
      %dma_wait3A_441 = tpu.memref_squeeze %dma_wait3A_440 : memref<1x300xf32, #tpu.memory_space<vmem>> -> memref<300xf32, #tpu.memory_space<vmem>>
      %dma_wait3A_442 = arith.constant 0 : i32
      %dma_wait3A_443 = tpu.memref_slice %arg2[%squeeze3A_113, %dma_wait3A_442] : memref<100000x300xf32, #tpu.memory_space<hbm>> -> memref<1x300xf32, #tpu.memory_space<hbm>>
      %dma_wait3A_444 = tpu.memref_squeeze %dma_wait3A_443 : memref<1x300xf32, #tpu.memory_space<hbm>> -> memref<300xf32, #tpu.memory_space<hbm>>
      %dma_wait3A_445 = arith.constant 0 : i32
      %dma_wait3A_446 = tpu.memref_slice %arg6[%dma_wait3A_438, %dma_wait3A_445] : memref<40x300xf32, #tpu.memory_space<vmem>> -> memref<1x300xf32, #tpu.memory_space<vmem>>
      %dma_wait3A_447 = tpu.memref_squeeze %dma_wait3A_446 : memref<1x300xf32, #tpu.memory_space<vmem>> -> memref<300xf32, #tpu.memory_space<vmem>>
      %dma_wait3A_448 = arith.constant 0 : i32
      %dma_wait3A_449 = tpu.memref_slice %arg2[%squeeze3A_113, %dma_wait3A_448] : memref<100000x300xf32, #tpu.memory_space<hbm>> -> memref<1x300xf32, #tpu.memory_space<hbm>>
      %dma_wait3A_450 = tpu.memref_squeeze %dma_wait3A_449 : memref<1x300xf32, #tpu.memory_space<hbm>> -> memref<300xf32, #tpu.memory_space<hbm>>
      tpu.wait_dma2 semaphore(%arg7 : memref<!tpu.dma_semaphore, #tpu.memory_space<semaphore_mem>>) src(%dma_wait3A_450 : memref<300xf32, #tpu.memory_space<hbm>>) dst(%dma_wait3A_447 : memref<300xf32, #tpu.memory_space<vmem>>)
      %dma_wait3A_451 = arith.constant 7 : i32
      %dma_wait3A_452 = arith.constant 0 : i32
      %dma_wait3A_453 = tpu.memref_slice %arg6[%dma_wait3A_451, %dma_wait3A_452] : memref<40x300xf32, #tpu.memory_space<vmem>> -> memref<1x300xf32, #tpu.memory_space<vmem>>
      %dma_wait3A_454 = tpu.memref_squeeze %dma_wait3A_453 : memref<1x300xf32, #tpu.memory_space<vmem>> -> memref<300xf32, #tpu.memory_space<vmem>>
      %dma_wait3A_455 = arith.constant 0 : i32
      %dma_wait3A_456 = tpu.memref_slice %arg2[%squeeze3A_131, %dma_wait3A_455] : memref<100000x300xf32, #tpu.memory_space<hbm>> -> memref<1x300xf32, #tpu.memory_space<hbm>>
      %dma_wait3A_457 = tpu.memref_squeeze %dma_wait3A_456 : memref<1x300xf32, #tpu.memory_space<hbm>> -> memref<300xf32, #tpu.memory_space<hbm>>
      %dma_wait3A_458 = arith.constant 0 : i32
      %dma_wait3A_459 = tpu.memref_slice %arg6[%dma_wait3A_451, %dma_wait3A_458] : memref<40x300xf32, #tpu.memory_space<vmem>> -> memref<1x300xf32, #tpu.memory_space<vmem>>
      %dma_wait3A_460 = tpu.memref_squeeze %dma_wait3A_459 : memref<1x300xf32, #tpu.memory_space<vmem>> -> memref<300xf32, #tpu.memory_space<vmem>>
      %dma_wait3A_461 = arith.constant 0 : i32
      %dma_wait3A_462 = tpu.memref_slice %arg2[%squeeze3A_131, %dma_wait3A_461] : memref<100000x300xf32, #tpu.memory_space<hbm>> -> memref<1x300xf32, #tpu.memory_space<hbm>>
      %dma_wait3A_463 = tpu.memref_squeeze %dma_wait3A_462 : memref<1x300xf32, #tpu.memory_space<hbm>> -> memref<300xf32, #tpu.memory_space<hbm>>
      tpu.wait_dma2 semaphore(%arg7 : memref<!tpu.dma_semaphore, #tpu.memory_space<semaphore_mem>>) src(%dma_wait3A_463 : memref<300xf32, #tpu.memory_space<hbm>>) dst(%dma_wait3A_460 : memref<300xf32, #tpu.memory_space<vmem>>)
      %dma_wait3A_464 = arith.constant 8 : i32
      %dma_wait3A_465 = arith.constant 0 : i32
      %dma_wait3A_466 = tpu.memref_slice %arg6[%dma_wait3A_464, %dma_wait3A_465] : memref<40x300xf32, #tpu.memory_space<vmem>> -> memref<1x300xf32, #tpu.memory_space<vmem>>
      %dma_wait3A_467 = tpu.memref_squeeze %dma_wait3A_466 : memref<1x300xf32, #tpu.memory_space<vmem>> -> memref<300xf32, #tpu.memory_space<vmem>>
      %dma_wait3A_468 = arith.constant 0 : i32
      %dma_wait3A_469 = tpu.memref_slice %arg2[%squeeze3A_149, %dma_wait3A_468] : memref<100000x300xf32, #tpu.memory_space<hbm>> -> memref<1x300xf32, #tpu.memory_space<hbm>>
      %dma_wait3A_470 = tpu.memref_squeeze %dma_wait3A_469 : memref<1x300xf32, #tpu.memory_space<hbm>> -> memref<300xf32, #tpu.memory_space<hbm>>
      %dma_wait3A_471 = arith.constant 0 : i32
      %dma_wait3A_472 = tpu.memref_slice %arg6[%dma_wait3A_464, %dma_wait3A_471] : memref<40x300xf32, #tpu.memory_space<vmem>> -> memref<1x300xf32, #tpu.memory_space<vmem>>
      %dma_wait3A_473 = tpu.memref_squeeze %dma_wait3A_472 : memref<1x300xf32, #tpu.memory_space<vmem>> -> memref<300xf32, #tpu.memory_space<vmem>>
      %dma_wait3A_474 = arith.constant 0 : i32
      %dma_wait3A_475 = tpu.memref_slice %arg2[%squeeze3A_149, %dma_wait3A_474] : memref<100000x300xf32, #tpu.memory_space<hbm>> -> memref<1x300xf32, #tpu.memory_space<hbm>>
      %dma_wait3A_476 = tpu.memref_squeeze %dma_wait3A_475 : memref<1x300xf32, #tpu.memory_space<hbm>> -> memref<300xf32, #tpu.memory_space<hbm>>
      tpu.wait_dma2 semaphore(%arg7 : memref<!tpu.dma_semaphore, #tpu.memory_space<semaphore_mem>>) src(%dma_wait3A_476 : memref<300xf32, #tpu.memory_space<hbm>>) dst(%dma_wait3A_473 : memref<300xf32, #tpu.memory_space<vmem>>)
      %dma_wait3A_477 = arith.constant 9 : i32
      %dma_wait3A_478 = arith.constant 0 : i32
      %dma_wait3A_479 = tpu.memref_slice %arg6[%dma_wait3A_477, %dma_wait3A_478] : memref<40x300xf32, #tpu.memory_space<vmem>> -> memref<1x300xf32, #tpu.memory_space<vmem>>
      %dma_wait3A_480 = tpu.memref_squeeze %dma_wait3A_479 : memref<1x300xf32, #tpu.memory_space<vmem>> -> memref<300xf32, #tpu.memory_space<vmem>>
      %dma_wait3A_481 = arith.constant 0 : i32
      %dma_wait3A_482 = tpu.memref_slice %arg2[%squeeze3A_167, %dma_wait3A_481] : memref<100000x300xf32, #tpu.memory_space<hbm>> -> memref<1x300xf32, #tpu.memory_space<hbm>>
      %dma_wait3A_483 = tpu.memref_squeeze %dma_wait3A_482 : memref<1x300xf32, #tpu.memory_space<hbm>> -> memref<300xf32, #tpu.memory_space<hbm>>
      %dma_wait3A_484 = arith.constant 0 : i32
      %dma_wait3A_485 = tpu.memref_slice %arg6[%dma_wait3A_477, %dma_wait3A_484] : memref<40x300xf32, #tpu.memory_space<vmem>> -> memref<1x300xf32, #tpu.memory_space<vmem>>
      %dma_wait3A_486 = tpu.memref_squeeze %dma_wait3A_485 : memref<1x300xf32, #tpu.memory_space<vmem>> -> memref<300xf32, #tpu.memory_space<vmem>>
      %dma_wait3A_487 = arith.constant 0 : i32
      %dma_wait3A_488 = tpu.memref_slice %arg2[%squeeze3A_167, %dma_wait3A_487] : memref<100000x300xf32, #tpu.memory_space<hbm>> -> memref<1x300xf32, #tpu.memory_space<hbm>>
      %dma_wait3A_489 = tpu.memref_squeeze %dma_wait3A_488 : memref<1x300xf32, #tpu.memory_space<hbm>> -> memref<300xf32, #tpu.memory_space<hbm>>
      tpu.wait_dma2 semaphore(%arg7 : memref<!tpu.dma_semaphore, #tpu.memory_space<semaphore_mem>>) src(%dma_wait3A_489 : memref<300xf32, #tpu.memory_space<hbm>>) dst(%dma_wait3A_486 : memref<300xf32, #tpu.memory_space<vmem>>)
      %dma_wait3A_490 = arith.constant 10 : i32
      %dma_wait3A_491 = arith.constant 0 : i32
      %dma_wait3A_492 = tpu.memref_slice %arg6[%dma_wait3A_490, %dma_wait3A_491] : memref<40x300xf32, #tpu.memory_space<vmem>> -> memref<1x300xf32, #tpu.memory_space<vmem>>
      %dma_wait3A_493 = tpu.memref_squeeze %dma_wait3A_492 : memref<1x300xf32, #tpu.memory_space<vmem>> -> memref<300xf32, #tpu.memory_space<vmem>>
      %dma_wait3A_494 = arith.constant 0 : i32
      %dma_wait3A_495 = tpu.memref_slice %arg2[%squeeze3A_185, %dma_wait3A_494] : memref<100000x300xf32, #tpu.memory_space<hbm>> -> memref<1x300xf32, #tpu.memory_space<hbm>>
      %dma_wait3A_496 = tpu.memref_squeeze %dma_wait3A_495 : memref<1x300xf32, #tpu.memory_space<hbm>> -> memref<300xf32, #tpu.memory_space<hbm>>
      %dma_wait3A_497 = arith.constant 0 : i32
      %dma_wait3A_498 = tpu.memref_slice %arg6[%dma_wait3A_490, %dma_wait3A_497] : memref<40x300xf32, #tpu.memory_space<vmem>> -> memref<1x300xf32, #tpu.memory_space<vmem>>
      %dma_wait3A_499 = tpu.memref_squeeze %dma_wait3A_498 : memref<1x300xf32, #tpu.memory_space<vmem>> -> memref<300xf32, #tpu.memory_space<vmem>>
      %dma_wait3A_500 = arith.constant 0 : i32
      %dma_wait3A_501 = tpu.memref_slice %arg2[%squeeze3A_185, %dma_wait3A_500] : memref<100000x300xf32, #tpu.memory_space<hbm>> -> memref<1x300xf32, #tpu.memory_space<hbm>>
      %dma_wait3A_502 = tpu.memref_squeeze %dma_wait3A_501 : memref<1x300xf32, #tpu.memory_space<hbm>> -> memref<300xf32, #tpu.memory_space<hbm>>
      tpu.wait_dma2 semaphore(%arg7 : memref<!tpu.dma_semaphore, #tpu.memory_space<semaphore_mem>>) src(%dma_wait3A_502 : memref<300xf32, #tpu.memory_space<hbm>>) dst(%dma_wait3A_499 : memref<300xf32, #tpu.memory_space<vmem>>)
      %dma_wait3A_503 = arith.constant 11 : i32
      %dma_wait3A_504 = arith.constant 0 : i32
      %dma_wait3A_505 = tpu.memref_slice %arg6[%dma_wait3A_503, %dma_wait3A_504] : memref<40x300xf32, #tpu.memory_space<vmem>> -> memref<1x300xf32, #tpu.memory_space<vmem>>
      %dma_wait3A_506 = tpu.memref_squeeze %dma_wait3A_505 : memref<1x300xf32, #tpu.memory_space<vmem>> -> memref<300xf32, #tpu.memory_space<vmem>>
      %dma_wait3A_507 = arith.constant 0 : i32
      %dma_wait3A_508 = tpu.memref_slice %arg2[%squeeze3A_203, %dma_wait3A_507] : memref<100000x300xf32, #tpu.memory_space<hbm>> -> memref<1x300xf32, #tpu.memory_space<hbm>>
      %dma_wait3A_509 = tpu.memref_squeeze %dma_wait3A_508 : memref<1x300xf32, #tpu.memory_space<hbm>> -> memref<300xf32, #tpu.memory_space<hbm>>
      %dma_wait3A_510 = arith.constant 0 : i32
      %dma_wait3A_511 = tpu.memref_slice %arg6[%dma_wait3A_503, %dma_wait3A_510] : memref<40x300xf32, #tpu.memory_space<vmem>> -> memref<1x300xf32, #tpu.memory_space<vmem>>
      %dma_wait3A_512 = tpu.memref_squeeze %dma_wait3A_511 : memref<1x300xf32, #tpu.memory_space<vmem>> -> memref<300xf32, #tpu.memory_space<vmem>>
      %dma_wait3A_513 = arith.constant 0 : i32
      %dma_wait3A_514 = tpu.memref_slice %arg2[%squeeze3A_203, %dma_wait3A_513] : memref<100000x300xf32, #tpu.memory_space<hbm>> -> memref<1x300xf32, #tpu.memory_space<hbm>>
      %dma_wait3A_515 = tpu.memref_squeeze %dma_wait3A_514 : memref<1x300xf32, #tpu.memory_space<hbm>> -> memref<300xf32, #tpu.memory_space<hbm>>
      tpu.wait_dma2 semaphore(%arg7 : memref<!tpu.dma_semaphore, #tpu.memory_space<semaphore_mem>>) src(%dma_wait3A_515 : memref<300xf32, #tpu.memory_space<hbm>>) dst(%dma_wait3A_512 : memref<300xf32, #tpu.memory_space<vmem>>)
      %dma_wait3A_516 = arith.constant 12 : i32
      %dma_wait3A_517 = arith.constant 0 : i32
      %dma_wait3A_518 = tpu.memref_slice %arg6[%dma_wait3A_516, %dma_wait3A_517] : memref<40x300xf32, #tpu.memory_space<vmem>> -> memref<1x300xf32, #tpu.memory_space<vmem>>
      %dma_wait3A_519 = tpu.memref_squeeze %dma_wait3A_518 : memref<1x300xf32, #tpu.memory_space<vmem>> -> memref<300xf32, #tpu.memory_space<vmem>>
      %dma_wait3A_520 = arith.constant 0 : i32
      %dma_wait3A_521 = tpu.memref_slice %arg2[%squeeze3A_221, %dma_wait3A_520] : memref<100000x300xf32, #tpu.memory_space<hbm>> -> memref<1x300xf32, #tpu.memory_space<hbm>>
      %dma_wait3A_522 = tpu.memref_squeeze %dma_wait3A_521 : memref<1x300xf32, #tpu.memory_space<hbm>> -> memref<300xf32, #tpu.memory_space<hbm>>
      %dma_wait3A_523 = arith.constant 0 : i32
      %dma_wait3A_524 = tpu.memref_slice %arg6[%dma_wait3A_516, %dma_wait3A_523] : memref<40x300xf32, #tpu.memory_space<vmem>> -> memref<1x300xf32, #tpu.memory_space<vmem>>
      %dma_wait3A_525 = tpu.memref_squeeze %dma_wait3A_524 : memref<1x300xf32, #tpu.memory_space<vmem>> -> memref<300xf32, #tpu.memory_space<vmem>>
      %dma_wait3A_526 = arith.constant 0 : i32
      %dma_wait3A_527 = tpu.memref_slice %arg2[%squeeze3A_221, %dma_wait3A_526] : memref<100000x300xf32, #tpu.memory_space<hbm>> -> memref<1x300xf32, #tpu.memory_space<hbm>>
      %dma_wait3A_528 = tpu.memref_squeeze %dma_wait3A_527 : memref<1x300xf32, #tpu.memory_space<hbm>> -> memref<300xf32, #tpu.memory_space<hbm>>
      tpu.wait_dma2 semaphore(%arg7 : memref<!tpu.dma_semaphore, #tpu.memory_space<semaphore_mem>>) src(%dma_wait3A_528 : memref<300xf32, #tpu.memory_space<hbm>>) dst(%dma_wait3A_525 : memref<300xf32, #tpu.memory_space<vmem>>)
      %dma_wait3A_529 = arith.constant 13 : i32
      %dma_wait3A_530 = arith.constant 0 : i32
      %dma_wait3A_531 = tpu.memref_slice %arg6[%dma_wait3A_529, %dma_wait3A_530] : memref<40x300xf32, #tpu.memory_space<vmem>> -> memref<1x300xf32, #tpu.memory_space<vmem>>
      %dma_wait3A_532 = tpu.memref_squeeze %dma_wait3A_531 : memref<1x300xf32, #tpu.memory_space<vmem>> -> memref<300xf32, #tpu.memory_space<vmem>>
      %dma_wait3A_533 = arith.constant 0 : i32
      %dma_wait3A_534 = tpu.memref_slice %arg2[%squeeze3A_239, %dma_wait3A_533] : memref<100000x300xf32, #tpu.memory_space<hbm>> -> memref<1x300xf32, #tpu.memory_space<hbm>>
      %dma_wait3A_535 = tpu.memref_squeeze %dma_wait3A_534 : memref<1x300xf32, #tpu.memory_space<hbm>> -> memref<300xf32, #tpu.memory_space<hbm>>
      %dma_wait3A_536 = arith.constant 0 : i32
      %dma_wait3A_537 = tpu.memref_slice %arg6[%dma_wait3A_529, %dma_wait3A_536] : memref<40x300xf32, #tpu.memory_space<vmem>> -> memref<1x300xf32, #tpu.memory_space<vmem>>
      %dma_wait3A_538 = tpu.memref_squeeze %dma_wait3A_537 : memref<1x300xf32, #tpu.memory_space<vmem>> -> memref<300xf32, #tpu.memory_space<vmem>>
      %dma_wait3A_539 = arith.constant 0 : i32
      %dma_wait3A_540 = tpu.memref_slice %arg2[%squeeze3A_239, %dma_wait3A_539] : memref<100000x300xf32, #tpu.memory_space<hbm>> -> memref<1x300xf32, #tpu.memory_space<hbm>>
      %dma_wait3A_541 = tpu.memref_squeeze %dma_wait3A_540 : memref<1x300xf32, #tpu.memory_space<hbm>> -> memref<300xf32, #tpu.memory_space<hbm>>
      tpu.wait_dma2 semaphore(%arg7 : memref<!tpu.dma_semaphore, #tpu.memory_space<semaphore_mem>>) src(%dma_wait3A_541 : memref<300xf32, #tpu.memory_space<hbm>>) dst(%dma_wait3A_538 : memref<300xf32, #tpu.memory_space<vmem>>)
      %dma_wait3A_542 = arith.constant 14 : i32
      %dma_wait3A_543 = arith.constant 0 : i32
      %dma_wait3A_544 = tpu.memref_slice %arg6[%dma_wait3A_542, %dma_wait3A_543] : memref<40x300xf32, #tpu.memory_space<vmem>> -> memref<1x300xf32, #tpu.memory_space<vmem>>
      %dma_wait3A_545 = tpu.memref_squeeze %dma_wait3A_544 : memref<1x300xf32, #tpu.memory_space<vmem>> -> memref<300xf32, #tpu.memory_space<vmem>>
      %dma_wait3A_546 = arith.constant 0 : i32
      %dma_wait3A_547 = tpu.memref_slice %arg2[%squeeze3A_257, %dma_wait3A_546] : memref<100000x300xf32, #tpu.memory_space<hbm>> -> memref<1x300xf32, #tpu.memory_space<hbm>>
      %dma_wait3A_548 = tpu.memref_squeeze %dma_wait3A_547 : memref<1x300xf32, #tpu.memory_space<hbm>> -> memref<300xf32, #tpu.memory_space<hbm>>
      %dma_wait3A_549 = arith.constant 0 : i32
      %dma_wait3A_550 = tpu.memref_slice %arg6[%dma_wait3A_542, %dma_wait3A_549] : memref<40x300xf32, #tpu.memory_space<vmem>> -> memref<1x300xf32, #tpu.memory_space<vmem>>
      %dma_wait3A_551 = tpu.memref_squeeze %dma_wait3A_550 : memref<1x300xf32, #tpu.memory_space<vmem>> -> memref<300xf32, #tpu.memory_space<vmem>>
      %dma_wait3A_552 = arith.constant 0 : i32
      %dma_wait3A_553 = tpu.memref_slice %arg2[%squeeze3A_257, %dma_wait3A_552] : memref<100000x300xf32, #tpu.memory_space<hbm>> -> memref<1x300xf32, #tpu.memory_space<hbm>>
      %dma_wait3A_554 = tpu.memref_squeeze %dma_wait3A_553 : memref<1x300xf32, #tpu.memory_space<hbm>> -> memref<300xf32, #tpu.memory_space<hbm>>
      tpu.wait_dma2 semaphore(%arg7 : memref<!tpu.dma_semaphore, #tpu.memory_space<semaphore_mem>>) src(%dma_wait3A_554 : memref<300xf32, #tpu.memory_space<hbm>>) dst(%dma_wait3A_551 : memref<300xf32, #tpu.memory_space<vmem>>)
      %dma_wait3A_555 = arith.constant 15 : i32
      %dma_wait3A_556 = arith.constant 0 : i32
      %dma_wait3A_557 = tpu.memref_slice %arg6[%dma_wait3A_555, %dma_wait3A_556] : memref<40x300xf32, #tpu.memory_space<vmem>> -> memref<1x300xf32, #tpu.memory_space<vmem>>
      %dma_wait3A_558 = tpu.memref_squeeze %dma_wait3A_557 : memref<1x300xf32, #tpu.memory_space<vmem>> -> memref<300xf32, #tpu.memory_space<vmem>>
      %dma_wait3A_559 = arith.constant 0 : i32
      %dma_wait3A_560 = tpu.memref_slice %arg2[%squeeze3A_275, %dma_wait3A_559] : memref<100000x300xf32, #tpu.memory_space<hbm>> -> memref<1x300xf32, #tpu.memory_space<hbm>>
      %dma_wait3A_561 = tpu.memref_squeeze %dma_wait3A_560 : memref<1x300xf32, #tpu.memory_space<hbm>> -> memref<300xf32, #tpu.memory_space<hbm>>
      %dma_wait3A_562 = arith.constant 0 : i32
      %dma_wait3A_563 = tpu.memref_slice %arg6[%dma_wait3A_555, %dma_wait3A_562] : memref<40x300xf32, #tpu.memory_space<vmem>> -> memref<1x300xf32, #tpu.memory_space<vmem>>
      %dma_wait3A_564 = tpu.memref_squeeze %dma_wait3A_563 : memref<1x300xf32, #tpu.memory_space<vmem>> -> memref<300xf32, #tpu.memory_space<vmem>>
      %dma_wait3A_565 = arith.constant 0 : i32
      %dma_wait3A_566 = tpu.memref_slice %arg2[%squeeze3A_275, %dma_wait3A_565] : memref<100000x300xf32, #tpu.memory_space<hbm>> -> memref<1x300xf32, #tpu.memory_space<hbm>>
      %dma_wait3A_567 = tpu.memref_squeeze %dma_wait3A_566 : memref<1x300xf32, #tpu.memory_space<hbm>> -> memref<300xf32, #tpu.memory_space<hbm>>
      tpu.wait_dma2 semaphore(%arg7 : memref<!tpu.dma_semaphore, #tpu.memory_space<semaphore_mem>>) src(%dma_wait3A_567 : memref<300xf32, #tpu.memory_space<hbm>>) dst(%dma_wait3A_564 : memref<300xf32, #tpu.memory_space<vmem>>)
      %dma_wait3A_568 = arith.constant 16 : i32
      %dma_wait3A_569 = arith.constant 0 : i32
      %dma_wait3A_570 = tpu.memref_slice %arg6[%dma_wait3A_568, %dma_wait3A_569] : memref<40x300xf32, #tpu.memory_space<vmem>> -> memref<1x300xf32, #tpu.memory_space<vmem>>
      %dma_wait3A_571 = tpu.memref_squeeze %dma_wait3A_570 : memref<1x300xf32, #tpu.memory_space<vmem>> -> memref<300xf32, #tpu.memory_space<vmem>>
      %dma_wait3A_572 = arith.constant 0 : i32
      %dma_wait3A_573 = tpu.memref_slice %arg2[%squeeze3A_293, %dma_wait3A_572] : memref<100000x300xf32, #tpu.memory_space<hbm>> -> memref<1x300xf32, #tpu.memory_space<hbm>>
      %dma_wait3A_574 = tpu.memref_squeeze %dma_wait3A_573 : memref<1x300xf32, #tpu.memory_space<hbm>> -> memref<300xf32, #tpu.memory_space<hbm>>
      %dma_wait3A_575 = arith.constant 0 : i32
      %dma_wait3A_576 = tpu.memref_slice %arg6[%dma_wait3A_568, %dma_wait3A_575] : memref<40x300xf32, #tpu.memory_space<vmem>> -> memref<1x300xf32, #tpu.memory_space<vmem>>
      %dma_wait3A_577 = tpu.memref_squeeze %dma_wait3A_576 : memref<1x300xf32, #tpu.memory_space<vmem>> -> memref<300xf32, #tpu.memory_space<vmem>>
      %dma_wait3A_578 = arith.constant 0 : i32
      %dma_wait3A_579 = tpu.memref_slice %arg2[%squeeze3A_293, %dma_wait3A_578] : memref<100000x300xf32, #tpu.memory_space<hbm>> -> memref<1x300xf32, #tpu.memory_space<hbm>>
      %dma_wait3A_580 = tpu.memref_squeeze %dma_wait3A_579 : memref<1x300xf32, #tpu.memory_space<hbm>> -> memref<300xf32, #tpu.memory_space<hbm>>
      tpu.wait_dma2 semaphore(%arg7 : memref<!tpu.dma_semaphore, #tpu.memory_space<semaphore_mem>>) src(%dma_wait3A_580 : memref<300xf32, #tpu.memory_space<hbm>>) dst(%dma_wait3A_577 : memref<300xf32, #tpu.memory_space<vmem>>)
      %dma_wait3A_581 = arith.constant 17 : i32
      %dma_wait3A_582 = arith.constant 0 : i32
      %dma_wait3A_583 = tpu.memref_slice %arg6[%dma_wait3A_581, %dma_wait3A_582] : memref<40x300xf32, #tpu.memory_space<vmem>> -> memref<1x300xf32, #tpu.memory_space<vmem>>
      %dma_wait3A_584 = tpu.memref_squeeze %dma_wait3A_583 : memref<1x300xf32, #tpu.memory_space<vmem>> -> memref<300xf32, #tpu.memory_space<vmem>>
      %dma_wait3A_585 = arith.constant 0 : i32
      %dma_wait3A_586 = tpu.memref_slice %arg2[%squeeze3A_311, %dma_wait3A_585] : memref<100000x300xf32, #tpu.memory_space<hbm>> -> memref<1x300xf32, #tpu.memory_space<hbm>>
      %dma_wait3A_587 = tpu.memref_squeeze %dma_wait3A_586 : memref<1x300xf32, #tpu.memory_space<hbm>> -> memref<300xf32, #tpu.memory_space<hbm>>
      %dma_wait3A_588 = arith.constant 0 : i32
      %dma_wait3A_589 = tpu.memref_slice %arg6[%dma_wait3A_581, %dma_wait3A_588] : memref<40x300xf32, #tpu.memory_space<vmem>> -> memref<1x300xf32, #tpu.memory_space<vmem>>
      %dma_wait3A_590 = tpu.memref_squeeze %dma_wait3A_589 : memref<1x300xf32, #tpu.memory_space<vmem>> -> memref<300xf32, #tpu.memory_space<vmem>>
      %dma_wait3A_591 = arith.constant 0 : i32
      %dma_wait3A_592 = tpu.memref_slice %arg2[%squeeze3A_311, %dma_wait3A_591] : memref<100000x300xf32, #tpu.memory_space<hbm>> -> memref<1x300xf32, #tpu.memory_space<hbm>>
      %dma_wait3A_593 = tpu.memref_squeeze %dma_wait3A_592 : memref<1x300xf32, #tpu.memory_space<hbm>> -> memref<300xf32, #tpu.memory_space<hbm>>
      tpu.wait_dma2 semaphore(%arg7 : memref<!tpu.dma_semaphore, #tpu.memory_space<semaphore_mem>>) src(%dma_wait3A_593 : memref<300xf32, #tpu.memory_space<hbm>>) dst(%dma_wait3A_590 : memref<300xf32, #tpu.memory_space<vmem>>)
      %dma_wait3A_594 = arith.constant 18 : i32
      %dma_wait3A_595 = arith.constant 0 : i32
      %dma_wait3A_596 = tpu.memref_slice %arg6[%dma_wait3A_594, %dma_wait3A_595] : memref<40x300xf32, #tpu.memory_space<vmem>> -> memref<1x300xf32, #tpu.memory_space<vmem>>
      %dma_wait3A_597 = tpu.memref_squeeze %dma_wait3A_596 : memref<1x300xf32, #tpu.memory_space<vmem>> -> memref<300xf32, #tpu.memory_space<vmem>>
      %dma_wait3A_598 = arith.constant 0 : i32
      %dma_wait3A_599 = tpu.memref_slice %arg2[%squeeze3A_329, %dma_wait3A_598] : memref<100000x300xf32, #tpu.memory_space<hbm>> -> memref<1x300xf32, #tpu.memory_space<hbm>>
      %dma_wait3A_600 = tpu.memref_squeeze %dma_wait3A_599 : memref<1x300xf32, #tpu.memory_space<hbm>> -> memref<300xf32, #tpu.memory_space<hbm>>
      %dma_wait3A_601 = arith.constant 0 : i32
      %dma_wait3A_602 = tpu.memref_slice %arg6[%dma_wait3A_594, %dma_wait3A_601] : memref<40x300xf32, #tpu.memory_space<vmem>> -> memref<1x300xf32, #tpu.memory_space<vmem>>
      %dma_wait3A_603 = tpu.memref_squeeze %dma_wait3A_602 : memref<1x300xf32, #tpu.memory_space<vmem>> -> memref<300xf32, #tpu.memory_space<vmem>>
      %dma_wait3A_604 = arith.constant 0 : i32
      %dma_wait3A_605 = tpu.memref_slice %arg2[%squeeze3A_329, %dma_wait3A_604] : memref<100000x300xf32, #tpu.memory_space<hbm>> -> memref<1x300xf32, #tpu.memory_space<hbm>>
      %dma_wait3A_606 = tpu.memref_squeeze %dma_wait3A_605 : memref<1x300xf32, #tpu.memory_space<hbm>> -> memref<300xf32, #tpu.memory_space<hbm>>
      tpu.wait_dma2 semaphore(%arg7 : memref<!tpu.dma_semaphore, #tpu.memory_space<semaphore_mem>>) src(%dma_wait3A_606 : memref<300xf32, #tpu.memory_space<hbm>>) dst(%dma_wait3A_603 : memref<300xf32, #tpu.memory_space<vmem>>)
      %dma_wait3A_607 = arith.constant 19 : i32
      %dma_wait3A_608 = arith.constant 0 : i32
      %dma_wait3A_609 = tpu.memref_slice %arg6[%dma_wait3A_607, %dma_wait3A_608] : memref<40x300xf32, #tpu.memory_space<vmem>> -> memref<1x300xf32, #tpu.memory_space<vmem>>
      %dma_wait3A_610 = tpu.memref_squeeze %dma_wait3A_609 : memref<1x300xf32, #tpu.memory_space<vmem>> -> memref<300xf32, #tpu.memory_space<vmem>>
      %dma_wait3A_611 = arith.constant 0 : i32
      %dma_wait3A_612 = tpu.memref_slice %arg2[%squeeze3A_347, %dma_wait3A_611] : memref<100000x300xf32, #tpu.memory_space<hbm>> -> memref<1x300xf32, #tpu.memory_space<hbm>>
      %dma_wait3A_613 = tpu.memref_squeeze %dma_wait3A_612 : memref<1x300xf32, #tpu.memory_space<hbm>> -> memref<300xf32, #tpu.memory_space<hbm>>
      %dma_wait3A_614 = arith.constant 0 : i32
      %dma_wait3A_615 = tpu.memref_slice %arg6[%dma_wait3A_607, %dma_wait3A_614] : memref<40x300xf32, #tpu.memory_space<vmem>> -> memref<1x300xf32, #tpu.memory_space<vmem>>
      %dma_wait3A_616 = tpu.memref_squeeze %dma_wait3A_615 : memref<1x300xf32, #tpu.memory_space<vmem>> -> memref<300xf32, #tpu.memory_space<vmem>>
      %dma_wait3A_617 = arith.constant 0 : i32
      %dma_wait3A_618 = tpu.memref_slice %arg2[%squeeze3A_347, %dma_wait3A_617] : memref<100000x300xf32, #tpu.memory_space<hbm>> -> memref<1x300xf32, #tpu.memory_space<hbm>>
      %dma_wait3A_619 = tpu.memref_squeeze %dma_wait3A_618 : memref<1x300xf32, #tpu.memory_space<hbm>> -> memref<300xf32, #tpu.memory_space<hbm>>
      tpu.wait_dma2 semaphore(%arg7 : memref<!tpu.dma_semaphore, #tpu.memory_space<semaphore_mem>>) src(%dma_wait3A_619 : memref<300xf32, #tpu.memory_space<hbm>>) dst(%dma_wait3A_616 : memref<300xf32, #tpu.memory_space<vmem>>)
      %get3A_620 = arith.constant 16 : index
      %get3A_621 = tpu.vector_load %arg5[%get3A_620] {strides = array<i32>} : memref<48xi32, #tpu.memory_space<vmem>>, vector<16xi32>,
      %get3A_622 = vector.shape_cast %get3A_621 : vector<16xi32> to vector<16xi32>
      %slice3A_623 = vector.extract_strided_slice %get3A_622 {offsets = [4], sizes = [1], strides = [1]} : vector<16xi32> to vector<1xi32>
      %squeeze3A_624 = vector.extract %slice3A_623[0] : i32 from vector<1xi32>
      %dma_start3A_625 = arith.constant 20 : i32
      %dma_start3A_626 = arith.constant 0 : i32
      %dma_start3A_627 = tpu.memref_slice %arg6[%dma_start3A_625, %dma_start3A_626] : memref<40x300xf32, #tpu.memory_space<vmem>> -> memref<1x300xf32, #tpu.memory_space<vmem>>
      %dma_start3A_628 = tpu.memref_squeeze %dma_start3A_627 : memref<1x300xf32, #tpu.memory_space<vmem>> -> memref<300xf32, #tpu.memory_space<vmem>>
      %dma_start3A_629 = arith.constant 0 : i32
      %dma_start3A_630 = tpu.memref_slice %arg2[%squeeze3A_624, %dma_start3A_629] : memref<100000x300xf32, #tpu.memory_space<hbm>> -> memref<1x300xf32, #tpu.memory_space<hbm>>
      %dma_start3A_631 = tpu.memref_squeeze %dma_start3A_630 : memref<1x300xf32, #tpu.memory_space<hbm>> -> memref<300xf32, #tpu.memory_space<hbm>>
      %dma_start3A_632 = arith.constant 0 : i32
      %dma_start3A_633 = tpu.memref_slice %arg6[%dma_start3A_625, %dma_start3A_632] : memref<40x300xf32, #tpu.memory_space<vmem>> -> memref<1x300xf32, #tpu.memory_space<vmem>>
      %dma_start3A_634 = tpu.memref_squeeze %dma_start3A_633 : memref<1x300xf32, #tpu.memory_space<vmem>> -> memref<300xf32, #tpu.memory_space<vmem>>
      %dma_start3A_635 = arith.constant 0 : i32
      %dma_start3A_636 = tpu.memref_slice %arg2[%squeeze3A_624, %dma_start3A_635] : memref<100000x300xf32, #tpu.memory_space<hbm>> -> memref<1x300xf32, #tpu.memory_space<hbm>>
      %dma_start3A_637 = tpu.memref_squeeze %dma_start3A_636 : memref<1x300xf32, #tpu.memory_space<hbm>> -> memref<300xf32, #tpu.memory_space<hbm>>
      tpu.enqueue_dma source(%dma_start3A_637 : memref<300xf32, #tpu.memory_space<hbm>>) target(%dma_start3A_634 : memref<300xf32, #tpu.memory_space<vmem>>) target_semaphore(%arg7 : memref<!tpu.dma_semaphore, #tpu.memory_space<semaphore_mem>>)
      %get3A_638 = arith.constant 16 : index
      %get3A_639 = tpu.vector_load %arg5[%get3A_638] {strides = array<i32>} : memref<48xi32, #tpu.memory_space<vmem>>, vector<16xi32>,
      %get3A_640 = vector.shape_cast %get3A_639 : vector<16xi32> to vector<16xi32>
      %slice3A_641 = vector.extract_strided_slice %get3A_640 {offsets = [5], sizes = [1], strides = [1]} : vector<16xi32> to vector<1xi32>
      %squeeze3A_642 = vector.extract %slice3A_641[0] : i32 from vector<1xi32>
      %dma_start3A_643 = arith.constant 21 : i32
      %dma_start3A_644 = arith.constant 0 : i32
      %dma_start3A_645 = tpu.memref_slice %arg6[%dma_start3A_643, %dma_start3A_644] : memref<40x300xf32, #tpu.memory_space<vmem>> -> memref<1x300xf32, #tpu.memory_space<vmem>>
      %dma_start3A_646 = tpu.memref_squeeze %dma_start3A_645 : memref<1x300xf32, #tpu.memory_space<vmem>> -> memref<300xf32, #tpu.memory_space<vmem>>
      %dma_start3A_647 = arith.constant 0 : i32
      %dma_start3A_648 = tpu.memref_slice %arg2[%squeeze3A_642, %dma_start3A_647] : memref<100000x300xf32, #tpu.memory_space<hbm>> -> memref<1x300xf32, #tpu.memory_space<hbm>>
      %dma_start3A_649 = tpu.memref_squeeze %dma_start3A_648 : memref<1x300xf32, #tpu.memory_space<hbm>> -> memref<300xf32, #tpu.memory_space<hbm>>
      %dma_start3A_650 = arith.constant 0 : i32
      %dma_start3A_651 = tpu.memref_slice %arg6[%dma_start3A_643, %dma_start3A_650] : memref<40x300xf32, #tpu.memory_space<vmem>> -> memref<1x300xf32, #tpu.memory_space<vmem>>
      %dma_start3A_652 = tpu.memref_squeeze %dma_start3A_651 : memref<1x300xf32, #tpu.memory_space<vmem>> -> memref<300xf32, #tpu.memory_space<vmem>>
      %dma_start3A_653 = arith.constant 0 : i32
      %dma_start3A_654 = tpu.memref_slice %arg2[%squeeze3A_642, %dma_start3A_653] : memref<100000x300xf32, #tpu.memory_space<hbm>> -> memref<1x300xf32, #tpu.memory_space<hbm>>
      %dma_start3A_655 = tpu.memref_squeeze %dma_start3A_654 : memref<1x300xf32, #tpu.memory_space<hbm>> -> memref<300xf32, #tpu.memory_space<hbm>>
      tpu.enqueue_dma source(%dma_start3A_655 : memref<300xf32, #tpu.memory_space<hbm>>) target(%dma_start3A_652 : memref<300xf32, #tpu.memory_space<vmem>>) target_semaphore(%arg7 : memref<!tpu.dma_semaphore, #tpu.memory_space<semaphore_mem>>)
      %get3A_656 = arith.constant 16 : index
      %get3A_657 = tpu.vector_load %arg5[%get3A_656] {strides = array<i32>} : memref<48xi32, #tpu.memory_space<vmem>>, vector<16xi32>,
      %get3A_658 = vector.shape_cast %get3A_657 : vector<16xi32> to vector<16xi32>
      %slice3A_659 = vector.extract_strided_slice %get3A_658 {offsets = [6], sizes = [1], strides = [1]} : vector<16xi32> to vector<1xi32>
      %squeeze3A_660 = vector.extract %slice3A_659[0] : i32 from vector<1xi32>
      %dma_start3A_661 = arith.constant 22 : i32
      %dma_start3A_662 = arith.constant 0 : i32
      %dma_start3A_663 = tpu.memref_slice %arg6[%dma_start3A_661, %dma_start3A_662] : memref<40x300xf32, #tpu.memory_space<vmem>> -> memref<1x300xf32, #tpu.memory_space<vmem>>
      %dma_start3A_664 = tpu.memref_squeeze %dma_start3A_663 : memref<1x300xf32, #tpu.memory_space<vmem>> -> memref<300xf32, #tpu.memory_space<vmem>>
      %dma_start3A_665 = arith.constant 0 : i32
      %dma_start3A_666 = tpu.memref_slice %arg2[%squeeze3A_660, %dma_start3A_665] : memref<100000x300xf32, #tpu.memory_space<hbm>> -> memref<1x300xf32, #tpu.memory_space<hbm>>
      %dma_start3A_667 = tpu.memref_squeeze %dma_start3A_666 : memref<1x300xf32, #tpu.memory_space<hbm>> -> memref<300xf32, #tpu.memory_space<hbm>>
      %dma_start3A_668 = arith.constant 0 : i32
      %dma_start3A_669 = tpu.memref_slice %arg6[%dma_start3A_661, %dma_start3A_668] : memref<40x300xf32, #tpu.memory_space<vmem>> -> memref<1x300xf32, #tpu.memory_space<vmem>>
      %dma_start3A_670 = tpu.memref_squeeze %dma_start3A_669 : memref<1x300xf32, #tpu.memory_space<vmem>> -> memref<300xf32, #tpu.memory_space<vmem>>
      %dma_start3A_671 = arith.constant 0 : i32
      %dma_start3A_672 = tpu.memref_slice %arg2[%squeeze3A_660, %dma_start3A_671] : memref<100000x300xf32, #tpu.memory_space<hbm>> -> memref<1x300xf32, #tpu.memory_space<hbm>>
      %dma_start3A_673 = tpu.memref_squeeze %dma_start3A_672 : memref<1x300xf32, #tpu.memory_space<hbm>> -> memref<300xf32, #tpu.memory_space<hbm>>
      tpu.enqueue_dma source(%dma_start3A_673 : memref<300xf32, #tpu.memory_space<hbm>>) target(%dma_start3A_670 : memref<300xf32, #tpu.memory_space<vmem>>) target_semaphore(%arg7 : memref<!tpu.dma_semaphore, #tpu.memory_space<semaphore_mem>>)
      %get3A_674 = arith.constant 16 : index
      %get3A_675 = tpu.vector_load %arg5[%get3A_674] {strides = array<i32>} : memref<48xi32, #tpu.memory_space<vmem>>, vector<16xi32>,
      %get3A_676 = vector.shape_cast %get3A_675 : vector<16xi32> to vector<16xi32>
      %slice3A_677 = vector.extract_strided_slice %get3A_676 {offsets = [7], sizes = [1], strides = [1]} : vector<16xi32> to vector<1xi32>
      %squeeze3A_678 = vector.extract %slice3A_677[0] : i32 from vector<1xi32>
      %dma_start3A_679 = arith.constant 23 : i32
      %dma_start3A_680 = arith.constant 0 : i32
      %dma_start3A_681 = tpu.memref_slice %arg6[%dma_start3A_679, %dma_start3A_680] : memref<40x300xf32, #tpu.memory_space<vmem>> -> memref<1x300xf32, #tpu.memory_space<vmem>>
      %dma_start3A_682 = tpu.memref_squeeze %dma_start3A_681 : memref<1x300xf32, #tpu.memory_space<vmem>> -> memref<300xf32, #tpu.memory_space<vmem>>
      %dma_start3A_683 = arith.constant 0 : i32
      %dma_start3A_684 = tpu.memref_slice %arg2[%squeeze3A_678, %dma_start3A_683] : memref<100000x300xf32, #tpu.memory_space<hbm>> -> memref<1x300xf32, #tpu.memory_space<hbm>>
      %dma_start3A_685 = tpu.memref_squeeze %dma_start3A_684 : memref<1x300xf32, #tpu.memory_space<hbm>> -> memref<300xf32, #tpu.memory_space<hbm>>
      %dma_start3A_686 = arith.constant 0 : i32
      %dma_start3A_687 = tpu.memref_slice %arg6[%dma_start3A_679, %dma_start3A_686] : memref<40x300xf32, #tpu.memory_space<vmem>> -> memref<1x300xf32, #tpu.memory_space<vmem>>
      %dma_start3A_688 = tpu.memref_squeeze %dma_start3A_687 : memref<1x300xf32, #tpu.memory_space<vmem>> -> memref<300xf32, #tpu.memory_space<vmem>>
      %dma_start3A_689 = arith.constant 0 : i32
      %dma_start3A_690 = tpu.memref_slice %arg2[%squeeze3A_678, %dma_start3A_689] : memref<100000x300xf32, #tpu.memory_space<hbm>> -> memref<1x300xf32, #tpu.memory_space<hbm>>
      %dma_start3A_691 = tpu.memref_squeeze %dma_start3A_690 : memref<1x300xf32, #tpu.memory_space<hbm>> -> memref<300xf32, #tpu.memory_space<hbm>>
      tpu.enqueue_dma source(%dma_start3A_691 : memref<300xf32, #tpu.memory_space<hbm>>) target(%dma_start3A_688 : memref<300xf32, #tpu.memory_space<vmem>>) target_semaphore(%arg7 : memref<!tpu.dma_semaphore, #tpu.memory_space<semaphore_mem>>)
      %get3A_692 = arith.constant 16 : index
      %get3A_693 = tpu.vector_load %arg5[%get3A_692] {strides = array<i32>} : memref<48xi32, #tpu.memory_space<vmem>>, vector<16xi32>,
      %get3A_694 = vector.shape_cast %get3A_693 : vector<16xi32> to vector<16xi32>
      %slice3A_695 = vector.extract_strided_slice %get3A_694 {offsets = [8], sizes = [1], strides = [1]} : vector<16xi32> to vector<1xi32>
      %squeeze3A_696 = vector.extract %slice3A_695[0] : i32 from vector<1xi32>
      %dma_start3A_697 = arith.constant 24 : i32
      %dma_start3A_698 = arith.constant 0 : i32
      %dma_start3A_699 = tpu.memref_slice %arg6[%dma_start3A_697, %dma_start3A_698] : memref<40x300xf32, #tpu.memory_space<vmem>> -> memref<1x300xf32, #tpu.memory_space<vmem>>
      %dma_start3A_700 = tpu.memref_squeeze %dma_start3A_699 : memref<1x300xf32, #tpu.memory_space<vmem>> -> memref<300xf32, #tpu.memory_space<vmem>>
      %dma_start3A_701 = arith.constant 0 : i32
      %dma_start3A_702 = tpu.memref_slice %arg2[%squeeze3A_696, %dma_start3A_701] : memref<100000x300xf32, #tpu.memory_space<hbm>> -> memref<1x300xf32, #tpu.memory_space<hbm>>
      %dma_start3A_703 = tpu.memref_squeeze %dma_start3A_702 : memref<1x300xf32, #tpu.memory_space<hbm>> -> memref<300xf32, #tpu.memory_space<hbm>>
      %dma_start3A_704 = arith.constant 0 : i32
      %dma_start3A_705 = tpu.memref_slice %arg6[%dma_start3A_697, %dma_start3A_704] : memref<40x300xf32, #tpu.memory_space<vmem>> -> memref<1x300xf32, #tpu.memory_space<vmem>>
      %dma_start3A_706 = tpu.memref_squeeze %dma_start3A_705 : memref<1x300xf32, #tpu.memory_space<vmem>> -> memref<300xf32, #tpu.memory_space<vmem>>
      %dma_start3A_707 = arith.constant 0 : i32
      %dma_start3A_708 = tpu.memref_slice %arg2[%squeeze3A_696, %dma_start3A_707] : memref<100000x300xf32, #tpu.memory_space<hbm>> -> memref<1x300xf32, #tpu.memory_space<hbm>>
      %dma_start3A_709 = tpu.memref_squeeze %dma_start3A_708 : memref<1x300xf32, #tpu.memory_space<hbm>> -> memref<300xf32, #tpu.memory_space<hbm>>
      tpu.enqueue_dma source(%dma_start3A_709 : memref<300xf32, #tpu.memory_space<hbm>>) target(%dma_start3A_706 : memref<300xf32, #tpu.memory_space<vmem>>) target_semaphore(%arg7 : memref<!tpu.dma_semaphore, #tpu.memory_space<semaphore_mem>>)
      %get3A_710 = arith.constant 16 : index
      %get3A_711 = tpu.vector_load %arg5[%get3A_710] {strides = array<i32>} : memref<48xi32, #tpu.memory_space<vmem>>, vector<16xi32>,
      %get3A_712 = vector.shape_cast %get3A_711 : vector<16xi32> to vector<16xi32>
      %slice3A_713 = vector.extract_strided_slice %get3A_712 {offsets = [9], sizes = [1], strides = [1]} : vector<16xi32> to vector<1xi32>
      %squeeze3A_714 = vector.extract %slice3A_713[0] : i32 from vector<1xi32>
      %dma_start3A_715 = arith.constant 25 : i32
      %dma_start3A_716 = arith.constant 0 : i32
      %dma_start3A_717 = tpu.memref_slice %arg6[%dma_start3A_715, %dma_start3A_716] : memref<40x300xf32, #tpu.memory_space<vmem>> -> memref<1x300xf32, #tpu.memory_space<vmem>>
      %dma_start3A_718 = tpu.memref_squeeze %dma_start3A_717 : memref<1x300xf32, #tpu.memory_space<vmem>> -> memref<300xf32, #tpu.memory_space<vmem>>
      %dma_start3A_719 = arith.constant 0 : i32
      %dma_start3A_720 = tpu.memref_slice %arg2[%squeeze3A_714, %dma_start3A_719] : memref<100000x300xf32, #tpu.memory_space<hbm>> -> memref<1x300xf32, #tpu.memory_space<hbm>>
      %dma_start3A_721 = tpu.memref_squeeze %dma_start3A_720 : memref<1x300xf32, #tpu.memory_space<hbm>> -> memref<300xf32, #tpu.memory_space<hbm>>
      %dma_start3A_722 = arith.constant 0 : i32
      %dma_start3A_723 = tpu.memref_slice %arg6[%dma_start3A_715, %dma_start3A_722] : memref<40x300xf32, #tpu.memory_space<vmem>> -> memref<1x300xf32, #tpu.memory_space<vmem>>
      %dma_start3A_724 = tpu.memref_squeeze %dma_start3A_723 : memref<1x300xf32, #tpu.memory_space<vmem>> -> memref<300xf32, #tpu.memory_space<vmem>>
      %dma_start3A_725 = arith.constant 0 : i32
      %dma_start3A_726 = tpu.memref_slice %arg2[%squeeze3A_714, %dma_start3A_725] : memref<100000x300xf32, #tpu.memory_space<hbm>> -> memref<1x300xf32, #tpu.memory_space<hbm>>
      %dma_start3A_727 = tpu.memref_squeeze %dma_start3A_726 : memref<1x300xf32, #tpu.memory_space<hbm>> -> memref<300xf32, #tpu.memory_space<hbm>>
      tpu.enqueue_dma source(%dma_start3A_727 : memref<300xf32, #tpu.memory_space<hbm>>) target(%dma_start3A_724 : memref<300xf32, #tpu.memory_space<vmem>>) target_semaphore(%arg7 : memref<!tpu.dma_semaphore, #tpu.memory_space<semaphore_mem>>)
      %get3A_728 = arith.constant 16 : index
      %get3A_729 = tpu.vector_load %arg5[%get3A_728] {strides = array<i32>} : memref<48xi32, #tpu.memory_space<vmem>>, vector<16xi32>,
      %get3A_730 = vector.shape_cast %get3A_729 : vector<16xi32> to vector<16xi32>
      %slice3A_731 = vector.extract_strided_slice %get3A_730 {offsets = [10], sizes = [1], strides = [1]} : vector<16xi32> to vector<1xi32>
      %squeeze3A_732 = vector.extract %slice3A_731[0] : i32 from vector<1xi32>
      %dma_start3A_733 = arith.constant 26 : i32
      %dma_start3A_734 = arith.constant 0 : i32
      %dma_start3A_735 = tpu.memref_slice %arg6[%dma_start3A_733, %dma_start3A_734] : memref<40x300xf32, #tpu.memory_space<vmem>> -> memref<1x300xf32, #tpu.memory_space<vmem>>
      %dma_start3A_736 = tpu.memref_squeeze %dma_start3A_735 : memref<1x300xf32, #tpu.memory_space<vmem>> -> memref<300xf32, #tpu.memory_space<vmem>>
      %dma_start3A_737 = arith.constant 0 : i32
      %dma_start3A_738 = tpu.memref_slice %arg2[%squeeze3A_732, %dma_start3A_737] : memref<100000x300xf32, #tpu.memory_space<hbm>> -> memref<1x300xf32, #tpu.memory_space<hbm>>
      %dma_start3A_739 = tpu.memref_squeeze %dma_start3A_738 : memref<1x300xf32, #tpu.memory_space<hbm>> -> memref<300xf32, #tpu.memory_space<hbm>>
      %dma_start3A_740 = arith.constant 0 : i32
      %dma_start3A_741 = tpu.memref_slice %arg6[%dma_start3A_733, %dma_start3A_740] : memref<40x300xf32, #tpu.memory_space<vmem>> -> memref<1x300xf32, #tpu.memory_space<vmem>>
      %dma_start3A_742 = tpu.memref_squeeze %dma_start3A_741 : memref<1x300xf32, #tpu.memory_space<vmem>> -> memref<300xf32, #tpu.memory_space<vmem>>
      %dma_start3A_743 = arith.constant 0 : i32
      %dma_start3A_744 = tpu.memref_slice %arg2[%squeeze3A_732, %dma_start3A_743] : memref<100000x300xf32, #tpu.memory_space<hbm>> -> memref<1x300xf32, #tpu.memory_space<hbm>>
      %dma_start3A_745 = tpu.memref_squeeze %dma_start3A_744 : memref<1x300xf32, #tpu.memory_space<hbm>> -> memref<300xf32, #tpu.memory_space<hbm>>
      tpu.enqueue_dma source(%dma_start3A_745 : memref<300xf32, #tpu.memory_space<hbm>>) target(%dma_start3A_742 : memref<300xf32, #tpu.memory_space<vmem>>) target_semaphore(%arg7 : memref<!tpu.dma_semaphore, #tpu.memory_space<semaphore_mem>>)
      %get3A_746 = arith.constant 16 : index
      %get3A_747 = tpu.vector_load %arg5[%get3A_746] {strides = array<i32>} : memref<48xi32, #tpu.memory_space<vmem>>, vector<16xi32>,
      %get3A_748 = vector.shape_cast %get3A_747 : vector<16xi32> to vector<16xi32>
      %slice3A_749 = vector.extract_strided_slice %get3A_748 {offsets = [11], sizes = [1], strides = [1]} : vector<16xi32> to vector<1xi32>
      %squeeze3A_750 = vector.extract %slice3A_749[0] : i32 from vector<1xi32>
      %dma_start3A_751 = arith.constant 27 : i32
      %dma_start3A_752 = arith.constant 0 : i32
      %dma_start3A_753 = tpu.memref_slice %arg6[%dma_start3A_751, %dma_start3A_752] : memref<40x300xf32, #tpu.memory_space<vmem>> -> memref<1x300xf32, #tpu.memory_space<vmem>>
      %dma_start3A_754 = tpu.memref_squeeze %dma_start3A_753 : memref<1x300xf32, #tpu.memory_space<vmem>> -> memref<300xf32, #tpu.memory_space<vmem>>
      %dma_start3A_755 = arith.constant 0 : i32
      %dma_start3A_756 = tpu.memref_slice %arg2[%squeeze3A_750, %dma_start3A_755] : memref<100000x300xf32, #tpu.memory_space<hbm>> -> memref<1x300xf32, #tpu.memory_space<hbm>>
      %dma_start3A_757 = tpu.memref_squeeze %dma_start3A_756 : memref<1x300xf32, #tpu.memory_space<hbm>> -> memref<300xf32, #tpu.memory_space<hbm>>
      %dma_start3A_758 = arith.constant 0 : i32
      %dma_start3A_759 = tpu.memref_slice %arg6[%dma_start3A_751, %dma_start3A_758] : memref<40x300xf32, #tpu.memory_space<vmem>> -> memref<1x300xf32, #tpu.memory_space<vmem>>
      %dma_start3A_760 = tpu.memref_squeeze %dma_start3A_759 : memref<1x300xf32, #tpu.memory_space<vmem>> -> memref<300xf32, #tpu.memory_space<vmem>>
      %dma_start3A_761 = arith.constant 0 : i32
      %dma_start3A_762 = tpu.memref_slice %arg2[%squeeze3A_750, %dma_start3A_761] : memref<100000x300xf32, #tpu.memory_space<hbm>> -> memref<1x300xf32, #tpu.memory_space<hbm>>
      %dma_start3A_763 = tpu.memref_squeeze %dma_start3A_762 : memref<1x300xf32, #tpu.memory_space<hbm>> -> memref<300xf32, #tpu.memory_space<hbm>>
      tpu.enqueue_dma source(%dma_start3A_763 : memref<300xf32, #tpu.memory_space<hbm>>) target(%dma_start3A_760 : memref<300xf32, #tpu.memory_space<vmem>>) target_semaphore(%arg7 : memref<!tpu.dma_semaphore, #tpu.memory_space<semaphore_mem>>)
      %get3A_764 = arith.constant 16 : index
      %get3A_765 = tpu.vector_load %arg5[%get3A_764] {strides = array<i32>} : memref<48xi32, #tpu.memory_space<vmem>>, vector<16xi32>,
      %get3A_766 = vector.shape_cast %get3A_765 : vector<16xi32> to vector<16xi32>
      %slice3A_767 = vector.extract_strided_slice %get3A_766 {offsets = [12], sizes = [1], strides = [1]} : vector<16xi32> to vector<1xi32>
      %squeeze3A_768 = vector.extract %slice3A_767[0] : i32 from vector<1xi32>
      %dma_start3A_769 = arith.constant 28 : i32
      %dma_start3A_770 = arith.constant 0 : i32
      %dma_start3A_771 = tpu.memref_slice %arg6[%dma_start3A_769, %dma_start3A_770] : memref<40x300xf32, #tpu.memory_space<vmem>> -> memref<1x300xf32, #tpu.memory_space<vmem>>
      %dma_start3A_772 = tpu.memref_squeeze %dma_start3A_771 : memref<1x300xf32, #tpu.memory_space<vmem>> -> memref<300xf32, #tpu.memory_space<vmem>>
      %dma_start3A_773 = arith.constant 0 : i32
      %dma_start3A_774 = tpu.memref_slice %arg2[%squeeze3A_768, %dma_start3A_773] : memref<100000x300xf32, #tpu.memory_space<hbm>> -> memref<1x300xf32, #tpu.memory_space<hbm>>
      %dma_start3A_775 = tpu.memref_squeeze %dma_start3A_774 : memref<1x300xf32, #tpu.memory_space<hbm>> -> memref<300xf32, #tpu.memory_space<hbm>>
      %dma_start3A_776 = arith.constant 0 : i32
      %dma_start3A_777 = tpu.memref_slice %arg6[%dma_start3A_769, %dma_start3A_776] : memref<40x300xf32, #tpu.memory_space<vmem>> -> memref<1x300xf32, #tpu.memory_space<vmem>>
      %dma_start3A_778 = tpu.memref_squeeze %dma_start3A_777 : memref<1x300xf32, #tpu.memory_space<vmem>> -> memref<300xf32, #tpu.memory_space<vmem>>
      %dma_start3A_779 = arith.constant 0 : i32
      %dma_start3A_780 = tpu.memref_slice %arg2[%squeeze3A_768, %dma_start3A_779] : memref<100000x300xf32, #tpu.memory_space<hbm>> -> memref<1x300xf32, #tpu.memory_space<hbm>>
      %dma_start3A_781 = tpu.memref_squeeze %dma_start3A_780 : memref<1x300xf32, #tpu.memory_space<hbm>> -> memref<300xf32, #tpu.memory_space<hbm>>
      tpu.enqueue_dma source(%dma_start3A_781 : memref<300xf32, #tpu.memory_space<hbm>>) target(%dma_start3A_778 : memref<300xf32, #tpu.memory_space<vmem>>) target_semaphore(%arg7 : memref<!tpu.dma_semaphore, #tpu.memory_space<semaphore_mem>>)
      %get3A_782 = arith.constant 16 : index
      %get3A_783 = tpu.vector_load %arg5[%get3A_782] {strides = array<i32>} : memref<48xi32, #tpu.memory_space<vmem>>, vector<16xi32>,
      %get3A_784 = vector.shape_cast %get3A_783 : vector<16xi32> to vector<16xi32>
      %slice3A_785 = vector.extract_strided_slice %get3A_784 {offsets = [13], sizes = [1], strides = [1]} : vector<16xi32> to vector<1xi32>
      %squeeze3A_786 = vector.extract %slice3A_785[0] : i32 from vector<1xi32>
      %dma_start3A_787 = arith.constant 29 : i32
      %dma_start3A_788 = arith.constant 0 : i32
      %dma_start3A_789 = tpu.memref_slice %arg6[%dma_start3A_787, %dma_start3A_788] : memref<40x300xf32, #tpu.memory_space<vmem>> -> memref<1x300xf32, #tpu.memory_space<vmem>>
      %dma_start3A_790 = tpu.memref_squeeze %dma_start3A_789 : memref<1x300xf32, #tpu.memory_space<vmem>> -> memref<300xf32, #tpu.memory_space<vmem>>
      %dma_start3A_791 = arith.constant 0 : i32
      %dma_start3A_792 = tpu.memref_slice %arg2[%squeeze3A_786, %dma_start3A_791] : memref<100000x300xf32, #tpu.memory_space<hbm>> -> memref<1x300xf32, #tpu.memory_space<hbm>>
      %dma_start3A_793 = tpu.memref_squeeze %dma_start3A_792 : memref<1x300xf32, #tpu.memory_space<hbm>> -> memref<300xf32, #tpu.memory_space<hbm>>
      %dma_start3A_794 = arith.constant 0 : i32
      %dma_start3A_795 = tpu.memref_slice %arg6[%dma_start3A_787, %dma_start3A_794] : memref<40x300xf32, #tpu.memory_space<vmem>> -> memref<1x300xf32, #tpu.memory_space<vmem>>
      %dma_start3A_796 = tpu.memref_squeeze %dma_start3A_795 : memref<1x300xf32, #tpu.memory_space<vmem>> -> memref<300xf32, #tpu.memory_space<vmem>>
      %dma_start3A_797 = arith.constant 0 : i32
      %dma_start3A_798 = tpu.memref_slice %arg2[%squeeze3A_786, %dma_start3A_797] : memref<100000x300xf32, #tpu.memory_space<hbm>> -> memref<1x300xf32, #tpu.memory_space<hbm>>
      %dma_start3A_799 = tpu.memref_squeeze %dma_start3A_798 : memref<1x300xf32, #tpu.memory_space<hbm>> -> memref<300xf32, #tpu.memory_space<hbm>>
      tpu.enqueue_dma source(%dma_start3A_799 : memref<300xf32, #tpu.memory_space<hbm>>) target(%dma_start3A_796 : memref<300xf32, #tpu.memory_space<vmem>>) target_semaphore(%arg7 : memref<!tpu.dma_semaphore, #tpu.memory_space<semaphore_mem>>)
      %get3A_800 = arith.constant 16 : index
      %get3A_801 = tpu.vector_load %arg5[%get3A_800] {strides = array<i32>} : memref<48xi32, #tpu.memory_space<vmem>>, vector<16xi32>,
      %get3A_802 = vector.shape_cast %get3A_801 : vector<16xi32> to vector<16xi32>
      %slice3A_803 = vector.extract_strided_slice %get3A_802 {offsets = [14], sizes = [1], strides = [1]} : vector<16xi32> to vector<1xi32>
      %squeeze3A_804 = vector.extract %slice3A_803[0] : i32 from vector<1xi32>
      %dma_start3A_805 = arith.constant 30 : i32
      %dma_start3A_806 = arith.constant 0 : i32
      %dma_start3A_807 = tpu.memref_slice %arg6[%dma_start3A_805, %dma_start3A_806] : memref<40x300xf32, #tpu.memory_space<vmem>> -> memref<1x300xf32, #tpu.memory_space<vmem>>
      %dma_start3A_808 = tpu.memref_squeeze %dma_start3A_807 : memref<1x300xf32, #tpu.memory_space<vmem>> -> memref<300xf32, #tpu.memory_space<vmem>>
      %dma_start3A_809 = arith.constant 0 : i32
      %dma_start3A_810 = tpu.memref_slice %arg2[%squeeze3A_804, %dma_start3A_809] : memref<100000x300xf32, #tpu.memory_space<hbm>> -> memref<1x300xf32, #tpu.memory_space<hbm>>
      %dma_start3A_811 = tpu.memref_squeeze %dma_start3A_810 : memref<1x300xf32, #tpu.memory_space<hbm>> -> memref<300xf32, #tpu.memory_space<hbm>>
      %dma_start3A_812 = arith.constant 0 : i32
      %dma_start3A_813 = tpu.memref_slice %arg6[%dma_start3A_805, %dma_start3A_812] : memref<40x300xf32, #tpu.memory_space<vmem>> -> memref<1x300xf32, #tpu.memory_space<vmem>>
      %dma_start3A_814 = tpu.memref_squeeze %dma_start3A_813 : memref<1x300xf32, #tpu.memory_space<vmem>> -> memref<300xf32, #tpu.memory_space<vmem>>
      %dma_start3A_815 = arith.constant 0 : i32
      %dma_start3A_816 = tpu.memref_slice %arg2[%squeeze3A_804, %dma_start3A_815] : memref<100000x300xf32, #tpu.memory_space<hbm>> -> memref<1x300xf32, #tpu.memory_space<hbm>>
      %dma_start3A_817 = tpu.memref_squeeze %dma_start3A_816 : memref<1x300xf32, #tpu.memory_space<hbm>> -> memref<300xf32, #tpu.memory_space<hbm>>
      tpu.enqueue_dma source(%dma_start3A_817 : memref<300xf32, #tpu.memory_space<hbm>>) target(%dma_start3A_814 : memref<300xf32, #tpu.memory_space<vmem>>) target_semaphore(%arg7 : memref<!tpu.dma_semaphore, #tpu.memory_space<semaphore_mem>>)
      %get3A_818 = arith.constant 16 : index
      %get3A_819 = tpu.vector_load %arg5[%get3A_818] {strides = array<i32>} : memref<48xi32, #tpu.memory_space<vmem>>, vector<16xi32>,
      %get3A_820 = vector.shape_cast %get3A_819 : vector<16xi32> to vector<16xi32>
      %slice3A_821 = vector.extract_strided_slice %get3A_820 {offsets = [15], sizes = [1], strides = [1]} : vector<16xi32> to vector<1xi32>
      %squeeze3A_822 = vector.extract %slice3A_821[0] : i32 from vector<1xi32>
      %dma_start3A_823 = arith.constant 31 : i32
      %dma_start3A_824 = arith.constant 0 : i32
      %dma_start3A_825 = tpu.memref_slice %arg6[%dma_start3A_823, %dma_start3A_824] : memref<40x300xf32, #tpu.memory_space<vmem>> -> memref<1x300xf32, #tpu.memory_space<vmem>>
      %dma_start3A_826 = tpu.memref_squeeze %dma_start3A_825 : memref<1x300xf32, #tpu.memory_space<vmem>> -> memref<300xf32, #tpu.memory_space<vmem>>
      %dma_start3A_827 = arith.constant 0 : i32
      %dma_start3A_828 = tpu.memref_slice %arg2[%squeeze3A_822, %dma_start3A_827] : memref<100000x300xf32, #tpu.memory_space<hbm>> -> memref<1x300xf32, #tpu.memory_space<hbm>>
      %dma_start3A_829 = tpu.memref_squeeze %dma_start3A_828 : memref<1x300xf32, #tpu.memory_space<hbm>> -> memref<300xf32, #tpu.memory_space<hbm>>
      %dma_start3A_830 = arith.constant 0 : i32
      %dma_start3A_831 = tpu.memref_slice %arg6[%dma_start3A_823, %dma_start3A_830] : memref<40x300xf32, #tpu.memory_space<vmem>> -> memref<1x300xf32, #tpu.memory_space<vmem>>
      %dma_start3A_832 = tpu.memref_squeeze %dma_start3A_831 : memref<1x300xf32, #tpu.memory_space<vmem>> -> memref<300xf32, #tpu.memory_space<vmem>>
      %dma_start3A_833 = arith.constant 0 : i32
      %dma_start3A_834 = tpu.memref_slice %arg2[%squeeze3A_822, %dma_start3A_833] : memref<100000x300xf32, #tpu.memory_space<hbm>> -> memref<1x300xf32, #tpu.memory_space<hbm>>
      %dma_start3A_835 = tpu.memref_squeeze %dma_start3A_834 : memref<1x300xf32, #tpu.memory_space<hbm>> -> memref<300xf32, #tpu.memory_space<hbm>>
      tpu.enqueue_dma source(%dma_start3A_835 : memref<300xf32, #tpu.memory_space<hbm>>) target(%dma_start3A_832 : memref<300xf32, #tpu.memory_space<vmem>>) target_semaphore(%arg7 : memref<!tpu.dma_semaphore, #tpu.memory_space<semaphore_mem>>)
      %get3A_836 = arith.constant 32 : index
      %get3A_837 = tpu.vector_load %arg5[%get3A_836] {strides = array<i32>} : memref<48xi32, #tpu.memory_space<vmem>>, vector<16xi32>,
      %get3A_838 = vector.shape_cast %get3A_837 : vector<16xi32> to vector<16xi32>
      %slice3A_839 = vector.extract_strided_slice %get3A_838 {offsets = [0], sizes = [1], strides = [1]} : vector<16xi32> to vector<1xi32>
      %squeeze3A_840 = vector.extract %slice3A_839[0] : i32 from vector<1xi32>
      %dma_start3A_841 = arith.constant 32 : i32
      %dma_start3A_842 = arith.constant 0 : i32
      %dma_start3A_843 = tpu.memref_slice %arg6[%dma_start3A_841, %dma_start3A_842] : memref<40x300xf32, #tpu.memory_space<vmem>> -> memref<1x300xf32, #tpu.memory_space<vmem>>
      %dma_start3A_844 = tpu.memref_squeeze %dma_start3A_843 : memref<1x300xf32, #tpu.memory_space<vmem>> -> memref<300xf32, #tpu.memory_space<vmem>>
      %dma_start3A_845 = arith.constant 0 : i32
      %dma_start3A_846 = tpu.memref_slice %arg2[%squeeze3A_840, %dma_start3A_845] : memref<100000x300xf32, #tpu.memory_space<hbm>> -> memref<1x300xf32, #tpu.memory_space<hbm>>
      %dma_start3A_847 = tpu.memref_squeeze %dma_start3A_846 : memref<1x300xf32, #tpu.memory_space<hbm>> -> memref<300xf32, #tpu.memory_space<hbm>>
      %dma_start3A_848 = arith.constant 0 : i32
      %dma_start3A_849 = tpu.memref_slice %arg6[%dma_start3A_841, %dma_start3A_848] : memref<40x300xf32, #tpu.memory_space<vmem>> -> memref<1x300xf32, #tpu.memory_space<vmem>>
      %dma_start3A_850 = tpu.memref_squeeze %dma_start3A_849 : memref<1x300xf32, #tpu.memory_space<vmem>> -> memref<300xf32, #tpu.memory_space<vmem>>
      %dma_start3A_851 = arith.constant 0 : i32
      %dma_start3A_852 = tpu.memref_slice %arg2[%squeeze3A_840, %dma_start3A_851] : memref<100000x300xf32, #tpu.memory_space<hbm>> -> memref<1x300xf32, #tpu.memory_space<hbm>>
      %dma_start3A_853 = tpu.memref_squeeze %dma_start3A_852 : memref<1x300xf32, #tpu.memory_space<hbm>> -> memref<300xf32, #tpu.memory_space<hbm>>
      tpu.enqueue_dma source(%dma_start3A_853 : memref<300xf32, #tpu.memory_space<hbm>>) target(%dma_start3A_850 : memref<300xf32, #tpu.memory_space<vmem>>) target_semaphore(%arg7 : memref<!tpu.dma_semaphore, #tpu.memory_space<semaphore_mem>>)
      %get3A_854 = arith.constant 32 : index
      %get3A_855 = tpu.vector_load %arg5[%get3A_854] {strides = array<i32>} : memref<48xi32, #tpu.memory_space<vmem>>, vector<16xi32>,
      %get3A_856 = vector.shape_cast %get3A_855 : vector<16xi32> to vector<16xi32>
      %slice3A_857 = vector.extract_strided_slice %get3A_856 {offsets = [1], sizes = [1], strides = [1]} : vector<16xi32> to vector<1xi32>
      %squeeze3A_858 = vector.extract %slice3A_857[0] : i32 from vector<1xi32>
      %dma_start3A_859 = arith.constant 33 : i32
      %dma_start3A_860 = arith.constant 0 : i32
      %dma_start3A_861 = tpu.memref_slice %arg6[%dma_start3A_859, %dma_start3A_860] : memref<40x300xf32, #tpu.memory_space<vmem>> -> memref<1x300xf32, #tpu.memory_space<vmem>>
      %dma_start3A_862 = tpu.memref_squeeze %dma_start3A_861 : memref<1x300xf32, #tpu.memory_space<vmem>> -> memref<300xf32, #tpu.memory_space<vmem>>
      %dma_start3A_863 = arith.constant 0 : i32
      %dma_start3A_864 = tpu.memref_slice %arg2[%squeeze3A_858, %dma_start3A_863] : memref<100000x300xf32, #tpu.memory_space<hbm>> -> memref<1x300xf32, #tpu.memory_space<hbm>>
      %dma_start3A_865 = tpu.memref_squeeze %dma_start3A_864 : memref<1x300xf32, #tpu.memory_space<hbm>> -> memref<300xf32, #tpu.memory_space<hbm>>
      %dma_start3A_866 = arith.constant 0 : i32
      %dma_start3A_867 = tpu.memref_slice %arg6[%dma_start3A_859, %dma_start3A_866] : memref<40x300xf32, #tpu.memory_space<vmem>> -> memref<1x300xf32, #tpu.memory_space<vmem>>
      %dma_start3A_868 = tpu.memref_squeeze %dma_start3A_867 : memref<1x300xf32, #tpu.memory_space<vmem>> -> memref<300xf32, #tpu.memory_space<vmem>>
      %dma_start3A_869 = arith.constant 0 : i32
      %dma_start3A_870 = tpu.memref_slice %arg2[%squeeze3A_858, %dma_start3A_869] : memref<100000x300xf32, #tpu.memory_space<hbm>> -> memref<1x300xf32, #tpu.memory_space<hbm>>
      %dma_start3A_871 = tpu.memref_squeeze %dma_start3A_870 : memref<1x300xf32, #tpu.memory_space<hbm>> -> memref<300xf32, #tpu.memory_space<hbm>>
      tpu.enqueue_dma source(%dma_start3A_871 : memref<300xf32, #tpu.memory_space<hbm>>) target(%dma_start3A_868 : memref<300xf32, #tpu.memory_space<vmem>>) target_semaphore(%arg7 : memref<!tpu.dma_semaphore, #tpu.memory_space<semaphore_mem>>)
      %get3A_872 = arith.constant 32 : index
      %get3A_873 = tpu.vector_load %arg5[%get3A_872] {strides = array<i32>} : memref<48xi32, #tpu.memory_space<vmem>>, vector<16xi32>,
      %get3A_874 = vector.shape_cast %get3A_873 : vector<16xi32> to vector<16xi32>
      %slice3A_875 = vector.extract_strided_slice %get3A_874 {offsets = [2], sizes = [1], strides = [1]} : vector<16xi32> to vector<1xi32>
      %squeeze3A_876 = vector.extract %slice3A_875[0] : i32 from vector<1xi32>
      %dma_start3A_877 = arith.constant 34 : i32
      %dma_start3A_878 = arith.constant 0 : i32
      %dma_start3A_879 = tpu.memref_slice %arg6[%dma_start3A_877, %dma_start3A_878] : memref<40x300xf32, #tpu.memory_space<vmem>> -> memref<1x300xf32, #tpu.memory_space<vmem>>
      %dma_start3A_880 = tpu.memref_squeeze %dma_start3A_879 : memref<1x300xf32, #tpu.memory_space<vmem>> -> memref<300xf32, #tpu.memory_space<vmem>>
      %dma_start3A_881 = arith.constant 0 : i32
      %dma_start3A_882 = tpu.memref_slice %arg2[%squeeze3A_876, %dma_start3A_881] : memref<100000x300xf32, #tpu.memory_space<hbm>> -> memref<1x300xf32, #tpu.memory_space<hbm>>
      %dma_start3A_883 = tpu.memref_squeeze %dma_start3A_882 : memref<1x300xf32, #tpu.memory_space<hbm>> -> memref<300xf32, #tpu.memory_space<hbm>>
      %dma_start3A_884 = arith.constant 0 : i32
      %dma_start3A_885 = tpu.memref_slice %arg6[%dma_start3A_877, %dma_start3A_884] : memref<40x300xf32, #tpu.memory_space<vmem>> -> memref<1x300xf32, #tpu.memory_space<vmem>>
      %dma_start3A_886 = tpu.memref_squeeze %dma_start3A_885 : memref<1x300xf32, #tpu.memory_space<vmem>> -> memref<300xf32, #tpu.memory_space<vmem>>
      %dma_start3A_887 = arith.constant 0 : i32
      %dma_start3A_888 = tpu.memref_slice %arg2[%squeeze3A_876, %dma_start3A_887] : memref<100000x300xf32, #tpu.memory_space<hbm>> -> memref<1x300xf32, #tpu.memory_space<hbm>>
      %dma_start3A_889 = tpu.memref_squeeze %dma_start3A_888 : memref<1x300xf32, #tpu.memory_space<hbm>> -> memref<300xf32, #tpu.memory_space<hbm>>
      tpu.enqueue_dma source(%dma_start3A_889 : memref<300xf32, #tpu.memory_space<hbm>>) target(%dma_start3A_886 : memref<300xf32, #tpu.memory_space<vmem>>) target_semaphore(%arg7 : memref<!tpu.dma_semaphore, #tpu.memory_space<semaphore_mem>>)
      %get3A_890 = arith.constant 32 : index
      %get3A_891 = tpu.vector_load %arg5[%get3A_890] {strides = array<i32>} : memref<48xi32, #tpu.memory_space<vmem>>, vector<16xi32>,
      %get3A_892 = vector.shape_cast %get3A_891 : vector<16xi32> to vector<16xi32>
      %slice3A_893 = vector.extract_strided_slice %get3A_892 {offsets = [3], sizes = [1], strides = [1]} : vector<16xi32> to vector<1xi32>
      %squeeze3A_894 = vector.extract %slice3A_893[0] : i32 from vector<1xi32>
      %dma_start3A_895 = arith.constant 35 : i32
      %dma_start3A_896 = arith.constant 0 : i32
      %dma_start3A_897 = tpu.memref_slice %arg6[%dma_start3A_895, %dma_start3A_896] : memref<40x300xf32, #tpu.memory_space<vmem>> -> memref<1x300xf32, #tpu.memory_space<vmem>>
      %dma_start3A_898 = tpu.memref_squeeze %dma_start3A_897 : memref<1x300xf32, #tpu.memory_space<vmem>> -> memref<300xf32, #tpu.memory_space<vmem>>
      %dma_start3A_899 = arith.constant 0 : i32
      %dma_start3A_900 = tpu.memref_slice %arg2[%squeeze3A_894, %dma_start3A_899] : memref<100000x300xf32, #tpu.memory_space<hbm>> -> memref<1x300xf32, #tpu.memory_space<hbm>>
      %dma_start3A_901 = tpu.memref_squeeze %dma_start3A_900 : memref<1x300xf32, #tpu.memory_space<hbm>> -> memref<300xf32, #tpu.memory_space<hbm>>
      %dma_start3A_902 = arith.constant 0 : i32
      %dma_start3A_903 = tpu.memref_slice %arg6[%dma_start3A_895, %dma_start3A_902] : memref<40x300xf32, #tpu.memory_space<vmem>> -> memref<1x300xf32, #tpu.memory_space<vmem>>
      %dma_start3A_904 = tpu.memref_squeeze %dma_start3A_903 : memref<1x300xf32, #tpu.memory_space<vmem>> -> memref<300xf32, #tpu.memory_space<vmem>>
      %dma_start3A_905 = arith.constant 0 : i32
      %dma_start3A_906 = tpu.memref_slice %arg2[%squeeze3A_894, %dma_start3A_905] : memref<100000x300xf32, #tpu.memory_space<hbm>> -> memref<1x300xf32, #tpu.memory_space<hbm>>
      %dma_start3A_907 = tpu.memref_squeeze %dma_start3A_906 : memref<1x300xf32, #tpu.memory_space<hbm>> -> memref<300xf32, #tpu.memory_space<hbm>>
      tpu.enqueue_dma source(%dma_start3A_907 : memref<300xf32, #tpu.memory_space<hbm>>) target(%dma_start3A_904 : memref<300xf32, #tpu.memory_space<vmem>>) target_semaphore(%arg7 : memref<!tpu.dma_semaphore, #tpu.memory_space<semaphore_mem>>)
      %get3A_908 = arith.constant 32 : index
      %get3A_909 = tpu.vector_load %arg5[%get3A_908] {strides = array<i32>} : memref<48xi32, #tpu.memory_space<vmem>>, vector<16xi32>,
      %get3A_910 = vector.shape_cast %get3A_909 : vector<16xi32> to vector<16xi32>
      %slice3A_911 = vector.extract_strided_slice %get3A_910 {offsets = [4], sizes = [1], strides = [1]} : vector<16xi32> to vector<1xi32>
      %squeeze3A_912 = vector.extract %slice3A_911[0] : i32 from vector<1xi32>
      %dma_start3A_913 = arith.constant 36 : i32
      %dma_start3A_914 = arith.constant 0 : i32
      %dma_start3A_915 = tpu.memref_slice %arg6[%dma_start3A_913, %dma_start3A_914] : memref<40x300xf32, #tpu.memory_space<vmem>> -> memref<1x300xf32, #tpu.memory_space<vmem>>
      %dma_start3A_916 = tpu.memref_squeeze %dma_start3A_915 : memref<1x300xf32, #tpu.memory_space<vmem>> -> memref<300xf32, #tpu.memory_space<vmem>>
      %dma_start3A_917 = arith.constant 0 : i32
      %dma_start3A_918 = tpu.memref_slice %arg2[%squeeze3A_912, %dma_start3A_917] : memref<100000x300xf32, #tpu.memory_space<hbm>> -> memref<1x300xf32, #tpu.memory_space<hbm>>
      %dma_start3A_919 = tpu.memref_squeeze %dma_start3A_918 : memref<1x300xf32, #tpu.memory_space<hbm>> -> memref<300xf32, #tpu.memory_space<hbm>>
      %dma_start3A_920 = arith.constant 0 : i32
      %dma_start3A_921 = tpu.memref_slice %arg6[%dma_start3A_913, %dma_start3A_920] : memref<40x300xf32, #tpu.memory_space<vmem>> -> memref<1x300xf32, #tpu.memory_space<vmem>>
      %dma_start3A_922 = tpu.memref_squeeze %dma_start3A_921 : memref<1x300xf32, #tpu.memory_space<vmem>> -> memref<300xf32, #tpu.memory_space<vmem>>
      %dma_start3A_923 = arith.constant 0 : i32
      %dma_start3A_924 = tpu.memref_slice %arg2[%squeeze3A_912, %dma_start3A_923] : memref<100000x300xf32, #tpu.memory_space<hbm>> -> memref<1x300xf32, #tpu.memory_space<hbm>>
      %dma_start3A_925 = tpu.memref_squeeze %dma_start3A_924 : memref<1x300xf32, #tpu.memory_space<hbm>> -> memref<300xf32, #tpu.memory_space<hbm>>
      tpu.enqueue_dma source(%dma_start3A_925 : memref<300xf32, #tpu.memory_space<hbm>>) target(%dma_start3A_922 : memref<300xf32, #tpu.memory_space<vmem>>) target_semaphore(%arg7 : memref<!tpu.dma_semaphore, #tpu.memory_space<semaphore_mem>>)
      %get3A_926 = arith.constant 32 : index
      %get3A_927 = tpu.vector_load %arg5[%get3A_926] {strides = array<i32>} : memref<48xi32, #tpu.memory_space<vmem>>, vector<16xi32>,
      %get3A_928 = vector.shape_cast %get3A_927 : vector<16xi32> to vector<16xi32>
      %slice3A_929 = vector.extract_strided_slice %get3A_928 {offsets = [5], sizes = [1], strides = [1]} : vector<16xi32> to vector<1xi32>
      %squeeze3A_930 = vector.extract %slice3A_929[0] : i32 from vector<1xi32>
      %dma_start3A_931 = arith.constant 37 : i32
      %dma_start3A_932 = arith.constant 0 : i32
      %dma_start3A_933 = tpu.memref_slice %arg6[%dma_start3A_931, %dma_start3A_932] : memref<40x300xf32, #tpu.memory_space<vmem>> -> memref<1x300xf32, #tpu.memory_space<vmem>>
      %dma_start3A_934 = tpu.memref_squeeze %dma_start3A_933 : memref<1x300xf32, #tpu.memory_space<vmem>> -> memref<300xf32, #tpu.memory_space<vmem>>
      %dma_start3A_935 = arith.constant 0 : i32
      %dma_start3A_936 = tpu.memref_slice %arg2[%squeeze3A_930, %dma_start3A_935] : memref<100000x300xf32, #tpu.memory_space<hbm>> -> memref<1x300xf32, #tpu.memory_space<hbm>>
      %dma_start3A_937 = tpu.memref_squeeze %dma_start3A_936 : memref<1x300xf32, #tpu.memory_space<hbm>> -> memref<300xf32, #tpu.memory_space<hbm>>
      %dma_start3A_938 = arith.constant 0 : i32
      %dma_start3A_939 = tpu.memref_slice %arg6[%dma_start3A_931, %dma_start3A_938] : memref<40x300xf32, #tpu.memory_space<vmem>> -> memref<1x300xf32, #tpu.memory_space<vmem>>
      %dma_start3A_940 = tpu.memref_squeeze %dma_start3A_939 : memref<1x300xf32, #tpu.memory_space<vmem>> -> memref<300xf32, #tpu.memory_space<vmem>>
      %dma_start3A_941 = arith.constant 0 : i32
      %dma_start3A_942 = tpu.memref_slice %arg2[%squeeze3A_930, %dma_start3A_941] : memref<100000x300xf32, #tpu.memory_space<hbm>> -> memref<1x300xf32, #tpu.memory_space<hbm>>
      %dma_start3A_943 = tpu.memref_squeeze %dma_start3A_942 : memref<1x300xf32, #tpu.memory_space<hbm>> -> memref<300xf32, #tpu.memory_space<hbm>>
      tpu.enqueue_dma source(%dma_start3A_943 : memref<300xf32, #tpu.memory_space<hbm>>) target(%dma_start3A_940 : memref<300xf32, #tpu.memory_space<vmem>>) target_semaphore(%arg7 : memref<!tpu.dma_semaphore, #tpu.memory_space<semaphore_mem>>)
      %get3A_944 = arith.constant 32 : index
      %get3A_945 = tpu.vector_load %arg5[%get3A_944] {strides = array<i32>} : memref<48xi32, #tpu.memory_space<vmem>>, vector<16xi32>,
      %get3A_946 = vector.shape_cast %get3A_945 : vector<16xi32> to vector<16xi32>
      %slice3A_947 = vector.extract_strided_slice %get3A_946 {offsets = [6], sizes = [1], strides = [1]} : vector<16xi32> to vector<1xi32>
      %squeeze3A_948 = vector.extract %slice3A_947[0] : i32 from vector<1xi32>
      %dma_start3A_949 = arith.constant 38 : i32
      %dma_start3A_950 = arith.constant 0 : i32
      %dma_start3A_951 = tpu.memref_slice %arg6[%dma_start3A_949, %dma_start3A_950] : memref<40x300xf32, #tpu.memory_space<vmem>> -> memref<1x300xf32, #tpu.memory_space<vmem>>
      %dma_start3A_952 = tpu.memref_squeeze %dma_start3A_951 : memref<1x300xf32, #tpu.memory_space<vmem>> -> memref<300xf32, #tpu.memory_space<vmem>>
      %dma_start3A_953 = arith.constant 0 : i32
      %dma_start3A_954 = tpu.memref_slice %arg2[%squeeze3A_948, %dma_start3A_953] : memref<100000x300xf32, #tpu.memory_space<hbm>> -> memref<1x300xf32, #tpu.memory_space<hbm>>
      %dma_start3A_955 = tpu.memref_squeeze %dma_start3A_954 : memref<1x300xf32, #tpu.memory_space<hbm>> -> memref<300xf32, #tpu.memory_space<hbm>>
      %dma_start3A_956 = arith.constant 0 : i32
      %dma_start3A_957 = tpu.memref_slice %arg6[%dma_start3A_949, %dma_start3A_956] : memref<40x300xf32, #tpu.memory_space<vmem>> -> memref<1x300xf32, #tpu.memory_space<vmem>>
      %dma_start3A_958 = tpu.memref_squeeze %dma_start3A_957 : memref<1x300xf32, #tpu.memory_space<vmem>> -> memref<300xf32, #tpu.memory_space<vmem>>
      %dma_start3A_959 = arith.constant 0 : i32
      %dma_start3A_960 = tpu.memref_slice %arg2[%squeeze3A_948, %dma_start3A_959] : memref<100000x300xf32, #tpu.memory_space<hbm>> -> memref<1x300xf32, #tpu.memory_space<hbm>>
      %dma_start3A_961 = tpu.memref_squeeze %dma_start3A_960 : memref<1x300xf32, #tpu.memory_space<hbm>> -> memref<300xf32, #tpu.memory_space<hbm>>
      tpu.enqueue_dma source(%dma_start3A_961 : memref<300xf32, #tpu.memory_space<hbm>>) target(%dma_start3A_958 : memref<300xf32, #tpu.memory_space<vmem>>) target_semaphore(%arg7 : memref<!tpu.dma_semaphore, #tpu.memory_space<semaphore_mem>>)
      %get3A_962 = arith.constant 32 : index
      %get3A_963 = tpu.vector_load %arg5[%get3A_962] {strides = array<i32>} : memref<48xi32, #tpu.memory_space<vmem>>, vector<16xi32>,
      %get3A_964 = vector.shape_cast %get3A_963 : vector<16xi32> to vector<16xi32>
      %slice3A_965 = vector.extract_strided_slice %get3A_964 {offsets = [7], sizes = [1], strides = [1]} : vector<16xi32> to vector<1xi32>
      %squeeze3A_966 = vector.extract %slice3A_965[0] : i32 from vector<1xi32>
      %dma_start3A_967 = arith.constant 39 : i32
      %dma_start3A_968 = arith.constant 0 : i32
      %dma_start3A_969 = tpu.memref_slice %arg6[%dma_start3A_967, %dma_start3A_968] : memref<40x300xf32, #tpu.memory_space<vmem>> -> memref<1x300xf32, #tpu.memory_space<vmem>>
      %dma_start3A_970 = tpu.memref_squeeze %dma_start3A_969 : memref<1x300xf32, #tpu.memory_space<vmem>> -> memref<300xf32, #tpu.memory_space<vmem>>
      %dma_start3A_971 = arith.constant 0 : i32
      %dma_start3A_972 = tpu.memref_slice %arg2[%squeeze3A_966, %dma_start3A_971] : memref<100000x300xf32, #tpu.memory_space<hbm>> -> memref<1x300xf32, #tpu.memory_space<hbm>>
      %dma_start3A_973 = tpu.memref_squeeze %dma_start3A_972 : memref<1x300xf32, #tpu.memory_space<hbm>> -> memref<300xf32, #tpu.memory_space<hbm>>
      %dma_start3A_974 = arith.constant 0 : i32
      %dma_start3A_975 = tpu.memref_slice %arg6[%dma_start3A_967, %dma_start3A_974] : memref<40x300xf32, #tpu.memory_space<vmem>> -> memref<1x300xf32, #tpu.memory_space<vmem>>
      %dma_start3A_976 = tpu.memref_squeeze %dma_start3A_975 : memref<1x300xf32, #tpu.memory_space<vmem>> -> memref<300xf32, #tpu.memory_space<vmem>>
      %dma_start3A_977 = arith.constant 0 : i32
      %dma_start3A_978 = tpu.memref_slice %arg2[%squeeze3A_966, %dma_start3A_977] : memref<100000x300xf32, #tpu.memory_space<hbm>> -> memref<1x300xf32, #tpu.memory_space<hbm>>
      %dma_start3A_979 = tpu.memref_squeeze %dma_start3A_978 : memref<1x300xf32, #tpu.memory_space<hbm>> -> memref<300xf32, #tpu.memory_space<hbm>>
      tpu.enqueue_dma source(%dma_start3A_979 : memref<300xf32, #tpu.memory_space<hbm>>) target(%dma_start3A_976 : memref<300xf32, #tpu.memory_space<vmem>>) target_semaphore(%arg7 : memref<!tpu.dma_semaphore, #tpu.memory_space<semaphore_mem>>)
      %dma_wait3A_980 = arith.constant 20 : i32
      %dma_wait3A_981 = arith.constant 0 : i32
      %dma_wait3A_982 = tpu.memref_slice %arg6[%dma_wait3A_980, %dma_wait3A_981] : memref<40x300xf32, #tpu.memory_space<vmem>> -> memref<1x300xf32, #tpu.memory_space<vmem>>
      %dma_wait3A_983 = tpu.memref_squeeze %dma_wait3A_982 : memref<1x300xf32, #tpu.memory_space<vmem>> -> memref<300xf32, #tpu.memory_space<vmem>>
      %dma_wait3A_984 = arith.constant 0 : i32
      %dma_wait3A_985 = tpu.memref_slice %arg2[%squeeze3A_624, %dma_wait3A_984] : memref<100000x300xf32, #tpu.memory_space<hbm>> -> memref<1x300xf32, #tpu.memory_space<hbm>>
      %dma_wait3A_986 = tpu.memref_squeeze %dma_wait3A_985 : memref<1x300xf32, #tpu.memory_space<hbm>> -> memref<300xf32, #tpu.memory_space<hbm>>
      %dma_wait3A_987 = arith.constant 0 : i32
      %dma_wait3A_988 = tpu.memref_slice %arg6[%dma_wait3A_980, %dma_wait3A_987] : memref<40x300xf32, #tpu.memory_space<vmem>> -> memref<1x300xf32, #tpu.memory_space<vmem>>
      %dma_wait3A_989 = tpu.memref_squeeze %dma_wait3A_988 : memref<1x300xf32, #tpu.memory_space<vmem>> -> memref<300xf32, #tpu.memory_space<vmem>>
      %dma_wait3A_990 = arith.constant 0 : i32
      %dma_wait3A_991 = tpu.memref_slice %arg2[%squeeze3A_624, %dma_wait3A_990] : memref<100000x300xf32, #tpu.memory_space<hbm>> -> memref<1x300xf32, #tpu.memory_space<hbm>>
      %dma_wait3A_992 = tpu.memref_squeeze %dma_wait3A_991 : memref<1x300xf32, #tpu.memory_space<hbm>> -> memref<300xf32, #tpu.memory_space<hbm>>
      tpu.wait_dma2 semaphore(%arg7 : memref<!tpu.dma_semaphore, #tpu.memory_space<semaphore_mem>>) src(%dma_wait3A_992 : memref<300xf32, #tpu.memory_space<hbm>>) dst(%dma_wait3A_989 : memref<300xf32, #tpu.memory_space<vmem>>)
      %dma_wait3A_993 = arith.constant 21 : i32
      %dma_wait3A_994 = arith.constant 0 : i32
      %dma_wait3A_995 = tpu.memref_slice %arg6[%dma_wait3A_993, %dma_wait3A_994] : memref<40x300xf32, #tpu.memory_space<vmem>> -> memref<1x300xf32, #tpu.memory_space<vmem>>
      %dma_wait3A_996 = tpu.memref_squeeze %dma_wait3A_995 : memref<1x300xf32, #tpu.memory_space<vmem>> -> memref<300xf32, #tpu.memory_space<vmem>>
      %dma_wait3A_997 = arith.constant 0 : i32
      %dma_wait3A_998 = tpu.memref_slice %arg2[%squeeze3A_642, %dma_wait3A_997] : memref<100000x300xf32, #tpu.memory_space<hbm>> -> memref<1x300xf32, #tpu.memory_space<hbm>>
      %dma_wait3A_999 = tpu.memref_squeeze %dma_wait3A_998 : memref<1x300xf32, #tpu.memory_space<hbm>> -> memref<300xf32, #tpu.memory_space<hbm>>
      %dma_wait3A_1000 = arith.constant 0 : i32
      %dma_wait3A_1001 = tpu.memref_slice %arg6[%dma_wait3A_993, %dma_wait3A_1000] : memref<40x300xf32, #tpu.memory_space<vmem>> -> memref<1x300xf32, #tpu.memory_space<vmem>>
      %dma_wait3A_1002 = tpu.memref_squeeze %dma_wait3A_1001 : memref<1x300xf32, #tpu.memory_space<vmem>> -> memref<300xf32, #tpu.memory_space<vmem>>
      %dma_wait3A_1003 = arith.constant 0 : i32
      %dma_wait3A_1004 = tpu.memref_slice %arg2[%squeeze3A_642, %dma_wait3A_1003] : memref<100000x300xf32, #tpu.memory_space<hbm>> -> memref<1x300xf32, #tpu.memory_space<hbm>>
      %dma_wait3A_1005 = tpu.memref_squeeze %dma_wait3A_1004 : memref<1x300xf32, #tpu.memory_space<hbm>> -> memref<300xf32, #tpu.memory_space<hbm>>
      tpu.wait_dma2 semaphore(%arg7 : memref<!tpu.dma_semaphore, #tpu.memory_space<semaphore_mem>>) src(%dma_wait3A_1005 : memref<300xf32, #tpu.memory_space<hbm>>) dst(%dma_wait3A_1002 : memref<300xf32, #tpu.memory_space<vmem>>)
      %dma_wait3A_1006 = arith.constant 22 : i32
      %dma_wait3A_1007 = arith.constant 0 : i32
      %dma_wait3A_1008 = tpu.memref_slice %arg6[%dma_wait3A_1006, %dma_wait3A_1007] : memref<40x300xf32, #tpu.memory_space<vmem>> -> memref<1x300xf32, #tpu.memory_space<vmem>>
      %dma_wait3A_1009 = tpu.memref_squeeze %dma_wait3A_1008 : memref<1x300xf32, #tpu.memory_space<vmem>> -> memref<300xf32, #tpu.memory_space<vmem>>
      %dma_wait3A_1010 = arith.constant 0 : i32
      %dma_wait3A_1011 = tpu.memref_slice %arg2[%squeeze3A_660, %dma_wait3A_1010] : memref<100000x300xf32, #tpu.memory_space<hbm>> -> memref<1x300xf32, #tpu.memory_space<hbm>>
      %dma_wait3A_1012 = tpu.memref_squeeze %dma_wait3A_1011 : memref<1x300xf32, #tpu.memory_space<hbm>> -> memref<300xf32, #tpu.memory_space<hbm>>
      %dma_wait3A_1013 = arith.constant 0 : i32
      %dma_wait3A_1014 = tpu.memref_slice %arg6[%dma_wait3A_1006, %dma_wait3A_1013] : memref<40x300xf32, #tpu.memory_space<vmem>> -> memref<1x300xf32, #tpu.memory_space<vmem>>
      %dma_wait3A_1015 = tpu.memref_squeeze %dma_wait3A_1014 : memref<1x300xf32, #tpu.memory_space<vmem>> -> memref<300xf32, #tpu.memory_space<vmem>>
      %dma_wait3A_1016 = arith.constant 0 : i32
      %dma_wait3A_1017 = tpu.memref_slice %arg2[%squeeze3A_660, %dma_wait3A_1016] : memref<100000x300xf32, #tpu.memory_space<hbm>> -> memref<1x300xf32, #tpu.memory_space<hbm>>
      %dma_wait3A_1018 = tpu.memref_squeeze %dma_wait3A_1017 : memref<1x300xf32, #tpu.memory_space<hbm>> -> memref<300xf32, #tpu.memory_space<hbm>>
      tpu.wait_dma2 semaphore(%arg7 : memref<!tpu.dma_semaphore, #tpu.memory_space<semaphore_mem>>) src(%dma_wait3A_1018 : memref<300xf32, #tpu.memory_space<hbm>>) dst(%dma_wait3A_1015 : memref<300xf32, #tpu.memory_space<vmem>>)
      %dma_wait3A_1019 = arith.constant 23 : i32
      %dma_wait3A_1020 = arith.constant 0 : i32
      %dma_wait3A_1021 = tpu.memref_slice %arg6[%dma_wait3A_1019, %dma_wait3A_1020] : memref<40x300xf32, #tpu.memory_space<vmem>> -> memref<1x300xf32, #tpu.memory_space<vmem>>
      %dma_wait3A_1022 = tpu.memref_squeeze %dma_wait3A_1021 : memref<1x300xf32, #tpu.memory_space<vmem>> -> memref<300xf32, #tpu.memory_space<vmem>>
      %dma_wait3A_1023 = arith.constant 0 : i32
      %dma_wait3A_1024 = tpu.memref_slice %arg2[%squeeze3A_678, %dma_wait3A_1023] : memref<100000x300xf32, #tpu.memory_space<hbm>> -> memref<1x300xf32, #tpu.memory_space<hbm>>
      %dma_wait3A_1025 = tpu.memref_squeeze %dma_wait3A_1024 : memref<1x300xf32, #tpu.memory_space<hbm>> -> memref<300xf32, #tpu.memory_space<hbm>>
      %dma_wait3A_1026 = arith.constant 0 : i32
      %dma_wait3A_1027 = tpu.memref_slice %arg6[%dma_wait3A_1019, %dma_wait3A_1026] : memref<40x300xf32, #tpu.memory_space<vmem>> -> memref<1x300xf32, #tpu.memory_space<vmem>>
      %dma_wait3A_1028 = tpu.memref_squeeze %dma_wait3A_1027 : memref<1x300xf32, #tpu.memory_space<vmem>> -> memref<300xf32, #tpu.memory_space<vmem>>
      %dma_wait3A_1029 = arith.constant 0 : i32
      %dma_wait3A_1030 = tpu.memref_slice %arg2[%squeeze3A_678, %dma_wait3A_1029] : memref<100000x300xf32, #tpu.memory_space<hbm>> -> memref<1x300xf32, #tpu.memory_space<hbm>>
      %dma_wait3A_1031 = tpu.memref_squeeze %dma_wait3A_1030 : memref<1x300xf32, #tpu.memory_space<hbm>> -> memref<300xf32, #tpu.memory_space<hbm>>
      tpu.wait_dma2 semaphore(%arg7 : memref<!tpu.dma_semaphore, #tpu.memory_space<semaphore_mem>>) src(%dma_wait3A_1031 : memref<300xf32, #tpu.memory_space<hbm>>) dst(%dma_wait3A_1028 : memref<300xf32, #tpu.memory_space<vmem>>)
      %dma_wait3A_1032 = arith.constant 24 : i32
      %dma_wait3A_1033 = arith.constant 0 : i32
      %dma_wait3A_1034 = tpu.memref_slice %arg6[%dma_wait3A_1032, %dma_wait3A_1033] : memref<40x300xf32, #tpu.memory_space<vmem>> -> memref<1x300xf32, #tpu.memory_space<vmem>>
      %dma_wait3A_1035 = tpu.memref_squeeze %dma_wait3A_1034 : memref<1x300xf32, #tpu.memory_space<vmem>> -> memref<300xf32, #tpu.memory_space<vmem>>
      %dma_wait3A_1036 = arith.constant 0 : i32
      %dma_wait3A_1037 = tpu.memref_slice %arg2[%squeeze3A_696, %dma_wait3A_1036] : memref<100000x300xf32, #tpu.memory_space<hbm>> -> memref<1x300xf32, #tpu.memory_space<hbm>>
      %dma_wait3A_1038 = tpu.memref_squeeze %dma_wait3A_1037 : memref<1x300xf32, #tpu.memory_space<hbm>> -> memref<300xf32, #tpu.memory_space<hbm>>
      %dma_wait3A_1039 = arith.constant 0 : i32
      %dma_wait3A_1040 = tpu.memref_slice %arg6[%dma_wait3A_1032, %dma_wait3A_1039] : memref<40x300xf32, #tpu.memory_space<vmem>> -> memref<1x300xf32, #tpu.memory_space<vmem>>
      %dma_wait3A_1041 = tpu.memref_squeeze %dma_wait3A_1040 : memref<1x300xf32, #tpu.memory_space<vmem>> -> memref<300xf32, #tpu.memory_space<vmem>>
      %dma_wait3A_1042 = arith.constant 0 : i32
      %dma_wait3A_1043 = tpu.memref_slice %arg2[%squeeze3A_696, %dma_wait3A_1042] : memref<100000x300xf32, #tpu.memory_space<hbm>> -> memref<1x300xf32, #tpu.memory_space<hbm>>
      %dma_wait3A_1044 = tpu.memref_squeeze %dma_wait3A_1043 : memref<1x300xf32, #tpu.memory_space<hbm>> -> memref<300xf32, #tpu.memory_space<hbm>>
      tpu.wait_dma2 semaphore(%arg7 : memref<!tpu.dma_semaphore, #tpu.memory_space<semaphore_mem>>) src(%dma_wait3A_1044 : memref<300xf32, #tpu.memory_space<hbm>>) dst(%dma_wait3A_1041 : memref<300xf32, #tpu.memory_space<vmem>>)
      %dma_wait3A_1045 = arith.constant 25 : i32
      %dma_wait3A_1046 = arith.constant 0 : i32
      %dma_wait3A_1047 = tpu.memref_slice %arg6[%dma_wait3A_1045, %dma_wait3A_1046] : memref<40x300xf32, #tpu.memory_space<vmem>> -> memref<1x300xf32, #tpu.memory_space<vmem>>
      %dma_wait3A_1048 = tpu.memref_squeeze %dma_wait3A_1047 : memref<1x300xf32, #tpu.memory_space<vmem>> -> memref<300xf32, #tpu.memory_space<vmem>>
      %dma_wait3A_1049 = arith.constant 0 : i32
      %dma_wait3A_1050 = tpu.memref_slice %arg2[%squeeze3A_714, %dma_wait3A_1049] : memref<100000x300xf32, #tpu.memory_space<hbm>> -> memref<1x300xf32, #tpu.memory_space<hbm>>
      %dma_wait3A_1051 = tpu.memref_squeeze %dma_wait3A_1050 : memref<1x300xf32, #tpu.memory_space<hbm>> -> memref<300xf32, #tpu.memory_space<hbm>>
      %dma_wait3A_1052 = arith.constant 0 : i32
      %dma_wait3A_1053 = tpu.memref_slice %arg6[%dma_wait3A_1045, %dma_wait3A_1052] : memref<40x300xf32, #tpu.memory_space<vmem>> -> memref<1x300xf32, #tpu.memory_space<vmem>>
      %dma_wait3A_1054 = tpu.memref_squeeze %dma_wait3A_1053 : memref<1x300xf32, #tpu.memory_space<vmem>> -> memref<300xf32, #tpu.memory_space<vmem>>
      %dma_wait3A_1055 = arith.constant 0 : i32
      %dma_wait3A_1056 = tpu.memref_slice %arg2[%squeeze3A_714, %dma_wait3A_1055] : memref<100000x300xf32, #tpu.memory_space<hbm>> -> memref<1x300xf32, #tpu.memory_space<hbm>>
      %dma_wait3A_1057 = tpu.memref_squeeze %dma_wait3A_1056 : memref<1x300xf32, #tpu.memory_space<hbm>> -> memref<300xf32, #tpu.memory_space<hbm>>
      tpu.wait_dma2 semaphore(%arg7 : memref<!tpu.dma_semaphore, #tpu.memory_space<semaphore_mem>>) src(%dma_wait3A_1057 : memref<300xf32, #tpu.memory_space<hbm>>) dst(%dma_wait3A_1054 : memref<300xf32, #tpu.memory_space<vmem>>)
      %dma_wait3A_1058 = arith.constant 26 : i32
      %dma_wait3A_1059 = arith.constant 0 : i32
      %dma_wait3A_1060 = tpu.memref_slice %arg6[%dma_wait3A_1058, %dma_wait3A_1059] : memref<40x300xf32, #tpu.memory_space<vmem>> -> memref<1x300xf32, #tpu.memory_space<vmem>>
      %dma_wait3A_1061 = tpu.memref_squeeze %dma_wait3A_1060 : memref<1x300xf32, #tpu.memory_space<vmem>> -> memref<300xf32, #tpu.memory_space<vmem>>
      %dma_wait3A_1062 = arith.constant 0 : i32
      %dma_wait3A_1063 = tpu.memref_slice %arg2[%squeeze3A_732, %dma_wait3A_1062] : memref<100000x300xf32, #tpu.memory_space<hbm>> -> memref<1x300xf32, #tpu.memory_space<hbm>>
      %dma_wait3A_1064 = tpu.memref_squeeze %dma_wait3A_1063 : memref<1x300xf32, #tpu.memory_space<hbm>> -> memref<300xf32, #tpu.memory_space<hbm>>
      %dma_wait3A_1065 = arith.constant 0 : i32
      %dma_wait3A_1066 = tpu.memref_slice %arg6[%dma_wait3A_1058, %dma_wait3A_1065] : memref<40x300xf32, #tpu.memory_space<vmem>> -> memref<1x300xf32, #tpu.memory_space<vmem>>
      %dma_wait3A_1067 = tpu.memref_squeeze %dma_wait3A_1066 : memref<1x300xf32, #tpu.memory_space<vmem>> -> memref<300xf32, #tpu.memory_space<vmem>>
      %dma_wait3A_1068 = arith.constant 0 : i32
      %dma_wait3A_1069 = tpu.memref_slice %arg2[%squeeze3A_732, %dma_wait3A_1068] : memref<100000x300xf32, #tpu.memory_space<hbm>> -> memref<1x300xf32, #tpu.memory_space<hbm>>
      %dma_wait3A_1070 = tpu.memref_squeeze %dma_wait3A_1069 : memref<1x300xf32, #tpu.memory_space<hbm>> -> memref<300xf32, #tpu.memory_space<hbm>>
      tpu.wait_dma2 semaphore(%arg7 : memref<!tpu.dma_semaphore, #tpu.memory_space<semaphore_mem>>) src(%dma_wait3A_1070 : memref<300xf32, #tpu.memory_space<hbm>>) dst(%dma_wait3A_1067 : memref<300xf32, #tpu.memory_space<vmem>>)
      %dma_wait3A_1071 = arith.constant 27 : i32
      %dma_wait3A_1072 = arith.constant 0 : i32
      %dma_wait3A_1073 = tpu.memref_slice %arg6[%dma_wait3A_1071, %dma_wait3A_1072] : memref<40x300xf32, #tpu.memory_space<vmem>> -> memref<1x300xf32, #tpu.memory_space<vmem>>
      %dma_wait3A_1074 = tpu.memref_squeeze %dma_wait3A_1073 : memref<1x300xf32, #tpu.memory_space<vmem>> -> memref<300xf32, #tpu.memory_space<vmem>>
      %dma_wait3A_1075 = arith.constant 0 : i32
      %dma_wait3A_1076 = tpu.memref_slice %arg2[%squeeze3A_750, %dma_wait3A_1075] : memref<100000x300xf32, #tpu.memory_space<hbm>> -> memref<1x300xf32, #tpu.memory_space<hbm>>
      %dma_wait3A_1077 = tpu.memref_squeeze %dma_wait3A_1076 : memref<1x300xf32, #tpu.memory_space<hbm>> -> memref<300xf32, #tpu.memory_space<hbm>>
      %dma_wait3A_1078 = arith.constant 0 : i32
      %dma_wait3A_1079 = tpu.memref_slice %arg6[%dma_wait3A_1071, %dma_wait3A_1078] : memref<40x300xf32, #tpu.memory_space<vmem>> -> memref<1x300xf32, #tpu.memory_space<vmem>>
      %dma_wait3A_1080 = tpu.memref_squeeze %dma_wait3A_1079 : memref<1x300xf32, #tpu.memory_space<vmem>> -> memref<300xf32, #tpu.memory_space<vmem>>
      %dma_wait3A_1081 = arith.constant 0 : i32
      %dma_wait3A_1082 = tpu.memref_slice %arg2[%squeeze3A_750, %dma_wait3A_1081] : memref<100000x300xf32, #tpu.memory_space<hbm>> -> memref<1x300xf32, #tpu.memory_space<hbm>>
      %dma_wait3A_1083 = tpu.memref_squeeze %dma_wait3A_1082 : memref<1x300xf32, #tpu.memory_space<hbm>> -> memref<300xf32, #tpu.memory_space<hbm>>
      tpu.wait_dma2 semaphore(%arg7 : memref<!tpu.dma_semaphore, #tpu.memory_space<semaphore_mem>>) src(%dma_wait3A_1083 : memref<300xf32, #tpu.memory_space<hbm>>) dst(%dma_wait3A_1080 : memref<300xf32, #tpu.memory_space<vmem>>)
      %dma_wait3A_1084 = arith.constant 28 : i32
      %dma_wait3A_1085 = arith.constant 0 : i32
      %dma_wait3A_1086 = tpu.memref_slice %arg6[%dma_wait3A_1084, %dma_wait3A_1085] : memref<40x300xf32, #tpu.memory_space<vmem>> -> memref<1x300xf32, #tpu.memory_space<vmem>>
      %dma_wait3A_1087 = tpu.memref_squeeze %dma_wait3A_1086 : memref<1x300xf32, #tpu.memory_space<vmem>> -> memref<300xf32, #tpu.memory_space<vmem>>
      %dma_wait3A_1088 = arith.constant 0 : i32
      %dma_wait3A_1089 = tpu.memref_slice %arg2[%squeeze3A_768, %dma_wait3A_1088] : memref<100000x300xf32, #tpu.memory_space<hbm>> -> memref<1x300xf32, #tpu.memory_space<hbm>>
      %dma_wait3A_1090 = tpu.memref_squeeze %dma_wait3A_1089 : memref<1x300xf32, #tpu.memory_space<hbm>> -> memref<300xf32, #tpu.memory_space<hbm>>
      %dma_wait3A_1091 = arith.constant 0 : i32
      %dma_wait3A_1092 = tpu.memref_slice %arg6[%dma_wait3A_1084, %dma_wait3A_1091] : memref<40x300xf32, #tpu.memory_space<vmem>> -> memref<1x300xf32, #tpu.memory_space<vmem>>
      %dma_wait3A_1093 = tpu.memref_squeeze %dma_wait3A_1092 : memref<1x300xf32, #tpu.memory_space<vmem>> -> memref<300xf32, #tpu.memory_space<vmem>>
      %dma_wait3A_1094 = arith.constant 0 : i32
      %dma_wait3A_1095 = tpu.memref_slice %arg2[%squeeze3A_768, %dma_wait3A_1094] : memref<100000x300xf32, #tpu.memory_space<hbm>> -> memref<1x300xf32, #tpu.memory_space<hbm>>
      %dma_wait3A_1096 = tpu.memref_squeeze %dma_wait3A_1095 : memref<1x300xf32, #tpu.memory_space<hbm>> -> memref<300xf32, #tpu.memory_space<hbm>>
      tpu.wait_dma2 semaphore(%arg7 : memref<!tpu.dma_semaphore, #tpu.memory_space<semaphore_mem>>) src(%dma_wait3A_1096 : memref<300xf32, #tpu.memory_space<hbm>>) dst(%dma_wait3A_1093 : memref<300xf32, #tpu.memory_space<vmem>>)
      %dma_wait3A_1097 = arith.constant 29 : i32
      %dma_wait3A_1098 = arith.constant 0 : i32
      %dma_wait3A_1099 = tpu.memref_slice %arg6[%dma_wait3A_1097, %dma_wait3A_1098] : memref<40x300xf32, #tpu.memory_space<vmem>> -> memref<1x300xf32, #tpu.memory_space<vmem>>
      %dma_wait3A_1100 = tpu.memref_squeeze %dma_wait3A_1099 : memref<1x300xf32, #tpu.memory_space<vmem>> -> memref<300xf32, #tpu.memory_space<vmem>>
      %dma_wait3A_1101 = arith.constant 0 : i32
      %dma_wait3A_1102 = tpu.memref_slice %arg2[%squeeze3A_786, %dma_wait3A_1101] : memref<100000x300xf32, #tpu.memory_space<hbm>> -> memref<1x300xf32, #tpu.memory_space<hbm>>
      %dma_wait3A_1103 = tpu.memref_squeeze %dma_wait3A_1102 : memref<1x300xf32, #tpu.memory_space<hbm>> -> memref<300xf32, #tpu.memory_space<hbm>>
      %dma_wait3A_1104 = arith.constant 0 : i32
      %dma_wait3A_1105 = tpu.memref_slice %arg6[%dma_wait3A_1097, %dma_wait3A_1104] : memref<40x300xf32, #tpu.memory_space<vmem>> -> memref<1x300xf32, #tpu.memory_space<vmem>>
      %dma_wait3A_1106 = tpu.memref_squeeze %dma_wait3A_1105 : memref<1x300xf32, #tpu.memory_space<vmem>> -> memref<300xf32, #tpu.memory_space<vmem>>
      %dma_wait3A_1107 = arith.constant 0 : i32
      %dma_wait3A_1108 = tpu.memref_slice %arg2[%squeeze3A_786, %dma_wait3A_1107] : memref<100000x300xf32, #tpu.memory_space<hbm>> -> memref<1x300xf32, #tpu.memory_space<hbm>>
      %dma_wait3A_1109 = tpu.memref_squeeze %dma_wait3A_1108 : memref<1x300xf32, #tpu.memory_space<hbm>> -> memref<300xf32, #tpu.memory_space<hbm>>
      tpu.wait_dma2 semaphore(%arg7 : memref<!tpu.dma_semaphore, #tpu.memory_space<semaphore_mem>>) src(%dma_wait3A_1109 : memref<300xf32, #tpu.memory_space<hbm>>) dst(%dma_wait3A_1106 : memref<300xf32, #tpu.memory_space<vmem>>)
      %dma_wait3A_1110 = arith.constant 30 : i32
      %dma_wait3A_1111 = arith.constant 0 : i32
      %dma_wait3A_1112 = tpu.memref_slice %arg6[%dma_wait3A_1110, %dma_wait3A_1111] : memref<40x300xf32, #tpu.memory_space<vmem>> -> memref<1x300xf32, #tpu.memory_space<vmem>>
      %dma_wait3A_1113 = tpu.memref_squeeze %dma_wait3A_1112 : memref<1x300xf32, #tpu.memory_space<vmem>> -> memref<300xf32, #tpu.memory_space<vmem>>
      %dma_wait3A_1114 = arith.constant 0 : i32
      %dma_wait3A_1115 = tpu.memref_slice %arg2[%squeeze3A_804, %dma_wait3A_1114] : memref<100000x300xf32, #tpu.memory_space<hbm>> -> memref<1x300xf32, #tpu.memory_space<hbm>>
      %dma_wait3A_1116 = tpu.memref_squeeze %dma_wait3A_1115 : memref<1x300xf32, #tpu.memory_space<hbm>> -> memref<300xf32, #tpu.memory_space<hbm>>
      %dma_wait3A_1117 = arith.constant 0 : i32
      %dma_wait3A_1118 = tpu.memref_slice %arg6[%dma_wait3A_1110, %dma_wait3A_1117] : memref<40x300xf32, #tpu.memory_space<vmem>> -> memref<1x300xf32, #tpu.memory_space<vmem>>
      %dma_wait3A_1119 = tpu.memref_squeeze %dma_wait3A_1118 : memref<1x300xf32, #tpu.memory_space<vmem>> -> memref<300xf32, #tpu.memory_space<vmem>>
      %dma_wait3A_1120 = arith.constant 0 : i32
      %dma_wait3A_1121 = tpu.memref_slice %arg2[%squeeze3A_804, %dma_wait3A_1120] : memref<100000x300xf32, #tpu.memory_space<hbm>> -> memref<1x300xf32, #tpu.memory_space<hbm>>
      %dma_wait3A_1122 = tpu.memref_squeeze %dma_wait3A_1121 : memref<1x300xf32, #tpu.memory_space<hbm>> -> memref<300xf32, #tpu.memory_space<hbm>>
      tpu.wait_dma2 semaphore(%arg7 : memref<!tpu.dma_semaphore, #tpu.memory_space<semaphore_mem>>) src(%dma_wait3A_1122 : memref<300xf32, #tpu.memory_space<hbm>>) dst(%dma_wait3A_1119 : memref<300xf32, #tpu.memory_space<vmem>>)
      %dma_wait3A_1123 = arith.constant 31 : i32
      %dma_wait3A_1124 = arith.constant 0 : i32
      %dma_wait3A_1125 = tpu.memref_slice %arg6[%dma_wait3A_1123, %dma_wait3A_1124] : memref<40x300xf32, #tpu.memory_space<vmem>> -> memref<1x300xf32, #tpu.memory_space<vmem>>
      %dma_wait3A_1126 = tpu.memref_squeeze %dma_wait3A_1125 : memref<1x300xf32, #tpu.memory_space<vmem>> -> memref<300xf32, #tpu.memory_space<vmem>>
      %dma_wait3A_1127 = arith.constant 0 : i32
      %dma_wait3A_1128 = tpu.memref_slice %arg2[%squeeze3A_822, %dma_wait3A_1127] : memref<100000x300xf32, #tpu.memory_space<hbm>> -> memref<1x300xf32, #tpu.memory_space<hbm>>
      %dma_wait3A_1129 = tpu.memref_squeeze %dma_wait3A_1128 : memref<1x300xf32, #tpu.memory_space<hbm>> -> memref<300xf32, #tpu.memory_space<hbm>>
      %dma_wait3A_1130 = arith.constant 0 : i32
      %dma_wait3A_1131 = tpu.memref_slice %arg6[%dma_wait3A_1123, %dma_wait3A_1130] : memref<40x300xf32, #tpu.memory_space<vmem>> -> memref<1x300xf32, #tpu.memory_space<vmem>>
      %dma_wait3A_1132 = tpu.memref_squeeze %dma_wait3A_1131 : memref<1x300xf32, #tpu.memory_space<vmem>> -> memref<300xf32, #tpu.memory_space<vmem>>
      %dma_wait3A_1133 = arith.constant 0 : i32
      %dma_wait3A_1134 = tpu.memref_slice %arg2[%squeeze3A_822, %dma_wait3A_1133] : memref<100000x300xf32, #tpu.memory_space<hbm>> -> memref<1x300xf32, #tpu.memory_space<hbm>>
      %dma_wait3A_1135 = tpu.memref_squeeze %dma_wait3A_1134 : memref<1x300xf32, #tpu.memory_space<hbm>> -> memref<300xf32, #tpu.memory_space<hbm>>
      tpu.wait_dma2 semaphore(%arg7 : memref<!tpu.dma_semaphore, #tpu.memory_space<semaphore_mem>>) src(%dma_wait3A_1135 : memref<300xf32, #tpu.memory_space<hbm>>) dst(%dma_wait3A_1132 : memref<300xf32, #tpu.memory_space<vmem>>)
      %dma_wait3A_1136 = arith.constant 32 : i32
      %dma_wait3A_1137 = arith.constant 0 : i32
      %dma_wait3A_1138 = tpu.memref_slice %arg6[%dma_wait3A_1136, %dma_wait3A_1137] : memref<40x300xf32, #tpu.memory_space<vmem>> -> memref<1x300xf32, #tpu.memory_space<vmem>>
      %dma_wait3A_1139 = tpu.memref_squeeze %dma_wait3A_1138 : memref<1x300xf32, #tpu.memory_space<vmem>> -> memref<300xf32, #tpu.memory_space<vmem>>
      %dma_wait3A_1140 = arith.constant 0 : i32
      %dma_wait3A_1141 = tpu.memref_slice %arg2[%squeeze3A_840, %dma_wait3A_1140] : memref<100000x300xf32, #tpu.memory_space<hbm>> -> memref<1x300xf32, #tpu.memory_space<hbm>>
      %dma_wait3A_1142 = tpu.memref_squeeze %dma_wait3A_1141 : memref<1x300xf32, #tpu.memory_space<hbm>> -> memref<300xf32, #tpu.memory_space<hbm>>
      %dma_wait3A_1143 = arith.constant 0 : i32
      %dma_wait3A_1144 = tpu.memref_slice %arg6[%dma_wait3A_1136, %dma_wait3A_1143] : memref<40x300xf32, #tpu.memory_space<vmem>> -> memref<1x300xf32, #tpu.memory_space<vmem>>
      %dma_wait3A_1145 = tpu.memref_squeeze %dma_wait3A_1144 : memref<1x300xf32, #tpu.memory_space<vmem>> -> memref<300xf32, #tpu.memory_space<vmem>>
      %dma_wait3A_1146 = arith.constant 0 : i32
      %dma_wait3A_1147 = tpu.memref_slice %arg2[%squeeze3A_840, %dma_wait3A_1146] : memref<100000x300xf32, #tpu.memory_space<hbm>> -> memref<1x300xf32, #tpu.memory_space<hbm>>
      %dma_wait3A_1148 = tpu.memref_squeeze %dma_wait3A_1147 : memref<1x300xf32, #tpu.memory_space<hbm>> -> memref<300xf32, #tpu.memory_space<hbm>>
      tpu.wait_dma2 semaphore(%arg7 : memref<!tpu.dma_semaphore, #tpu.memory_space<semaphore_mem>>) src(%dma_wait3A_1148 : memref<300xf32, #tpu.memory_space<hbm>>) dst(%dma_wait3A_1145 : memref<300xf32, #tpu.memory_space<vmem>>)
      %dma_wait3A_1149 = arith.constant 33 : i32
      %dma_wait3A_1150 = arith.constant 0 : i32
      %dma_wait3A_1151 = tpu.memref_slice %arg6[%dma_wait3A_1149, %dma_wait3A_1150] : memref<40x300xf32, #tpu.memory_space<vmem>> -> memref<1x300xf32, #tpu.memory_space<vmem>>
      %dma_wait3A_1152 = tpu.memref_squeeze %dma_wait3A_1151 : memref<1x300xf32, #tpu.memory_space<vmem>> -> memref<300xf32, #tpu.memory_space<vmem>>
      %dma_wait3A_1153 = arith.constant 0 : i32
      %dma_wait3A_1154 = tpu.memref_slice %arg2[%squeeze3A_858, %dma_wait3A_1153] : memref<100000x300xf32, #tpu.memory_space<hbm>> -> memref<1x300xf32, #tpu.memory_space<hbm>>
      %dma_wait3A_1155 = tpu.memref_squeeze %dma_wait3A_1154 : memref<1x300xf32, #tpu.memory_space<hbm>> -> memref<300xf32, #tpu.memory_space<hbm>>
      %dma_wait3A_1156 = arith.constant 0 : i32
      %dma_wait3A_1157 = tpu.memref_slice %arg6[%dma_wait3A_1149, %dma_wait3A_1156] : memref<40x300xf32, #tpu.memory_space<vmem>> -> memref<1x300xf32, #tpu.memory_space<vmem>>
      %dma_wait3A_1158 = tpu.memref_squeeze %dma_wait3A_1157 : memref<1x300xf32, #tpu.memory_space<vmem>> -> memref<300xf32, #tpu.memory_space<vmem>>
      %dma_wait3A_1159 = arith.constant 0 : i32
      %dma_wait3A_1160 = tpu.memref_slice %arg2[%squeeze3A_858, %dma_wait3A_1159] : memref<100000x300xf32, #tpu.memory_space<hbm>> -> memref<1x300xf32, #tpu.memory_space<hbm>>
      %dma_wait3A_1161 = tpu.memref_squeeze %dma_wait3A_1160 : memref<1x300xf32, #tpu.memory_space<hbm>> -> memref<300xf32, #tpu.memory_space<hbm>>
      tpu.wait_dma2 semaphore(%arg7 : memref<!tpu.dma_semaphore, #tpu.memory_space<semaphore_mem>>) src(%dma_wait3A_1161 : memref<300xf32, #tpu.memory_space<hbm>>) dst(%dma_wait3A_1158 : memref<300xf32, #tpu.memory_space<vmem>>)
      %dma_wait3A_1162 = arith.constant 34 : i32
      %dma_wait3A_1163 = arith.constant 0 : i32
      %dma_wait3A_1164 = tpu.memref_slice %arg6[%dma_wait3A_1162, %dma_wait3A_1163] : memref<40x300xf32, #tpu.memory_space<vmem>> -> memref<1x300xf32, #tpu.memory_space<vmem>>
      %dma_wait3A_1165 = tpu.memref_squeeze %dma_wait3A_1164 : memref<1x300xf32, #tpu.memory_space<vmem>> -> memref<300xf32, #tpu.memory_space<vmem>>
      %dma_wait3A_1166 = arith.constant 0 : i32
      %dma_wait3A_1167 = tpu.memref_slice %arg2[%squeeze3A_876, %dma_wait3A_1166] : memref<100000x300xf32, #tpu.memory_space<hbm>> -> memref<1x300xf32, #tpu.memory_space<hbm>>
      %dma_wait3A_1168 = tpu.memref_squeeze %dma_wait3A_1167 : memref<1x300xf32, #tpu.memory_space<hbm>> -> memref<300xf32, #tpu.memory_space<hbm>>
      %dma_wait3A_1169 = arith.constant 0 : i32
      %dma_wait3A_1170 = tpu.memref_slice %arg6[%dma_wait3A_1162, %dma_wait3A_1169] : memref<40x300xf32, #tpu.memory_space<vmem>> -> memref<1x300xf32, #tpu.memory_space<vmem>>
      %dma_wait3A_1171 = tpu.memref_squeeze %dma_wait3A_1170 : memref<1x300xf32, #tpu.memory_space<vmem>> -> memref<300xf32, #tpu.memory_space<vmem>>
      %dma_wait3A_1172 = arith.constant 0 : i32
      %dma_wait3A_1173 = tpu.memref_slice %arg2[%squeeze3A_876, %dma_wait3A_1172] : memref<100000x300xf32, #tpu.memory_space<hbm>> -> memref<1x300xf32, #tpu.memory_space<hbm>>
      %dma_wait3A_1174 = tpu.memref_squeeze %dma_wait3A_1173 : memref<1x300xf32, #tpu.memory_space<hbm>> -> memref<300xf32, #tpu.memory_space<hbm>>
      tpu.wait_dma2 semaphore(%arg7 : memref<!tpu.dma_semaphore, #tpu.memory_space<semaphore_mem>>) src(%dma_wait3A_1174 : memref<300xf32, #tpu.memory_space<hbm>>) dst(%dma_wait3A_1171 : memref<300xf32, #tpu.memory_space<vmem>>)
      %dma_wait3A_1175 = arith.constant 35 : i32
      %dma_wait3A_1176 = arith.constant 0 : i32
      %dma_wait3A_1177 = tpu.memref_slice %arg6[%dma_wait3A_1175, %dma_wait3A_1176] : memref<40x300xf32, #tpu.memory_space<vmem>> -> memref<1x300xf32, #tpu.memory_space<vmem>>
      %dma_wait3A_1178 = tpu.memref_squeeze %dma_wait3A_1177 : memref<1x300xf32, #tpu.memory_space<vmem>> -> memref<300xf32, #tpu.memory_space<vmem>>
      %dma_wait3A_1179 = arith.constant 0 : i32
      %dma_wait3A_1180 = tpu.memref_slice %arg2[%squeeze3A_894, %dma_wait3A_1179] : memref<100000x300xf32, #tpu.memory_space<hbm>> -> memref<1x300xf32, #tpu.memory_space<hbm>>
      %dma_wait3A_1181 = tpu.memref_squeeze %dma_wait3A_1180 : memref<1x300xf32, #tpu.memory_space<hbm>> -> memref<300xf32, #tpu.memory_space<hbm>>
      %dma_wait3A_1182 = arith.constant 0 : i32
      %dma_wait3A_1183 = tpu.memref_slice %arg6[%dma_wait3A_1175, %dma_wait3A_1182] : memref<40x300xf32, #tpu.memory_space<vmem>> -> memref<1x300xf32, #tpu.memory_space<vmem>>
      %dma_wait3A_1184 = tpu.memref_squeeze %dma_wait3A_1183 : memref<1x300xf32, #tpu.memory_space<vmem>> -> memref<300xf32, #tpu.memory_space<vmem>>
      %dma_wait3A_1185 = arith.constant 0 : i32
      %dma_wait3A_1186 = tpu.memref_slice %arg2[%squeeze3A_894, %dma_wait3A_1185] : memref<100000x300xf32, #tpu.memory_space<hbm>> -> memref<1x300xf32, #tpu.memory_space<hbm>>
      %dma_wait3A_1187 = tpu.memref_squeeze %dma_wait3A_1186 : memref<1x300xf32, #tpu.memory_space<hbm>> -> memref<300xf32, #tpu.memory_space<hbm>>
      tpu.wait_dma2 semaphore(%arg7 : memref<!tpu.dma_semaphore, #tpu.memory_space<semaphore_mem>>) src(%dma_wait3A_1187 : memref<300xf32, #tpu.memory_space<hbm>>) dst(%dma_wait3A_1184 : memref<300xf32, #tpu.memory_space<vmem>>)
      %dma_wait3A_1188 = arith.constant 36 : i32
      %dma_wait3A_1189 = arith.constant 0 : i32
      %dma_wait3A_1190 = tpu.memref_slice %arg6[%dma_wait3A_1188, %dma_wait3A_1189] : memref<40x300xf32, #tpu.memory_space<vmem>> -> memref<1x300xf32, #tpu.memory_space<vmem>>
      %dma_wait3A_1191 = tpu.memref_squeeze %dma_wait3A_1190 : memref<1x300xf32, #tpu.memory_space<vmem>> -> memref<300xf32, #tpu.memory_space<vmem>>
      %dma_wait3A_1192 = arith.constant 0 : i32
      %dma_wait3A_1193 = tpu.memref_slice %arg2[%squeeze3A_912, %dma_wait3A_1192] : memref<100000x300xf32, #tpu.memory_space<hbm>> -> memref<1x300xf32, #tpu.memory_space<hbm>>
      %dma_wait3A_1194 = tpu.memref_squeeze %dma_wait3A_1193 : memref<1x300xf32, #tpu.memory_space<hbm>> -> memref<300xf32, #tpu.memory_space<hbm>>
      %dma_wait3A_1195 = arith.constant 0 : i32
      %dma_wait3A_1196 = tpu.memref_slice %arg6[%dma_wait3A_1188, %dma_wait3A_1195] : memref<40x300xf32, #tpu.memory_space<vmem>> -> memref<1x300xf32, #tpu.memory_space<vmem>>
      %dma_wait3A_1197 = tpu.memref_squeeze %dma_wait3A_1196 : memref<1x300xf32, #tpu.memory_space<vmem>> -> memref<300xf32, #tpu.memory_space<vmem>>
      %dma_wait3A_1198 = arith.constant 0 : i32
      %dma_wait3A_1199 = tpu.memref_slice %arg2[%squeeze3A_912, %dma_wait3A_1198] : memref<100000x300xf32, #tpu.memory_space<hbm>> -> memref<1x300xf32, #tpu.memory_space<hbm>>
      %dma_wait3A_1200 = tpu.memref_squeeze %dma_wait3A_1199 : memref<1x300xf32, #tpu.memory_space<hbm>> -> memref<300xf32, #tpu.memory_space<hbm>>
      tpu.wait_dma2 semaphore(%arg7 : memref<!tpu.dma_semaphore, #tpu.memory_space<semaphore_mem>>) src(%dma_wait3A_1200 : memref<300xf32, #tpu.memory_space<hbm>>) dst(%dma_wait3A_1197 : memref<300xf32, #tpu.memory_space<vmem>>)
      %dma_wait3A_1201 = arith.constant 37 : i32
      %dma_wait3A_1202 = arith.constant 0 : i32
      %dma_wait3A_1203 = tpu.memref_slice %arg6[%dma_wait3A_1201, %dma_wait3A_1202] : memref<40x300xf32, #tpu.memory_space<vmem>> -> memref<1x300xf32, #tpu.memory_space<vmem>>
      %dma_wait3A_1204 = tpu.memref_squeeze %dma_wait3A_1203 : memref<1x300xf32, #tpu.memory_space<vmem>> -> memref<300xf32, #tpu.memory_space<vmem>>
      %dma_wait3A_1205 = arith.constant 0 : i32
      %dma_wait3A_1206 = tpu.memref_slice %arg2[%squeeze3A_930, %dma_wait3A_1205] : memref<100000x300xf32, #tpu.memory_space<hbm>> -> memref<1x300xf32, #tpu.memory_space<hbm>>
      %dma_wait3A_1207 = tpu.memref_squeeze %dma_wait3A_1206 : memref<1x300xf32, #tpu.memory_space<hbm>> -> memref<300xf32, #tpu.memory_space<hbm>>
      %dma_wait3A_1208 = arith.constant 0 : i32
      %dma_wait3A_1209 = tpu.memref_slice %arg6[%dma_wait3A_1201, %dma_wait3A_1208] : memref<40x300xf32, #tpu.memory_space<vmem>> -> memref<1x300xf32, #tpu.memory_space<vmem>>
      %dma_wait3A_1210 = tpu.memref_squeeze %dma_wait3A_1209 : memref<1x300xf32, #tpu.memory_space<vmem>> -> memref<300xf32, #tpu.memory_space<vmem>>
      %dma_wait3A_1211 = arith.constant 0 : i32
      %dma_wait3A_1212 = tpu.memref_slice %arg2[%squeeze3A_930, %dma_wait3A_1211] : memref<100000x300xf32, #tpu.memory_space<hbm>> -> memref<1x300xf32, #tpu.memory_space<hbm>>
      %dma_wait3A_1213 = tpu.memref_squeeze %dma_wait3A_1212 : memref<1x300xf32, #tpu.memory_space<hbm>> -> memref<300xf32, #tpu.memory_space<hbm>>
      tpu.wait_dma2 semaphore(%arg7 : memref<!tpu.dma_semaphore, #tpu.memory_space<semaphore_mem>>) src(%dma_wait3A_1213 : memref<300xf32, #tpu.memory_space<hbm>>) dst(%dma_wait3A_1210 : memref<300xf32, #tpu.memory_space<vmem>>)
      %dma_wait3A_1214 = arith.constant 38 : i32
      %dma_wait3A_1215 = arith.constant 0 : i32
      %dma_wait3A_1216 = tpu.memref_slice %arg6[%dma_wait3A_1214, %dma_wait3A_1215] : memref<40x300xf32, #tpu.memory_space<vmem>> -> memref<1x300xf32, #tpu.memory_space<vmem>>
      %dma_wait3A_1217 = tpu.memref_squeeze %dma_wait3A_1216 : memref<1x300xf32, #tpu.memory_space<vmem>> -> memref<300xf32, #tpu.memory_space<vmem>>
      %dma_wait3A_1218 = arith.constant 0 : i32
      %dma_wait3A_1219 = tpu.memref_slice %arg2[%squeeze3A_948, %dma_wait3A_1218] : memref<100000x300xf32, #tpu.memory_space<hbm>> -> memref<1x300xf32, #tpu.memory_space<hbm>>
      %dma_wait3A_1220 = tpu.memref_squeeze %dma_wait3A_1219 : memref<1x300xf32, #tpu.memory_space<hbm>> -> memref<300xf32, #tpu.memory_space<hbm>>
      %dma_wait3A_1221 = arith.constant 0 : i32
      %dma_wait3A_1222 = tpu.memref_slice %arg6[%dma_wait3A_1214, %dma_wait3A_1221] : memref<40x300xf32, #tpu.memory_space<vmem>> -> memref<1x300xf32, #tpu.memory_space<vmem>>
      %dma_wait3A_1223 = tpu.memref_squeeze %dma_wait3A_1222 : memref<1x300xf32, #tpu.memory_space<vmem>> -> memref<300xf32, #tpu.memory_space<vmem>>
      %dma_wait3A_1224 = arith.constant 0 : i32
      %dma_wait3A_1225 = tpu.memref_slice %arg2[%squeeze3A_948, %dma_wait3A_1224] : memref<100000x300xf32, #tpu.memory_space<hbm>> -> memref<1x300xf32, #tpu.memory_space<hbm>>
      %dma_wait3A_1226 = tpu.memref_squeeze %dma_wait3A_1225 : memref<1x300xf32, #tpu.memory_space<hbm>> -> memref<300xf32, #tpu.memory_space<hbm>>
      tpu.wait_dma2 semaphore(%arg7 : memref<!tpu.dma_semaphore, #tpu.memory_space<semaphore_mem>>) src(%dma_wait3A_1226 : memref<300xf32, #tpu.memory_space<hbm>>) dst(%dma_wait3A_1223 : memref<300xf32, #tpu.memory_space<vmem>>)
      %dma_wait3A_1227 = arith.constant 39 : i32
      %dma_wait3A_1228 = arith.constant 0 : i32
      %dma_wait3A_1229 = tpu.memref_slice %arg6[%dma_wait3A_1227, %dma_wait3A_1228] : memref<40x300xf32, #tpu.memory_space<vmem>> -> memref<1x300xf32, #tpu.memory_space<vmem>>
      %dma_wait3A_1230 = tpu.memref_squeeze %dma_wait3A_1229 : memref<1x300xf32, #tpu.memory_space<vmem>> -> memref<300xf32, #tpu.memory_space<vmem>>
      %dma_wait3A_1231 = arith.constant 0 : i32
      %dma_wait3A_1232 = tpu.memref_slice %arg2[%squeeze3A_966, %dma_wait3A_1231] : memref<100000x300xf32, #tpu.memory_space<hbm>> -> memref<1x300xf32, #tpu.memory_space<hbm>>
      %dma_wait3A_1233 = tpu.memref_squeeze %dma_wait3A_1232 : memref<1x300xf32, #tpu.memory_space<hbm>> -> memref<300xf32, #tpu.memory_space<hbm>>
      %dma_wait3A_1234 = arith.constant 0 : i32
      %dma_wait3A_1235 = tpu.memref_slice %arg6[%dma_wait3A_1227, %dma_wait3A_1234] : memref<40x300xf32, #tpu.memory_space<vmem>> -> memref<1x300xf32, #tpu.memory_space<vmem>>
      %dma_wait3A_1236 = tpu.memref_squeeze %dma_wait3A_1235 : memref<1x300xf32, #tpu.memory_space<vmem>> -> memref<300xf32, #tpu.memory_space<vmem>>
      %dma_wait3A_1237 = arith.constant 0 : i32
      %dma_wait3A_1238 = tpu.memref_slice %arg2[%squeeze3A_966, %dma_wait3A_1237] : memref<100000x300xf32, #tpu.memory_space<hbm>> -> memref<1x300xf32, #tpu.memory_space<hbm>>
      %dma_wait3A_1239 = tpu.memref_squeeze %dma_wait3A_1238 : memref<1x300xf32, #tpu.memory_space<hbm>> -> memref<300xf32, #tpu.memory_space<hbm>>
      tpu.wait_dma2 semaphore(%arg7 : memref<!tpu.dma_semaphore, #tpu.memory_space<semaphore_mem>>) src(%dma_wait3A_1239 : memref<300xf32, #tpu.memory_space<hbm>>) dst(%dma_wait3A_1236 : memref<300xf32, #tpu.memory_space<vmem>>)
      "tpu.region"() ({
        %run_scoped3A = tpu.sem_alloc : memref<!tpu.dma_semaphore, #tpu.memory_space<semaphore_mem>>
        %dma_start3A_1240 = arith.constant 0 : i32
        %dma_start3A_1241 = tpu.memref_slice %arg4[%mul3A_4, %dma_start3A_1240] : memref<320x300xf32, #tpu.memory_space<hbm>> -> memref<40x300xf32, #tpu.memory_space<hbm>>
        %dma_start3A_1242 = arith.constant 0 : i32
        %dma_start3A_1243 = tpu.memref_slice %arg4[%mul3A_4, %dma_start3A_1242] : memref<320x300xf32, #tpu.memory_space<hbm>> -> memref<40x300xf32, #tpu.memory_space<hbm>>
        tpu.enqueue_dma source(%arg6 : memref<40x300xf32, #tpu.memory_space<vmem>>) target(%dma_start3A_1243 : memref<40x300xf32, #tpu.memory_space<hbm>>) target_semaphore(%run_scoped3A : memref<!tpu.dma_semaphore, #tpu.memory_space<semaphore_mem>>)
        %dma_wait3A_1244 = arith.constant 0 : i32
        %dma_wait3A_1245 = tpu.memref_slice %arg4[%mul3A_4, %dma_wait3A_1244] : memref<320x300xf32, #tpu.memory_space<hbm>> -> memref<40x300xf32, #tpu.memory_space<hbm>>
        %dma_wait3A_1246 = arith.constant 0 : i32
        %dma_wait3A_1247 = tpu.memref_slice %arg4[%mul3A_4, %dma_wait3A_1246] : memref<320x300xf32, #tpu.memory_space<hbm>> -> memref<40x300xf32, #tpu.memory_space<hbm>>
        tpu.wait_dma2 semaphore(%run_scoped3A : memref<!tpu.dma_semaphore, #tpu.memory_space<semaphore_mem>>) src(%arg6 : memref<40x300xf32, #tpu.memory_space<vmem>>) dst(%dma_wait3A_1247 : memref<40x300xf32, #tpu.memory_space<hbm>>)
        tpu.yield
      }) : () -> ()
    } else {
    }
    return
  }
}

module attributes {stable_mosaic.version = 14 : i64} {
  func.func @_fc1_topk_body(%arg0: i32, %arg1: memref<64x256xf32, #tpu.memory_space<vmem>>, %arg2: memref<64x1xi32, #tpu.memory_space<vmem>>, %arg3: memref<2048x256xf32, #tpu.memory_space<vmem>>, %arg4: memref<1x2048xf32, #tpu.memory_space<vmem>>, %arg5: memref<64x2048xf32, #tpu.memory_space<vmem>>, %arg6: memref<64x5xi32, #tpu.memory_space<vmem>>, %arg7: memref<64x128xf32, #tpu.memory_space<vmem>>, %arg8: memref<64x128xi32, #tpu.memory_space<vmem>>) attributes {dimension_semantics = [#tpu.dimension_semantics<arbitrary>], iteration_bounds = array<i64: 49>, scalar_prefetch = 0 : i64, scratch_operands = 2 : i64, tpu.core_type = #tpu.core_type<tc>, window_params = [{pipeline_mode = #tpu.pipeline_mode<synchronous>, transform_indices = @transform_0, window_bounds = array<i64: 64, 256>}, {pipeline_mode = #tpu.pipeline_mode<synchronous>, transform_indices = @transform_1, window_bounds = array<i64: 64, 1>}, {transform_indices = @transform_2, window_bounds = array<i64: 2048, 256>}, {transform_indices = @transform_3, window_bounds = array<i64: 1, 2048>}, {transform_indices = @transform_4, window_bounds = array<i64: 64, 2048>}, {pipeline_mode = #tpu.pipeline_mode<synchronous>, transform_indices = @transform_5, window_bounds = array<i64: 64, 5>}]} {
    %eq3A = arith.constant 0 : i32
    %eq3A_0 = arith.cmpi eq, %arg0, %eq3A : i32
    %convert_element_type3A = arith.extui %eq3A_0 : i1 to i32
    %cond3A = arith.constant 0 : i32
    %cond3A_1 = arith.cmpi ne, %convert_element_type3A, %cond3A : i32
    scf.if %cond3A_1 {
      %broadcast_in_dim3A_113 = arith.constant 0xFF800000 : f32
      %broadcast_in_dim3A_114 = vector.broadcast %broadcast_in_dim3A_113 : f32 to vector<64x128xf32>
      %swap3A_115 = arith.constant 0 : index
      %swap3A_116 = arith.constant 0 : index
      %swap3A_117 = vector.load %arg7[%swap3A_115, %swap3A_116] : memref<64x128xf32, #tpu.memory_space<vmem>>, vector<64x128xf32>
      tpu.vector_store %arg7[%swap3A_115, %swap3A_116], %broadcast_in_dim3A_114 {strides = array<i32>} : memref<64x128xf32, #tpu.memory_space<vmem>>, vector<64x128xf32>,
      %broadcast_in_dim3A_118 = arith.constant 0 : i32
      %broadcast_in_dim3A_119 = vector.broadcast %broadcast_in_dim3A_118 : i32 to vector<64x128xi32>
      %swap3A_120 = arith.constant 0 : index
      %swap3A_121 = arith.constant 0 : index
      %swap3A_122 = vector.load %arg8[%swap3A_120, %swap3A_121] : memref<64x128xi32, #tpu.memory_space<vmem>>, vector<64x128xi32>
      tpu.vector_store %arg8[%swap3A_120, %swap3A_121], %broadcast_in_dim3A_119 {strides = array<i32>} : memref<64x128xi32, #tpu.memory_space<vmem>>, vector<64x128xi32>,
    } else {
    }
    %get3A = arith.constant 0 : index
    %get3A_2 = arith.constant 0 : index
    %get3A_3 = vector.load %arg1[%get3A, %get3A_2] : memref<64x256xf32, #tpu.memory_space<vmem>>, vector<64x256xf32>
    %get3A_4 = arith.constant 0 : index
    %get3A_5 = arith.constant 0 : index
    %get3A_6 = vector.load %arg3[%get3A_4, %get3A_5] : memref<2048x256xf32, #tpu.memory_space<vmem>>, vector<2048x256xf32>
    %dot_general3A = arith.constant dense<0.000000e+00> : vector<64x2048xf32>
    %dot_general3A_7 = tpu.matmul %get3A_3, %get3A_6, %dot_general3A {dimension_numbers = #tpu.dot_dimension_numbers<[1], [1], [0], [0], [0, 0, 1, 0], [], []>, transpose_lhs_hint = false} : vector<64x256xf32>, vector<2048x256xf32>, vector<64x2048xf32> -> vector<64x2048xf32>
    %get3A_8 = arith.constant 0 : index
    %get3A_9 = arith.constant 0 : index
    %get3A_10 = vector.load %arg4[%get3A_8, %get3A_9] : memref<1x2048xf32, #tpu.memory_space<vmem>>, vector<1x2048xf32>
    %add3A = vector.broadcast %get3A_10 : vector<1x2048xf32> to vector<64x2048xf32>
    %add3A_11 = arith.addf %dot_general3A_7, %add3A : vector<64x2048xf32>
    %swap3A = arith.constant 0 : index
    %swap3A_12 = arith.constant 0 : index
    %swap3A_13 = vector.load %arg5[%swap3A, %swap3A_12] : memref<64x2048xf32, #tpu.memory_space<vmem>>, vector<64x2048xf32>
    tpu.vector_store %arg5[%swap3A, %swap3A_12], %add3A_11 {strides = array<i32>} : memref<64x2048xf32, #tpu.memory_space<vmem>>, vector<64x2048xf32>,
    %iota3A = tpu.iota {dimensions = array<i32: 1>} : vector<64x2048xi32>
    %mul3A = arith.constant 2048 : i32
    %mul3A_14 = arith.muli %arg0, %mul3A : i32
    %add3A_15 = vector.broadcast %mul3A_14 : i32 to vector<64x2048xi32>
    %add3A_16 = arith.addi %iota3A, %add3A_15 : vector<64x2048xi32>
    %get3A_17 = arith.constant 0 : index
    %get3A_18 = arith.constant 0 : index
    %get3A_19 = vector.load %arg2[%get3A_17, %get3A_18] : memref<64x1xi32, #tpu.memory_space<vmem>>, vector<64x1xi32>
    %lt3A = arith.constant 100000 : i32
    %lt3A_20 = vector.broadcast %lt3A : i32 to vector<64x2048xi32>
    %lt3A_21 = arith.cmpi slt, %add3A_16, %lt3A_20 : vector<64x2048xi32>
    %ne3A = vector.broadcast %get3A_19 : vector<64x1xi32> to vector<64x2048xi32>
    %ne3A_22 = arith.cmpi ne, %add3A_16, %ne3A : vector<64x2048xi32>
    %and3A = arith.andi %lt3A_21, %ne3A_22 : vector<64x2048xi1>
    %jit3A = arith.constant 0xFF800000 : f32
    %broadcast_in_dim3A = vector.broadcast %jit3A : f32 to vector<64x2048xf32>
    %select_n3A = arith.select %and3A, %add3A_11, %broadcast_in_dim3A : vector<64x2048xi1>, vector<64x2048xf32>
    %get3A_23 = arith.constant 0 : index
    %get3A_24 = arith.constant 0 : index
    %get3A_25 = vector.load %arg7[%get3A_23, %get3A_24] : memref<64x128xf32, #tpu.memory_space<vmem>>, vector<64x128xf32>
    %concatenate3A = tpu.concatenate %get3A_25, %select_n3A in 1 : vector<64x128xf32>, vector<64x2048xf32> -> vector<64x2176xf32>
    %get3A_26 = arith.constant 0 : index
    %get3A_27 = arith.constant 0 : index
    %get3A_28 = vector.load %arg8[%get3A_26, %get3A_27] : memref<64x128xi32, #tpu.memory_space<vmem>>, vector<64x128xi32>
    %concatenate3A_29 = tpu.concatenate %get3A_28, %add3A_16 in 1 : vector<64x128xi32>, vector<64x2048xi32> -> vector<64x2176xi32>
    %reduce_max3A = arith.constant dense<0xFF800000> : vector<64xf32>
    %reduce_max3A_30 = vector.multi_reduction <maximumf>, %concatenate3A, %reduce_max3A [1] : vector<64x2176xf32> to vector<64xf32>
    %broadcast_in_dim3A_31 = vector.shape_cast %reduce_max3A_30 : vector<64xf32> to vector<64x1xf32>
    %eq3A_32 = vector.broadcast %broadcast_in_dim3A_31 : vector<64x1xf32> to vector<64x2176xf32>
    %eq3A_33 = arith.cmpf oeq, %concatenate3A, %eq3A_32 : vector<64x2176xf32>
    %jit3A_34 = arith.constant 1073741824 : i32
    %broadcast_in_dim3A_35 = vector.broadcast %jit3A_34 : i32 to vector<64x2176xi32>
    %select_n3A_36 = arith.select %eq3A_33, %concatenate3A_29, %broadcast_in_dim3A_35 : vector<64x2176xi1>, vector<64x2176xi32>
    %reduce_min3A = arith.constant dense<2147483647> : vector<64xi32>
    %reduce_min3A_37 = vector.multi_reduction <minsi>, %select_n3A_36, %reduce_min3A [1] : vector<64x2176xi32> to vector<64xi32>
    %broadcast_in_dim3A_38 = vector.shape_cast %reduce_min3A_37 : vector<64xi32> to vector<64x1xi32>
    %eq3A_39 = vector.broadcast %broadcast_in_dim3A_31 : vector<64x1xf32> to vector<64x2176xf32>
    %eq3A_40 = arith.cmpf oeq, %concatenate3A, %eq3A_39 : vector<64x2176xf32>
    %eq3A_41 = vector.broadcast %broadcast_in_dim3A_38 : vector<64x1xi32> to vector<64x2176xi32>
    %eq3A_42 = arith.cmpi eq, %concatenate3A_29, %eq3A_41 : vector<64x2176xi32>
    %and3A_43 = arith.andi %eq3A_40, %eq3A_42 : vector<64x2176xi1>
    %jit3A_44 = arith.constant 0xFF800000 : f32
    %broadcast_in_dim3A_45 = vector.broadcast %jit3A_44 : f32 to vector<64x2176xf32>
    %select_n3A_46 = arith.select %and3A_43, %broadcast_in_dim3A_45, %concatenate3A : vector<64x2176xi1>, vector<64x2176xf32>
    %reduce_max3A_47 = arith.constant dense<0xFF800000> : vector<64xf32>
    %reduce_max3A_48 = vector.multi_reduction <maximumf>, %select_n3A_46, %reduce_max3A_47 [1] : vector<64x2176xf32> to vector<64xf32>
    %broadcast_in_dim3A_49 = vector.shape_cast %reduce_max3A_48 : vector<64xf32> to vector<64x1xf32>
    %eq3A_50 = vector.broadcast %broadcast_in_dim3A_49 : vector<64x1xf32> to vector<64x2176xf32>
    %eq3A_51 = arith.cmpf oeq, %select_n3A_46, %eq3A_50 : vector<64x2176xf32>
    %jit3A_52 = arith.constant 1073741824 : i32
    %broadcast_in_dim3A_53 = vector.broadcast %jit3A_52 : i32 to vector<64x2176xi32>
    %select_n3A_54 = arith.select %eq3A_51, %concatenate3A_29, %broadcast_in_dim3A_53 : vector<64x2176xi1>, vector<64x2176xi32>
    %reduce_min3A_55 = arith.constant dense<2147483647> : vector<64xi32>
    %reduce_min3A_56 = vector.multi_reduction <minsi>, %select_n3A_54, %reduce_min3A_55 [1] : vector<64x2176xi32> to vector<64xi32>
    %broadcast_in_dim3A_57 = vector.shape_cast %reduce_min3A_56 : vector<64xi32> to vector<64x1xi32>
    %eq3A_58 = vector.broadcast %broadcast_in_dim3A_49 : vector<64x1xf32> to vector<64x2176xf32>
    %eq3A_59 = arith.cmpf oeq, %select_n3A_46, %eq3A_58 : vector<64x2176xf32>
    %eq3A_60 = vector.broadcast %broadcast_in_dim3A_57 : vector<64x1xi32> to vector<64x2176xi32>
    %eq3A_61 = arith.cmpi eq, %concatenate3A_29, %eq3A_60 : vector<64x2176xi32>
    %and3A_62 = arith.andi %eq3A_59, %eq3A_61 : vector<64x2176xi1>
    %jit3A_63 = arith.constant 0xFF800000 : f32
    %broadcast_in_dim3A_64 = vector.broadcast %jit3A_63 : f32 to vector<64x2176xf32>
    %select_n3A_65 = arith.select %and3A_62, %broadcast_in_dim3A_64, %select_n3A_46 : vector<64x2176xi1>, vector<64x2176xf32>
    %reduce_max3A_66 = arith.constant dense<0xFF800000> : vector<64xf32>
    %reduce_max3A_67 = vector.multi_reduction <maximumf>, %select_n3A_65, %reduce_max3A_66 [1] : vector<64x2176xf32> to vector<64xf32>
    %broadcast_in_dim3A_68 = vector.shape_cast %reduce_max3A_67 : vector<64xf32> to vector<64x1xf32>
    %eq3A_69 = vector.broadcast %broadcast_in_dim3A_68 : vector<64x1xf32> to vector<64x2176xf32>
    %eq3A_70 = arith.cmpf oeq, %select_n3A_65, %eq3A_69 : vector<64x2176xf32>
    %jit3A_71 = arith.constant 1073741824 : i32
    %broadcast_in_dim3A_72 = vector.broadcast %jit3A_71 : i32 to vector<64x2176xi32>
    %select_n3A_73 = arith.select %eq3A_70, %concatenate3A_29, %broadcast_in_dim3A_72 : vector<64x2176xi1>, vector<64x2176xi32>
    %reduce_min3A_74 = arith.constant dense<2147483647> : vector<64xi32>
    %reduce_min3A_75 = vector.multi_reduction <minsi>, %select_n3A_73, %reduce_min3A_74 [1] : vector<64x2176xi32> to vector<64xi32>
    %broadcast_in_dim3A_76 = vector.shape_cast %reduce_min3A_75 : vector<64xi32> to vector<64x1xi32>
    %eq3A_77 = vector.broadcast %broadcast_in_dim3A_68 : vector<64x1xf32> to vector<64x2176xf32>
    %eq3A_78 = arith.cmpf oeq, %select_n3A_65, %eq3A_77 : vector<64x2176xf32>
    %eq3A_79 = vector.broadcast %broadcast_in_dim3A_76 : vector<64x1xi32> to vector<64x2176xi32>
    %eq3A_80 = arith.cmpi eq, %concatenate3A_29, %eq3A_79 : vector<64x2176xi32>
    %and3A_81 = arith.andi %eq3A_78, %eq3A_80 : vector<64x2176xi1>
    %jit3A_82 = arith.constant 0xFF800000 : f32
    %broadcast_in_dim3A_83 = vector.broadcast %jit3A_82 : f32 to vector<64x2176xf32>
    %select_n3A_84 = arith.select %and3A_81, %broadcast_in_dim3A_83, %select_n3A_65 : vector<64x2176xi1>, vector<64x2176xf32>
    %reduce_max3A_85 = arith.constant dense<0xFF800000> : vector<64xf32>
    %reduce_max3A_86 = vector.multi_reduction <maximumf>, %select_n3A_84, %reduce_max3A_85 [1] : vector<64x2176xf32> to vector<64xf32>
    %broadcast_in_dim3A_87 = vector.shape_cast %reduce_max3A_86 : vector<64xf32> to vector<64x1xf32>
    %eq3A_88 = vector.broadcast %broadcast_in_dim3A_87 : vector<64x1xf32> to vector<64x2176xf32>
    %eq3A_89 = arith.cmpf oeq, %select_n3A_84, %eq3A_88 : vector<64x2176xf32>
    %jit3A_90 = arith.constant 1073741824 : i32
    %broadcast_in_dim3A_91 = vector.broadcast %jit3A_90 : i32 to vector<64x2176xi32>
    %select_n3A_92 = arith.select %eq3A_89, %concatenate3A_29, %broadcast_in_dim3A_91 : vector<64x2176xi1>, vector<64x2176xi32>
    %reduce_min3A_93 = arith.constant dense<2147483647> : vector<64xi32>
    %reduce_min3A_94 = vector.multi_reduction <minsi>, %select_n3A_92, %reduce_min3A_93 [1] : vector<64x2176xi32> to vector<64xi32>
    %broadcast_in_dim3A_95 = vector.shape_cast %reduce_min3A_94 : vector<64xi32> to vector<64x1xi32>
    %broadcast_in_dim3A_96 = arith.constant 0xFF800000 : f32
    %broadcast_in_dim3A_97 = vector.broadcast %broadcast_in_dim3A_96 : f32 to vector<64x124xf32>
    %broadcast_in_dim3A_98 = arith.constant 0 : i32
    %broadcast_in_dim3A_99 = vector.broadcast %broadcast_in_dim3A_98 : i32 to vector<64x124xi32>
    %concatenate3A_100 = tpu.concatenate %broadcast_in_dim3A_31, %broadcast_in_dim3A_49, %broadcast_in_dim3A_68, %broadcast_in_dim3A_87, %broadcast_in_dim3A_97 in 1 : vector<64x1xf32>, vector<64x1xf32>, vector<64x1xf32>, vector<64x1xf32>, vector<64x124xf32> -> vector<64x128xf32>
    %swap3A_101 = arith.constant 0 : index
    %swap3A_102 = arith.constant 0 : index
    %swap3A_103 = vector.load %arg7[%swap3A_101, %swap3A_102] : memref<64x128xf32, #tpu.memory_space<vmem>>, vector<64x128xf32>
    tpu.vector_store %arg7[%swap3A_101, %swap3A_102], %concatenate3A_100 {strides = array<i32>} : memref<64x128xf32, #tpu.memory_space<vmem>>, vector<64x128xf32>,
    %concatenate3A_104 = tpu.concatenate %broadcast_in_dim3A_38, %broadcast_in_dim3A_57, %broadcast_in_dim3A_76, %broadcast_in_dim3A_95, %broadcast_in_dim3A_99 in 1 : vector<64x1xi32>, vector<64x1xi32>, vector<64x1xi32>, vector<64x1xi32>, vector<64x124xi32> -> vector<64x128xi32>
    %swap3A_105 = arith.constant 0 : index
    %swap3A_106 = arith.constant 0 : index
    %swap3A_107 = vector.load %arg8[%swap3A_105, %swap3A_106] : memref<64x128xi32, #tpu.memory_space<vmem>>, vector<64x128xi32>
    tpu.vector_store %arg8[%swap3A_105, %swap3A_106], %concatenate3A_104 {strides = array<i32>} : memref<64x128xi32, #tpu.memory_space<vmem>>, vector<64x128xi32>,
    %eq3A_108 = arith.constant 48 : i32
    %eq3A_109 = arith.cmpi eq, %arg0, %eq3A_108 : i32
    %convert_element_type3A_110 = arith.extui %eq3A_109 : i1 to i32
    %cond3A_111 = arith.constant 0 : i32
    %cond3A_112 = arith.cmpi ne, %convert_element_type3A_110, %cond3A_111 : i32
    scf.if %cond3A_112 {
      %concatenate3A_113 = tpu.concatenate %get3A_19, %broadcast_in_dim3A_38, %broadcast_in_dim3A_57, %broadcast_in_dim3A_76, %broadcast_in_dim3A_95 in 1 : vector<64x1xi32>, vector<64x1xi32>, vector<64x1xi32>, vector<64x1xi32>, vector<64x1xi32> -> vector<64x5xi32>
      %swap3A_114 = arith.constant 0 : index
      %swap3A_115 = arith.constant 0 : index
      %swap3A_116 = vector.load %arg6[%swap3A_114, %swap3A_115] : memref<64x5xi32, #tpu.memory_space<vmem>>, vector<64x5xi32>
      tpu.vector_store %arg6[%swap3A_114, %swap3A_115], %concatenate3A_113 {strides = array<i32>} : memref<64x5xi32, #tpu.memory_space<vmem>>, vector<64x5xi32>,
    } else {
    }
    return
  }
  func.func @transform_0(%arg0: i32) -> (i32, i32) {
    %c0_i32 = arith.constant 0 : i32
    %c0_i32_0 = arith.constant 0 : i32
    %c0_i32_1 = arith.constant 0 : i32
    return %c0_i32, %c0_i32_0 : i32, i32
  }
  func.func @transform_1(%arg0: i32) -> (i32, i32) {
    %c0_i32 = arith.constant 0 : i32
    %c0_i32_0 = arith.constant 0 : i32
    %c0_i32_1 = arith.constant 0 : i32
    return %c0_i32, %c0_i32_0 : i32, i32
  }
  func.func @transform_2(%arg0: i32) -> (i32, i32) {
    %c0_i32 = arith.constant 0 : i32
    %c0_i32_0 = arith.constant 0 : i32
    return %arg0, %c0_i32 : i32, i32
  }
  func.func @transform_3(%arg0: i32) -> (i32, i32) {
    %c0_i32 = arith.constant 0 : i32
    %c0_i32_0 = arith.constant 0 : i32
    return %c0_i32, %arg0 : i32, i32
  }
  func.func @transform_4(%arg0: i32) -> (i32, i32) {
    %c0_i32 = arith.constant 0 : i32
    %c0_i32_0 = arith.constant 0 : i32
    return %c0_i32, %arg0 : i32, i32
  }
  func.func @transform_5(%arg0: i32) -> (i32, i32) {
    %c0_i32 = arith.constant 0 : i32
    %c0_i32_0 = arith.constant 0 : i32
    %c0_i32_1 = arith.constant 0 : i32
    return %c0_i32, %c0_i32_0 : i32, i32
  }
}

module attributes {stable_mosaic.version = 14 : i64} {
  func.func @_fc2_body(%arg0: i32, %arg1: memref<320x300xf32, #tpu.memory_space<vmem>>, %arg2: memref<300x256xf32, #tpu.memory_space<vmem>>, %arg3: memref<1x256xf32, #tpu.memory_space<vmem>>, %arg4: memref<320x256xf32, #tpu.memory_space<vmem>>, %arg5: memref<2048x256xf32, #tpu.memory_space<vmem>>, %arg6: memref<1x2048xf32, #tpu.memory_space<vmem>>, %arg7: memref<64x5x2048xf32, #tpu.memory_space<vmem>>, %arg8: memref<320x256xf32, #tpu.memory_space<vmem>>) attributes {dimension_semantics = [#tpu.dimension_semantics<arbitrary>], iteration_bounds = array<i64: 49>, scalar_prefetch = 0 : i64, scratch_operands = 1 : i64, tpu.core_type = #tpu.core_type<tc>, window_params = [{pipeline_mode = #tpu.pipeline_mode<synchronous>, transform_indices = @transform_0, window_bounds = array<i64: 320, 300>}, {pipeline_mode = #tpu.pipeline_mode<synchronous>, transform_indices = @transform_1, window_bounds = array<i64: 300, 256>}, {pipeline_mode = #tpu.pipeline_mode<synchronous>, transform_indices = @transform_2, window_bounds = array<i64: 1, 256>}, {pipeline_mode = #tpu.pipeline_mode<synchronous>, transform_indices = @transform_3, window_bounds = array<i64: 320, 256>}, {transform_indices = @transform_4, window_bounds = array<i64: 2048, 256>}, {transform_indices = @transform_5, window_bounds = array<i64: 1, 2048>}, {transform_indices = @transform_6, window_bounds = array<i64: 64, 5, 2048>}]} {
    %eq3A = arith.constant 0 : i32
    %eq3A_0 = arith.cmpi eq, %arg0, %eq3A : i32
    %convert_element_type3A = arith.extui %eq3A_0 : i1 to i32
    %cond3A = arith.constant 0 : i32
    %cond3A_1 = arith.cmpi ne, %convert_element_type3A, %cond3A : i32
    scf.if %cond3A_1 {
      %get3A_45 = arith.constant 0 : index
      %get3A_46 = arith.constant 0 : index
      %get3A_47 = vector.load %arg1[%get3A_45, %get3A_46] : memref<320x300xf32, #tpu.memory_space<vmem>>, vector<320x300xf32>
      %get3A_48 = arith.constant 0 : index
      %get3A_49 = arith.constant 0 : index
      %get3A_50 = vector.load %arg2[%get3A_48, %get3A_49] : memref<300x256xf32, #tpu.memory_space<vmem>>, vector<300x256xf32>
      %dot_general3A_51 = arith.constant dense<0.000000e+00> : vector<320x256xf32>
      %dot_general3A_52 = tpu.matmul %get3A_47, %get3A_50, %dot_general3A_51 {dimension_numbers = #tpu.dot_dimension_numbers<[1], [0], [0], [1], [0, 0, 1, 1], [], []>, transpose_lhs_hint = false} : vector<320x300xf32>, vector<300x256xf32>, vector<320x256xf32> -> vector<320x256xf32>
      %get3A_53 = arith.constant 0 : index
      %get3A_54 = arith.constant 0 : index
      %get3A_55 = vector.load %arg3[%get3A_53, %get3A_54] : memref<1x256xf32, #tpu.memory_space<vmem>>, vector<1x256xf32>
      %add3A_56 = vector.broadcast %get3A_55 : vector<1x256xf32> to vector<320x256xf32>
      %add3A_57 = arith.addf %dot_general3A_52, %add3A_56 : vector<320x256xf32>
      %get3A_58 = arith.constant 0 : index
      %get3A_59 = arith.constant 0 : index
      %get3A_60 = vector.load %arg4[%get3A_58, %get3A_59] : memref<320x256xf32, #tpu.memory_space<vmem>>, vector<320x256xf32>
      %add3A_61 = arith.addf %get3A_60, %add3A_57 : vector<320x256xf32>
      %swap3A_62 = arith.constant 0 : index
      %swap3A_63 = arith.constant 0 : index
      %swap3A_64 = vector.load %arg8[%swap3A_62, %swap3A_63] : memref<320x256xf32, #tpu.memory_space<vmem>>, vector<320x256xf32>
      tpu.vector_store %arg8[%swap3A_62, %swap3A_63], %add3A_61 {strides = array<i32>} : memref<320x256xf32, #tpu.memory_space<vmem>>, vector<320x256xf32>,
    } else {
    }
    %get3A = arith.constant 0 : index
    %get3A_2 = arith.constant 0 : index
    %get3A_3 = vector.load %arg8[%get3A, %get3A_2] : memref<320x256xf32, #tpu.memory_space<vmem>>, vector<320x256xf32>
    %get3A_4 = arith.constant 0 : index
    %get3A_5 = arith.constant 0 : index
    %get3A_6 = vector.load %arg5[%get3A_4, %get3A_5] : memref<2048x256xf32, #tpu.memory_space<vmem>>, vector<2048x256xf32>
    %dot_general3A = arith.constant dense<0.000000e+00> : vector<320x2048xf32>
    %dot_general3A_7 = tpu.matmul %get3A_3, %get3A_6, %dot_general3A {dimension_numbers = #tpu.dot_dimension_numbers<[1], [1], [0], [0], [0, 0, 1, 0], [], []>, transpose_lhs_hint = false} : vector<320x256xf32>, vector<2048x256xf32>, vector<320x2048xf32> -> vector<320x2048xf32>
    %get3A_8 = arith.constant 0 : index
    %get3A_9 = arith.constant 0 : index
    %get3A_10 = vector.load %arg6[%get3A_8, %get3A_9] : memref<1x2048xf32, #tpu.memory_space<vmem>>, vector<1x2048xf32>
    %add3A = vector.broadcast %get3A_10 : vector<1x2048xf32> to vector<320x2048xf32>
    %add3A_11 = arith.addf %dot_general3A_7, %add3A : vector<320x2048xf32>
    %slice3A = vector.extract_strided_slice %add3A_11 {offsets = [0, 0], sizes = [64, 2048], strides = [1, 1]} : vector<320x2048xf32> to vector<64x2048xf32>
    %swap3A = arith.constant 0 : index
    %swap3A_12 = arith.constant 0 : index
    %swap3A_13 = arith.constant 0 : index
    %swap3A_14 = vector.load %arg7[%swap3A, %swap3A_12, %swap3A_13] : memref<64x5x2048xf32, #tpu.memory_space<vmem>>, vector<64x1x2048xf32>
    %swap3A_15 = vector.shape_cast %swap3A_14 : vector<64x1x2048xf32> to vector<64x2048xf32>
    %swap3A_16 = vector.shape_cast %slice3A : vector<64x2048xf32> to vector<64x1x2048xf32>
    tpu.vector_store %arg7[%swap3A, %swap3A_12, %swap3A_13], %swap3A_16 {strides = array<i32>} : memref<64x5x2048xf32, #tpu.memory_space<vmem>>, vector<64x1x2048xf32>,
    %slice3A_17 = vector.extract_strided_slice %add3A_11 {offsets = [64, 0], sizes = [64, 2048], strides = [1, 1]} : vector<320x2048xf32> to vector<64x2048xf32>
    %swap3A_18 = arith.constant 0 : index
    %swap3A_19 = arith.constant 1 : index
    %swap3A_20 = arith.constant 0 : index
    %swap3A_21 = vector.load %arg7[%swap3A_18, %swap3A_19, %swap3A_20] : memref<64x5x2048xf32, #tpu.memory_space<vmem>>, vector<64x1x2048xf32>
    %swap3A_22 = vector.shape_cast %swap3A_21 : vector<64x1x2048xf32> to vector<64x2048xf32>
    %swap3A_23 = vector.shape_cast %slice3A_17 : vector<64x2048xf32> to vector<64x1x2048xf32>
    tpu.vector_store %arg7[%swap3A_18, %swap3A_19, %swap3A_20], %swap3A_23 {strides = array<i32>} : memref<64x5x2048xf32, #tpu.memory_space<vmem>>, vector<64x1x2048xf32>,
    %slice3A_24 = vector.extract_strided_slice %add3A_11 {offsets = [128, 0], sizes = [64, 2048], strides = [1, 1]} : vector<320x2048xf32> to vector<64x2048xf32>
    %swap3A_25 = arith.constant 0 : index
    %swap3A_26 = arith.constant 2 : index
    %swap3A_27 = arith.constant 0 : index
    %swap3A_28 = vector.load %arg7[%swap3A_25, %swap3A_26, %swap3A_27] : memref<64x5x2048xf32, #tpu.memory_space<vmem>>, vector<64x1x2048xf32>
    %swap3A_29 = vector.shape_cast %swap3A_28 : vector<64x1x2048xf32> to vector<64x2048xf32>
    %swap3A_30 = vector.shape_cast %slice3A_24 : vector<64x2048xf32> to vector<64x1x2048xf32>
    tpu.vector_store %arg7[%swap3A_25, %swap3A_26, %swap3A_27], %swap3A_30 {strides = array<i32>} : memref<64x5x2048xf32, #tpu.memory_space<vmem>>, vector<64x1x2048xf32>,
    %slice3A_31 = vector.extract_strided_slice %add3A_11 {offsets = [192, 0], sizes = [64, 2048], strides = [1, 1]} : vector<320x2048xf32> to vector<64x2048xf32>
    %swap3A_32 = arith.constant 0 : index
    %swap3A_33 = arith.constant 3 : index
    %swap3A_34 = arith.constant 0 : index
    %swap3A_35 = vector.load %arg7[%swap3A_32, %swap3A_33, %swap3A_34] : memref<64x5x2048xf32, #tpu.memory_space<vmem>>, vector<64x1x2048xf32>
    %swap3A_36 = vector.shape_cast %swap3A_35 : vector<64x1x2048xf32> to vector<64x2048xf32>
    %swap3A_37 = vector.shape_cast %slice3A_31 : vector<64x2048xf32> to vector<64x1x2048xf32>
    tpu.vector_store %arg7[%swap3A_32, %swap3A_33, %swap3A_34], %swap3A_37 {strides = array<i32>} : memref<64x5x2048xf32, #tpu.memory_space<vmem>>, vector<64x1x2048xf32>,
    %slice3A_38 = vector.extract_strided_slice %add3A_11 {offsets = [256, 0], sizes = [64, 2048], strides = [1, 1]} : vector<320x2048xf32> to vector<64x2048xf32>
    %swap3A_39 = arith.constant 0 : index
    %swap3A_40 = arith.constant 4 : index
    %swap3A_41 = arith.constant 0 : index
    %swap3A_42 = vector.load %arg7[%swap3A_39, %swap3A_40, %swap3A_41] : memref<64x5x2048xf32, #tpu.memory_space<vmem>>, vector<64x1x2048xf32>
    %swap3A_43 = vector.shape_cast %swap3A_42 : vector<64x1x2048xf32> to vector<64x2048xf32>
    %swap3A_44 = vector.shape_cast %slice3A_38 : vector<64x2048xf32> to vector<64x1x2048xf32>
    tpu.vector_store %arg7[%swap3A_39, %swap3A_40, %swap3A_41], %swap3A_44 {strides = array<i32>} : memref<64x5x2048xf32, #tpu.memory_space<vmem>>, vector<64x1x2048xf32>,
    return
  }
  func.func @transform_0(%arg0: i32) -> (i32, i32) {
    %c0_i32 = arith.constant 0 : i32
    %c0_i32_0 = arith.constant 0 : i32
    %c0_i32_1 = arith.constant 0 : i32
    return %c0_i32, %c0_i32_0 : i32, i32
  }
  func.func @transform_1(%arg0: i32) -> (i32, i32) {
    %c0_i32 = arith.constant 0 : i32
    %c0_i32_0 = arith.constant 0 : i32
    %c0_i32_1 = arith.constant 0 : i32
    return %c0_i32, %c0_i32_0 : i32, i32
  }
  func.func @transform_2(%arg0: i32) -> (i32, i32) {
    %c0_i32 = arith.constant 0 : i32
    %c0_i32_0 = arith.constant 0 : i32
    %c0_i32_1 = arith.constant 0 : i32
    return %c0_i32, %c0_i32_0 : i32, i32
  }
  func.func @transform_3(%arg0: i32) -> (i32, i32) {
    %c0_i32 = arith.constant 0 : i32
    %c0_i32_0 = arith.constant 0 : i32
    %c0_i32_1 = arith.constant 0 : i32
    return %c0_i32, %c0_i32_0 : i32, i32
  }
  func.func @transform_4(%arg0: i32) -> (i32, i32) {
    %c0_i32 = arith.constant 0 : i32
    %c0_i32_0 = arith.constant 0 : i32
    return %arg0, %c0_i32 : i32, i32
  }
  func.func @transform_5(%arg0: i32) -> (i32, i32) {
    %c0_i32 = arith.constant 0 : i32
    %c0_i32_0 = arith.constant 0 : i32
    return %c0_i32, %arg0 : i32, i32
  }
  func.func @transform_6(%arg0: i32) -> (i32, i32, i32) {
    %c0_i32 = arith.constant 0 : i32
    %c0_i32_0 = arith.constant 0 : i32
    %c0_i32_1 = arith.constant 0 : i32
    return %c0_i32, %c0_i32_0, %arg0 : i32, i32, i32
  }
}

</mosaic_0001>

<sc_bundles>
// kernel: kernel.5.cloned.1.call-start
scs
__scs_entry_jumppad:
0x0: {  	(pc) =	sbr.rel $0x88, $3  }
0x1: {  	(tag) =	ssettag $0x0;
	lr =	simm.s32 $0x1  }
0x2: {  	[smem:$0x3F98] =	sst lr;
	_ =	strace $0xD0000000  }
0x3: {  	_ = 	snop  }
0x4: {  	_ = 	snop  }
0x5: {  	_ = 	snop  }
0x6: {  	_ = 	snop  }
0x7: {  	_ = 	snop  }
__scs_overlays_trampoline_lowered:
0x8: {  	[smem:$0x3FA7] =	sst s0  }
0x9: {  	[smem:$0x3FA8] =	sst s1  }
0xa: {  	[smem:$0x3FA9] =	sst s2  }
0xb: {  	[smem:$0x3FAA] =	sst s3  }
0xc: {  	[smem:$0x3FAB] =	sst s4  }
0xd: {  	[smem:$0x3FAC] =	sst s5  }
0xe: {  	[smem:$0x3FAD] =	sst s6  }
0xf: {  	[smem:$0x3FAE] =	sst s7  }
0x10: {  	[smem:$0x3FAF] =	sst s8  }
0x11: {  	[smem:$0x3FB0] =	sst s9;
	s0 =	simm.s32 @!p0 $0x0  }
0x12: {  	s1 =	sld [smem:$0x3F96];
	s0 =	simm.s32 @p0 $0x1  }
0x13: {  	[smem:$0x3FB1] =	sst s0;
	s0 =	simm.s32 @!p1 $0x0  }
0x14: {  	s2 =	sld [smem:$0x3F95];
	s0 =	simm.s32 @p1 $0x1  }
0x15: {  	[smem:$0x3FB2] =	sst s0;
	s0 =	simm.s32 @!p2 $0x0  }
0x16: {  	s3 =	sld [smem:$0x3FDB];
	s0 =	simm.s32 @p2 $0x1  }
0x17: {  	s4 =	simm.s32 $0x1BF5;
	[smem:$0x3FB4] =	sst s0  }
0x18: {  	s0 =	sld [smem:$0x3F97];
	_ =	swait.ge [sflag:s4], $0x0  }
0x19: {  	s7 =	sld [smem:$0x3F98]  }
0x1a: {  	s8 =	sadd.s32 $0xFFFFE003, lr  }
0x1b: {  	s9 =	sadd.s32 $0xFFFFFEF7, lr;
	s5 =	simm.s32 $0xFFFFFFFF;
	p2 =	slt.u32 s8, $0xFFFFF086  }
0x1c: {  	p1 =	slt.u32 s9, $0xF7A;
	s5 =	simm.s32 @!p2 $0x0  }
0x1d: {  	s5 =	simm.s32 @p1 $0x1;
	p0 =	seq.s32 s7, s2  }
0x1e: {  	s7 =	smul.u32 @!p0 $0xF7A, s2;
	p2 =	seq.s32 @!p0 s5, $0x0  }
0x1f: {  	s9 =	smul.u32 $0xF7A, s1;
	s8 =	simm.s32 @!p0 $0x1BF5;
	p2 =	por !p2, p0  }
0x20: {  	[sflag:s8] =	ssyncset.s32 @!p0 $0xFFFFF086;
	s6 =	sadd.s32 @!p0 s3, s7;
	s7 =	simm.s32 @!p0 $0x108  }
0x21: {  	s3 =	sadd.s32 s3, s9;
	s6 =	sadd.s32 @!p0 $0x88, s6;
	s7 =	simm.s32 @p2 $0x1082  }
0x22: {  	[simem:s7], [sflag:s8] =	dma.local @!p0 [hbm:s6], $0xF7A  }
0x23: {  	s9 =	sor.u32 $0xD0000000, s2;
	s6 =	simm.s32 $0x108;
	_ =	swait.ge @!p0 [sflag:s8], $0x0  }
0x24: {  	s3 =	sadd.s32 $0x88, s3;
	s6 =	simm.s32 @!p1 $0x1082;
	[sflag:s4] =	ssyncset.s32 $0xFFFFF086  }
0x25: {  	[simem:s6], [sflag:s4] =	dma.local [hbm:s3], $0xF7A  }
0x26: {  	[smem:$0x3F98] =	sst s1;
	(tag) =	ssettag s2;
	_ =	strace s9  }
0x27: {  	s1 =	sld [smem:$0x3FA8]  }
0x28: {  	s2 =	sld [smem:$0x3FA9]  }
0x29: {  	s4 =	sld [smem:$0x3FAB]  }
0x2a: {  	p0 =	seq.s32 s5, $0x0;
	s5 =	sld [smem:$0x3FAC]  }
0x2b: {  	s6 =	sld [smem:$0x3FAD]  }
0x2c: {  	s7 =	sld [smem:$0x3FAE]  }
0x2d: {  	s3 =	simm.s32 $0x108;
	s8 =	sld [smem:$0x3FAF]  }
0x2e: {  	s3 =	simm.s32 @!p0 $0x1082;
	s9 =	sld [smem:$0x3FB0]  }
0x2f: {  	lr =	sadd.s32 s0, s3;
	s0 =	sld [smem:$0x3FA7]  }
0x30: {  	s3 =	sld [smem:$0x3FAA]  }
0x31: {  	[smem:$0x3FB3] =	sst s10  }
0x32: {  	s10 =	sld [smem:$0x3FB1];
	_ =	sdelay $0x3  }
0x33: {  	p0 =	seq.s32 s10, $0x1;
	s10 =	sld [smem:$0x3FB3];
	_ =	sdelay $0x3  }
0x34: {  	[smem:$0x3FB3] =	sst s10  }
0x35: {  	s10 =	sld [smem:$0x3FB2];
	_ =	sdelay $0x3  }
0x36: {  	p1 =	seq.s32 s10, $0x1;
	s10 =	sld [smem:$0x3FB3];
	_ =	sdelay $0x3  }
0x37: {  	[smem:$0x3FB3] =	sst s10  }
0x38: {  	s10 =	sld [smem:$0x3FB4]  }
0x39: {  	_ = 	snop;
	(pc) =	sbr.ind lr, $3  }
0x3a: {  	_ = 	snop  }
0x3b: {  	_ = 	snop  }
0x3c: {  	p2 =	seq.s32 s10, $0x1;
	s10 =	sld [smem:$0x3FB3]  }
0x3d: {  	_ =	shalt  }
0x3e: {  	_ =	shalt  }
0x3f: {  	_ =	shalt  }
0x40: {  	_ =	shalt  }
0x41: {  	_ =	shalt  }
0x42: {  	_ =	shalt  }
0x43: {  	_ =	shalt  }
0x44: {  	_ =	shalt  }
0x45: {  	_ =	shalt  }
0x46: {  	_ =	shalt  }
0x47: {  	_ =	shalt  }
0x48: {  	_ =	shalt  }
0x49: {  	_ =	shalt  }
0x4a: {  	_ =	shalt  }
0x4b: {  	_ =	shalt  }
0x4c: {  	_ =	shalt  }
0x4d: {  	_ =	shalt  }
0x4e: {  	_ =	shalt  }
0x4f: {  	_ =	shalt  }
0x50: {  	_ =	shalt  }
0x51: {  	_ =	shalt  }
0x52: {  	_ =	shalt  }
0x53: {  	_ =	shalt  }
0x54: {  	_ =	shalt  }
0x55: {  	_ =	shalt  }
0x56: {  	_ =	shalt  }
0x57: {  	_ =	shalt  }
0x58: {  	_ =	shalt  }
0x59: {  	_ =	shalt  }
0x5a: {  	_ =	shalt  }
0x5b: {  	_ =	shalt  }
0x5c: {  	_ =	shalt  }
0x5d: {  	_ =	shalt  }
0x5e: {  	_ =	shalt  }
0x5f: {  	_ =	shalt  }
0x60: {  	_ =	shalt  }
0x61: {  	_ =	shalt  }
0x62: {  	_ =	shalt  }
0x63: {  	_ =	shalt  }
0x64: {  	_ =	shalt  }
0x65: {  	_ =	shalt  }
0x66: {  	_ =	shalt  }
0x67: {  	_ =	shalt  }
0x68: {  	_ =	shalt  }
0x69: {  	_ =	shalt  }
0x6a: {  	_ =	shalt  }
0x6b: {  	_ =	shalt  }
0x6c: {  	_ =	shalt  }
0x6d: {  	_ =	shalt  }
0x6e: {  	_ =	shalt  }
0x6f: {  	_ =	shalt  }
0x70: {  	_ =	shalt  }
0x71: {  	_ =	shalt  }
0x72: {  	_ =	shalt  }
0x73: {  	_ =	shalt  }
0x74: {  	_ =	shalt  }
0x75: {  	_ =	shalt  }
0x76: {  	_ =	shalt  }
0x77: {  	_ =	shalt  }
0x78: {  	_ =	shalt  }
0x79: {  	_ =	shalt  }
0x7a: {  	_ =	shalt  }
0x7b: {  	_ =	shalt  }
0x7c: {  	_ =	shalt  }
0x7d: {  	_ =	shalt  }
0x7e: {  	_ =	shalt  }
0x7f: {  	_ =	shalt  }
0x80: {  	_ =	shalt  }
0x81: {  	_ =	shalt  }
0x82: {  	_ =	shalt  }
0x83: {  	_ =	shalt  }
0x84: {  	_ =	shalt  }
0x85: {  	_ =	shalt  }
0x86: {  	_ =	shalt  }
0x87: {  	_ =	shalt  }
.Lfunc_end0:
.L_simem_size_0:
called_computation_lowered:
.L_overlay_start_0:
0x88: {  	s2 =	sld [smem:$0x3FD9]  }
0x89: {  	s3 =	sld [smem:$0x3FFE];
	_ =	sdelay $0x1  }
0x8a: {  	s1 =	srdreg.scid  }
0x8b: {  	s0 =	sand.u32 $0x1, s1  }
0x8c: {  	s14 =	sshll.u32 s0, $0xA;
	s2 =	sadd.s32 s3, s2  }
0x8d: {  	s2 =	sadd.s32 s2, s14  }
0x8e: {  	[smem:$0x3FBF] =	sst s2  }
0x8f: {  	_ = 	snop  }
0x90: {  	s2 =	sld [smem:$0x3FD0];
	_ =	sdelay $0x2  }
0x91: {  	s15 =	simm.s32 $0xA;
	s4 =	simm.s32 $0x10  }
0x92: {  	[smem:s4], [sflag:s15] =	dma.local [hbm:s2], $0x1  }
0x93: {  	_ =	swait.eq [sflag:s15], $0x1  }
0x94: {  	[sflag:s15] =	ssyncset.done $0x0  }
0x95: {  	[sflag:s15] =	ssyncadd.s32 $0xFFFFFFFF  }
0x96: {  	s16 =	sld [smem:$0x11];
	(tm) =	ssettm $0x1  }
0x97: {  	s17 =	sld [smem:$0x3FFB];
	_ =	sdelay $0x3  }
0x98: {  	_ =	strace s17  }
0x99: {  	s3 =	sld [smem:$0x3FFC];
	_ =	sdelay $0x3  }
0x9a: {  	_ =	strace s3  }
0x9b: {  	s3 =	sld [smem:$0x3FFD];
	_ =	sdelay $0x3  }
0x9c: {  	_ =	strace s3  }
0x9d: {  	_ =	strace $0x8FFFFFFF  }
0x9e: {  	s18 =	sld [smem:$0x3FDB];
	_ =	sdelay $0x1  }
0x9f: {  	s19 =	simm.s32 $_scs_section_size  }
0xa0: {  	s5 =	simm.s32 $_size__tile_overlayer_lowered;
	s6 =	simm.s32 $_tile_overlayer_lowered  }
0xa1: {  	s22 =	simm.s32 $0x1BFF;
	s21 =	sshll.u32 s6, $0x1;
	s3 =	sadd.s32 s19, s18  }
0xa2: {  	s7 =	simm.s32 $0x0;
	s20 =	sshll.u32 s5, $0x1;
	s5 =	sadd.s32 s21, s3  }
0xa3: {  	[timem:s7], [sflag:s22] =	dma.local [hbm:s5], s20  }
0xa4: {  	_ =	swait.ge [sflag:s22], s20  }
0xa5: {  	s4 =	ssub.s32 $0x0, s20;
	[sflag:s22] =	ssyncset.done $0x0  }
0xa6: {  	[sflag:s22] =	ssyncadd.s32 s4;
	_ =	sdelay $0x1  }
0xa7: {  	s23 =	simm.s32 $0x1B8B  }
0xa8: {  	_ =	swait.ge [sflag:s23], $0x1  }
0xa9: {  	[sflag:s23] =	ssyncset.done $0x0  }
0xaa: {  	s25 =	simm.s32 $0x1B8E;
	s24 =	sld [smem:$0x3FFE];
	[sflag:s23] =	ssyncadd.s32 $0xFFFFFFFF  }
0xab: {  	s26 =	simm.s32 $execute0_lowered;
	[smem:$0x3FD2] =	sst s25  }
0xac: {  	s5 =	sshll.u32 s26, $0x1;
	_ =	strace $0x80000046;
	[dreg:$0x1] =	wrdreg $0xFFFFFFFF  }
0xad: {  	s28 =	simm.s32 $_size_execute0_lowered;
	s3 =	sadd.s32 s3, s5;
	[dreg:$0x0] =	wrdreg $0x0  }
0xae: {  	s5 =	sshll.u32 s28, $0x1;
	[dreg:$0x2] =	wrdreg s3  }
0xaf: {  	[dreg:$0x3] =	wrdreg s5  }
0xb0: {  	[dreg:$0x4] =	wrdreg $0xC0  }
0xb1: {  	_ =	task [dreg:s7], $0x5FFFF  }
0xb2: {  	[dreg:$0x1] =	wrdreg $0xFFFFFFFF  }
0xb3: {  	[dreg:$0x0] =	wrdreg $0x60  }
0xb4: {  	[dreg:$0x2] =	wrdreg s24  }
0xb5: {  	[dreg:$0x3] =	wrdreg s16  }
0xb6: {  	[dreg:$0x4] =	wrdreg $0x9  }
0xb7: {  	_ =	task.clear_ibuf [dreg:s7], $0x5FFFF;
	_ =	strace $0x90000046  }
0xb8: {  	s29 =	simm.s32 $0x9;
	_ =	strace $0x80000048  }
0xb9: {  	_ =	swait.ge [sflag:s29], $0x1  }
0xba: {  	[sflag:s29] =	ssyncadd.s32 $0xFFFFFFFF  }
0xbb: {  	_ =	strace $0x90000048  }
0xbc: {  	_ =	sfence  }
0xbd: {  	s30 =	sld [smem:$0x0];
	_ =	sdelay $0x2  }
0xbe: {  	s31 =	sshll.u32 s1, $0xD;
	s1 =	sshrl.u32 s1, $0x2  }
0xbf: {  	s3 =	sand.u32 $0x4000, s31;
	s1 =	sadd.s32 s1, s30  }
0xc0: {  	s0 =	sor.u32 s3, s0;
	s1 =	sshll.u32 s1, $0x11  }
0xc1: {  	s0 =	sor.u32 s1, s0  }
0xc2: {  	s0 =	sadd.s32 $0x8F2B, s0  }
0xc3: {  	[sflag:s0] =	ssyncadd.remote.s32 $0x1  }
0xc4: {  	_ =	sfence.sel $0xFFFF  }
0xc5: {  	[dreg:$0x0] =	wrdreg $0xFFFFFFFF;
	(pc) =	sbr.abs _section_cstart, $3  }
0xc6: {  	[dreg:$0x1] =	wrdreg $0xFFFFFFFF  }
0xc7: {  	_ =	task.clear_ibuf [dreg:s7], $0x2FFFF;
	_ =	strace $0x9FFFFFFF  }
0xc8: {  	(tm) =	ssettm $0x7FFFFFFF  }
0xc9: {  	_ =	shalt  }
tec
execute0_lowered:
.L_overlay_start_1:
0x0: {  	(tag) =	ssettag $0x1  }
0x1: {  	s1 =	stileid.u32  }
0x2: {  	p0 =	sgt.u32 s1, $0x3  }
.Ltmp0:
0x3: {  	_ = 	snop;
	(pc) =	sbr.rel @p0 .LBB2_3-.Ltmp0, $4  }
0x4: {  	s3 =	rddreg [dreg:$0x0]  }
0x5: {  	s5 =	rddreg [dreg:$0x1];
	s2 =	simm.s32 $0x0  }
0x6: {  	[smem:$0x7FF] =	sst s2  }
0x7: {  	s0 =	rddreg [dreg:$0x2];
	_ =	strace $0x80000047  }
0x8: {  	s11 =	simm.s32 $0x480  }
0x9: {  	s12 =	simm.s32 $0x880;
	[dreg:$0x5] =	wrdreg s11  }
0xa: {  	s13 =	simm.s32 $0x100;
	[dreg:$0x6] =	wrdreg s12  }
0xb: {  	s14 =	simm.s32 $0x500;
	[dreg:$0x7] =	wrdreg s13  }
0xc: {  	s15 =	simm.s32 $0x900;
	[dreg:$0x8] =	wrdreg s14  }
0xd: {  	s16 =	simm.s32 $0x180;
	[dreg:$0x9] =	wrdreg s15  }
0xe: {  	s17 =	simm.s32 $0x580;
	[dreg:$0xa] =	wrdreg s16  }
0xf: {  	s18 =	simm.s32 $0x980;
	[dreg:$0xb] =	wrdreg s17  }
0x10: {  	s19 =	simm.s32 $0x200;
	[dreg:$0xc] =	wrdreg s18  }
0x11: {  	s20 =	simm.s32 $0x600;
	[dreg:$0xd] =	wrdreg s19  }
0x12: {  	s21 =	simm.s32 $0xA00;
	[dreg:$0xe] =	wrdreg s20  }
0x13: {  	s22 =	simm.s32 $0x280;
	[dreg:$0xf] =	wrdreg s21  }
0x14: {  	s23 =	simm.s32 $0x680;
	[dreg:$0x10] =	wrdreg s22  }
0x15: {  	s24 =	simm.s32 $0xA80;
	[dreg:$0x11] =	wrdreg s23  }
0x16: {  	s25 =	simm.s32 $0x300;
	[dreg:$0x12] =	wrdreg s24  }
0x17: {  	s26 =	simm.s32 $0x700;
	[dreg:$0x13] =	wrdreg s25  }
0x18: {  	s28 =	simm.s32 $0xB00;
	[dreg:$0x14] =	wrdreg s26  }
0x19: {  	s29 =	simm.s32 $0x380;
	[dreg:$0x15] =	wrdreg s28  }
0x1a: {  	s30 =	simm.s32 $0x780;
	[dreg:$0x16] =	wrdreg s29  }
0x1b: {  	s31 =	simm.s32 $0xB80;
	[dreg:$0x17] =	wrdreg s30  }
0x1c: {  	s9 =	simm.s32 $0xC80;
	[dreg:$0x18] =	wrdreg s31  }
0x1d: {  	[dreg:$0x1c] =	wrdreg s9;
	s11 =	simm.s32 $0x1480  }
0x1e: {  	s12 =	simm.s32 $0xD00;
	[dreg:$0x1e] =	wrdreg s11  }
0x1f: {  	s13 =	simm.s32 $0x1100;
	[dreg:$0x1f] =	wrdreg s12  }
0x20: {  	s14 =	simm.s32 $0x1500;
	[smem:$0x7A2] =	sst s13  }
0x21: {  	s15 =	simm.s32 $0xD80;
	[smem:$0x7A3] =	sst s14  }
0x22: {  	s16 =	simm.s32 $0x1180;
	[smem:$0x7A4] =	sst s15  }
0x23: {  	s17 =	simm.s32 $0x1580;
	[smem:$0x7A5] =	sst s16  }
0x24: {  	s18 =	simm.s32 $0xE00;
	[smem:$0x7A6] =	sst s17  }
0x25: {  	s19 =	simm.s32 $0x1200;
	[smem:$0x7A7] =	sst s18  }
0x26: {  	s20 =	simm.s32 $0x1600;
	[smem:$0x7A8] =	sst s19  }
0x27: {  	s21 =	simm.s32 $0xE80;
	[smem:$0x7A9] =	sst s20  }
0x28: {  	s22 =	simm.s32 $0x1280;
	[smem:$0x7AA] =	sst s21  }
0x29: {  	s23 =	simm.s32 $0x1680;
	[smem:$0x7AB] =	sst s22  }
0x2a: {  	s24 =	simm.s32 $0xF00;
	[smem:$0x7AC] =	sst s23  }
0x2b: {  	s25 =	simm.s32 $0x1300;
	[smem:$0x7AD] =	sst s24  }
0x2c: {  	s26 =	simm.s32 $0x1700;
	[smem:$0x7AE] =	sst s25  }
0x2d: {  	s28 =	simm.s32 $0xF80;
	[smem:$0x7AF] =	sst s26  }
0x2e: {  	s29 =	simm.s32 $0x1380;
	[smem:$0x7B0] =	sst s28  }
0x2f: {  	s30 =	simm.s32 $0x1780;
	[smem:$0x7B1] =	sst s29  }
0x30: {  	s31 =	simm.s32 $0x1000;
	[smem:$0x7B2] =	sst s30  }
0x31: {  	s9 =	simm.s32 $0x1C80;
	[smem:$0x7B3] =	sst s31  }
0x32: {  	[smem:$0x7B7] =	sst s9;
	s11 =	simm.s32 $0x1900  }
0x33: {  	s12 =	simm.s32 $0x1D00;
	[smem:$0x7B9] =	sst s11  }
0x34: {  	s13 =	simm.s32 $0x2100;
	[smem:$0x7BA] =	sst s12  }
0x35: {  	s14 =	simm.s32 $0x1980;
	[smem:$0x7BB] =	sst s13  }
0x36: {  	s15 =	simm.s32 $0x1D80;
	[smem:$0x7BC] =	sst s14  }
0x37: {  	s16 =	simm.s32 $0x2180;
	[smem:$0x7BD] =	sst s15  }
0x38: {  	s17 =	simm.s32 $0x1A00;
	[smem:$0x7BE] =	sst s16  }
0x39: {  	s18 =	simm.s32 $0x1E00;
	[smem:$0x7BF] =	sst s17  }
0x3a: {  	s19 =	simm.s32 $0x2200;
	[smem:$0x7C0] =	sst s18  }
0x3b: {  	s20 =	simm.s32 $0x1A80;
	[smem:$0x7C1] =	sst s19  }
0x3c: {  	s21 =	simm.s32 $0x1E80;
	[smem:$0x7C2] =	sst s20  }
0x3d: {  	s22 =	simm.s32 $0x2280;
	[smem:$0x7C3] =	sst s21  }
0x3e: {  	s23 =	simm.s32 $0x1B00;
	[smem:$0x7C4] =	sst s22  }
0x3f: {  	s24 =	simm.s32 $0x1F00;
	[smem:$0x7C5] =	sst s23  }
0x40: {  	s25 =	simm.s32 $0x2300;
	[smem:$0x7C6] =	sst s24  }
0x41: {  	s26 =	simm.s32 $0x1B80;
	[smem:$0x7C7] =	sst s25  }
0x42: {  	s28 =	simm.s32 $0x1F80;
	[smem:$0x7C8] =	sst s26  }
0x43: {  	s29 =	simm.s32 $0x2380;
	[smem:$0x7C9] =	sst s28  }
0x44: {  	s30 =	simm.s32 $0x1C00;
	[smem:$0x7CA] =	sst s29  }
0x45: {  	s31 =	simm.s32 $0x2000;
	[smem:$0x7CB] =	sst s30  }
0x46: {  	s9 =	simm.s32 $0x2C80;
	[smem:$0x7CC] =	sst s31  }
0x47: {  	[smem:$0x7D0] =	sst s9;
	s11 =	simm.s32 $0x2900  }
0x48: {  	s12 =	simm.s32 $0x2D00;
	[smem:$0x7D2] =	sst s11  }
0x49: {  	s13 =	simm.s32 $0x2580;
	[smem:$0x7D3] =	sst s12  }
0x4a: {  	s14 =	simm.s32 $0x2980;
	[smem:$0x7D4] =	sst s13  }
0x4b: {  	s15 =	simm.s32 $0x2D80;
	[smem:$0x7D5] =	sst s14  }
0x4c: {  	s16 =	simm.s32 $0x2600;
	[smem:$0x7D6] =	sst s15  }
0x4d: {  	s17 =	simm.s32 $0x2A00;
	[smem:$0x7D7] =	sst s16  }
0x4e: {  	s18 =	simm.s32 $0x2E00;
	[smem:$0x7D8] =	sst s17  }
0x4f: {  	s19 =	simm.s32 $0x2680;
	[smem:$0x7D9] =	sst s18  }
0x50: {  	s20 =	simm.s32 $0x2A80;
	[smem:$0x7DA] =	sst s19  }
0x51: {  	s21 =	simm.s32 $0x2E80;
	[smem:$0x7DB] =	sst s20  }
0x52: {  	s22 =	simm.s32 $0x2700;
	[smem:$0x7DC] =	sst s21  }
0x53: {  	s23 =	simm.s32 $0x2B00;
	[smem:$0x7DD] =	sst s22  }
0x54: {  	s24 =	simm.s32 $0x2F00;
	[smem:$0x7DE] =	sst s23  }
0x55: {  	s25 =	simm.s32 $0x2780;
	[smem:$0x7DF] =	sst s24  }
0x56: {  	s26 =	simm.s32 $0x2B80;
	[smem:$0x7E0] =	sst s25  }
0x57: {  	s28 =	simm.s32 $0x2F80;
	[smem:$0x7E1] =	sst s26  }
0x58: {  	s29 =	simm.s32 $0x2800;
	[smem:$0x7E2] =	sst s28  }
0x59: {  	s30 =	simm.s32 $0x2C00;
	[smem:$0x7E3] =	sst s29  }
0x5a: {  	s31 =	simm.s32 $0x3000;
	[smem:$0x7E4] =	sst s30  }
0x5b: {  	s9 =	simm.s32 $0x3100;
	[smem:$0x7E5] =	sst s31  }
0x5c: {  	[smem:$0x7E9] =	sst s9;
	s11 =	simm.s32 $0x3900  }
0x5d: {  	s12 =	simm.s32 $0x3180;
	[smem:$0x7EB] =	sst s11  }
0x5e: {  	s13 =	simm.s32 $0x3580;
	[smem:$0x7EC] =	sst s12  }
0x5f: {  	s14 =	simm.s32 $0x3980;
	[smem:$0x7ED] =	sst s13  }
0x60: {  	s15 =	simm.s32 $0x3200;
	[smem:$0x7EE] =	sst s14  }
0x61: {  	s16 =	simm.s32 $0x3600;
	[smem:$0x7EF] =	sst s15  }
0x62: {  	s17 =	simm.s32 $0x3A00;
	[smem:$0x7F0] =	sst s16  }
0x63: {  	s18 =	simm.s32 $0x3280;
	[smem:$0x7F1] =	sst s17  }
0x64: {  	s19 =	simm.s32 $0x3680;
	[smem:$0x7F2] =	sst s18  }
0x65: {  	s20 =	simm.s32 $0x3A80;
	[smem:$0x7F3] =	sst s19  }
0x66: {  	s21 =	simm.s32 $0x3300;
	[smem:$0x7F4] =	sst s20  }
0x67: {  	s22 =	simm.s32 $0x3700;
	[smem:$0x7F5] =	sst s21  }
0x68: {  	s23 =	simm.s32 $0x3B00;
	[smem:$0x7F6] =	sst s22  }
0x69: {  	s4 =	srdreg.scid;
	s24 =	simm.s32 $0x3380;
	[smem:$0x7F7] =	sst s23  }
0x6a: {  	s6 =	sshll.u32 s1, $0x1;
	s25 =	simm.s32 $0x3780;
	[smem:$0x7F8] =	sst s24  }
0x6b: {  	s4 =	sand.u32 $0x1, s4;
	s28 =	simm.s32 $0x3B80;
	[smem:$0x7F9] =	sst s25  }
0x6c: {  	s6 =	sor.u32 s4, s6;
	s29 =	simm.s32 $0x3400;
	[smem:$0x7FA] =	sst s28  }
0x6d: {  	s7 =	smul.u32 $0x780, s6;
	s30 =	simm.s32 $0x3800;
	[smem:$0x7FB] =	sst s29  }
0x6e: {  	s6 =	smul.u32 $0x5, s6;
	s31 =	simm.s32 $0x3C00;
	[smem:$0x7FC] =	sst s30  }
0x6f: {  	s8 =	sadd.s32 $0x1A00, s3;
	s5 =	sadd.s32 s5, s7;
	[smem:$0x7FD] =	sst s31  }
0x70: {  	s10 =	sadd.s32 s8, s6;
	[dreg:$0x3] =	wrdreg s5  }
0x71: {  	s6 =	simm.s32 $0x400;
	[dreg:$0x4] =	wrdreg s10  }
0x72: {  	s7 =	simm.s32 $0x800;
	[dreg:$0x19] =	wrdreg s6  }
0x73: {  	s8 =	simm.s32 $0xC00;
	[dreg:$0x1a] =	wrdreg s7  }
0x74: {  	[dreg:$0x1b] =	wrdreg s8;
	s10 =	simm.s32 $0x1080  }
0x75: {  	s6 =	simm.s32 $0x1400;
	[dreg:$0x1d] =	wrdreg s10  }
0x76: {  	s7 =	simm.s32 $0x1800;
	[smem:$0x7B4] =	sst s6  }
0x77: {  	s8 =	simm.s32 $0x1880;
	[smem:$0x7B5] =	sst s7  }
0x78: {  	[smem:$0x7B6] =	sst s8;
	s10 =	simm.s32 $0x2080  }
0x79: {  	s6 =	simm.s32 $0x2400;
	[smem:$0x7B8] =	sst s10  }
0x7a: {  	s7 =	simm.s32 $0x2480;
	[smem:$0x7CD] =	sst s6  }
0x7b: {  	s3 =	sadd.s32 $0x1C00, s3;
	s8 =	simm.s32 $0x2880;
	[smem:$0x7CE] =	sst s7  }
0x7c: {  	s4 =	ssub.s32 $0x2, s4;
	[smem:$0x7CF] =	sst s8;
	s10 =	simm.s32 $0x2500  }
0x7d: {  	s26 =	sshrl.u32 s4, $0x1;
	s6 =	simm.s32 $0x3080;
	[smem:$0x7D1] =	sst s10  }
0x7e: {  	s4 =	ssub.s32 s4, s26;
	s7 =	simm.s32 $0x3480;
	[smem:$0x7E6] =	sst s6  }
0x7f: {  	s4 =	smax.u32 s4, $0x1;
	s8 =	simm.s32 $0x3880;
	[smem:$0x7E7] =	sst s7  }
0x80: {  	s5 =	simm.s32 $0x2;
	[smem:$0x7E8] =	sst s8;
	s10 =	simm.s32 $0x3500  }
0x81: {  	s6 =	simm.s32 $0x80;
	s7 =	simm.s32 $0x1;
	[smem:$0x7EA] =	sst s10  }
.LBB2_2:
0x82: {  	s8 =	rddreg [dreg:$0x4]  }
0x83: {  	[tilespmem:s2], [sflag:$0x2] =	stream.linear.gather [hbm4b:s8+s2], $0x28, $0x38;
	[tilespmem:$0x3C80] =	vst v63  }
0x84: {  	_ =	swait.ge [sflag:s5], $0x28  }
0x85: {  	[sflag:s5] =	ssyncset.done $0x0  }
0x86: {  	[sflag:s5] =	ssyncadd.s32 $0xFFFFFFD8  }
0x87: {  	v0 =	vld [tilespmem:$0x0];
	_ =	sdelay $0x4  }
0x88: {  	(v2sf) =	vpush v0, $0x0;
	_ =	sdelay $0xe  }
0x89: {  	s13 =	spop (v2sf)  }
0x8a: {  	s9 =	sshrl.u32 s13, $0x3  }
0x8b: {  	s8 =	sshll.u32 s13, $0x7;
	s9 =	smul.u32 $0xC00, s9  }
0x8c: {  	s8 =	sand.u32 $0x380, s8  }
0x8d: {  	s8 =	sor.u32 s8, s9  }
0x8e: {  	s8 =	sshrl.u32 s8, $0x3  }
0x8f: {  	s8 =	sadd.s32 s3, s8  }
0x90: {  	[tilespmem:s6], [sflag:$0x1] =	stream.linear.gather [hbm4b:s8+s2], $0x80, $0x38;
	[tilespmem:$0x3C80] =	vst v63  }
0x91: {  	s14 =	rddreg [dreg:$0x5];
	s10 =	sadd.s32 $0x80, s8  }
0x92: {  	[tilespmem:s14], [sflag:$0x1] =	stream.linear.gather [hbm4b:s10+s2], $0x80, $0x38;
	[tilespmem:$0x3C80] =	vst v63  }
0x93: {  	s11 =	rddreg [dreg:$0x6];
	s8 =	sadd.s32 $0x100, s8  }
0x94: {  	[tilespmem:s11], [sflag:$0x1] =	stream.linear.gather [hbm4b:s8+s2], $0x80, $0x38;
	[tilespmem:$0x3C80] =	vst v63  }
0x95: {  	v25 =	vld [tilespmem:$0x0];
	_ =	sdelay $0x4  }
0x96: {  	(v2sf) =	vpush v25, $0x1;
	_ =	sdelay $0xe  }
0x97: {  	s15 =	spop (v2sf)  }
0x98: {  	s16 =	sshrl.u32 s15, $0x3  }
0x99: {  	s8 =	sshll.u32 s15, $0x7;
	s9 =	smul.u32 $0xC00, s16  }
0x9a: {  	s8 =	sand.u32 $0x380, s8  }
0x9b: {  	s8 =	sor.u32 s8, s9  }
0x9c: {  	s8 =	sshrl.u32 s8, $0x3  }
0x9d: {  	s17 =	rddreg [dreg:$0x7];
	s8 =	sadd.s32 s3, s8  }
0x9e: {  	[tilespmem:s17], [sflag:$0x1] =	stream.linear.gather [hbm4b:s8+s2], $0x80, $0x38;
	[tilespmem:$0x3C80] =	vst v63  }
0x9f: {  	s18 =	rddreg [dreg:$0x8];
	s19 =	sadd.s32 $0x80, s8  }
0xa0: {  	[tilespmem:s18], [sflag:$0x1] =	stream.linear.gather [hbm4b:s19+s2], $0x80, $0x38;
	[tilespmem:$0x3C80] =	vst v63  }
0xa1: {  	s20 =	rddreg [dreg:$0x9];
	s8 =	sadd.s32 $0x100, s8  }
0xa2: {  	[tilespmem:s20], [sflag:$0x1] =	stream.linear.gather [hbm4b:s8+s2], $0x80, $0x38;
	[tilespmem:$0x3C80] =	vst v63  }
0xa3: {  	v26 =	vld [tilespmem:$0x0];
	_ =	sdelay $0x4  }
0xa4: {  	(v2sf) =	vpush v26, $0x2;
	_ =	sdelay $0xe  }
0xa5: {  	s21 =	spop (v2sf)  }
0xa6: {  	s22 =	sshrl.u32 s21, $0x3  }
0xa7: {  	s8 =	sshll.u32 s21, $0x7;
	s9 =	smul.u32 $0xC00, s22  }
0xa8: {  	s8 =	sand.u32 $0x380, s8  }
0xa9: {  	s8 =	sor.u32 s8, s9  }
0xaa: {  	s8 =	sshrl.u32 s8, $0x3  }
0xab: {  	s23 =	rddreg [dreg:$0xa];
	s8 =	sadd.s32 s3, s8  }
0xac: {  	[tilespmem:s23], [sflag:$0x1] =	stream.linear.gather [hbm4b:s8+s2], $0x80, $0x38;
	[tilespmem:$0x3C80] =	vst v63  }
0xad: {  	s24 =	rddreg [dreg:$0xb];
	s25 =	sadd.s32 $0x80, s8  }
0xae: {  	[tilespmem:s24], [sflag:$0x1] =	stream.linear.gather [hbm4b:s25+s2], $0x80, $0x38;
	[tilespmem:$0x3C80] =	vst v63  }
0xaf: {  	s26 =	rddreg [dreg:$0xc];
	s8 =	sadd.s32 $0x100, s8  }
0xb0: {  	[tilespmem:s26], [sflag:$0x1] =	stream.linear.gather [hbm4b:s8+s2], $0x80, $0x38;
	[tilespmem:$0x3C80] =	vst v63  }
0xb1: {  	v27 =	vld [tilespmem:$0x0];
	_ =	sdelay $0x4  }
0xb2: {  	(v2sf) =	vpush v27, $0x3;
	_ =	sdelay $0xe  }
0xb3: {  	s28 =	spop (v2sf)  }
0xb4: {  	s29 =	sshrl.u32 s28, $0x3  }
0xb5: {  	s8 =	sshll.u32 s28, $0x7;
	s9 =	smul.u32 $0xC00, s29  }
0xb6: {  	s8 =	sand.u32 $0x380, s8  }
0xb7: {  	s8 =	sor.u32 s8, s9  }
0xb8: {  	s8 =	sshrl.u32 s8, $0x3  }
0xb9: {  	s30 =	rddreg [dreg:$0xd];
	s8 =	sadd.s32 s3, s8  }
0xba: {  	[tilespmem:s30], [sflag:$0x1] =	stream.linear.gather [hbm4b:s8+s2], $0x80, $0x38;
	[tilespmem:$0x3C80] =	vst v63  }
0xbb: {  	s31 =	rddreg [dreg:$0xe];
	s11 =	sadd.s32 $0x80, s8  }
0xbc: {  	[tilespmem:s31], [sflag:$0x1] =	stream.linear.gather [hbm4b:s11+s2], $0x80, $0x38;
	[tilespmem:$0x3C80] =	vst v63  }
0xbd: {  	s12 =	rddreg [dreg:$0xf];
	s8 =	sadd.s32 $0x100, s8  }
0xbe: {  	[tilespmem:s12], [sflag:$0x1] =	stream.linear.gather [hbm4b:s8+s2], $0x80, $0x38;
	[tilespmem:$0x3C80] =	vst v63  }
0xbf: {  	v28 =	vld [tilespmem:$0x0];
	_ =	sdelay $0x4  }
0xc0: {  	(v2sf) =	vpush v28, $0x4;
	_ =	sdelay $0xe  }
0xc1: {  	s13 =	spop (v2sf)  }
0xc2: {  	s14 =	sshrl.u32 s13, $0x3  }
0xc3: {  	s8 =	sshll.u32 s13, $0x7;
	s9 =	smul.u32 $0xC00, s14  }
0xc4: {  	s8 =	sand.u32 $0x380, s8  }
0xc5: {  	s8 =	sor.u32 s8, s9  }
0xc6: {  	s8 =	sshrl.u32 s8, $0x3  }
0xc7: {  	s15 =	rddreg [dreg:$0x10];
	s8 =	sadd.s32 s3, s8  }
0xc8: {  	[tilespmem:s15], [sflag:$0x1] =	stream.linear.gather [hbm4b:s8+s2], $0x80, $0x38;
	[tilespmem:$0x3C80] =	vst v63  }
0xc9: {  	s16 =	rddreg [dreg:$0x11];
	s17 =	sadd.s32 $0x80, s8  }
0xca: {  	[tilespmem:s16], [sflag:$0x1] =	stream.linear.gather [hbm4b:s17+s2], $0x80, $0x38;
	[tilespmem:$0x3C80] =	vst v63  }
0xcb: {  	s18 =	rddreg [dreg:$0x12];
	s8 =	sadd.s32 $0x100, s8  }
0xcc: {  	[tilespmem:s18], [sflag:$0x1] =	stream.linear.gather [hbm4b:s8+s2], $0x80, $0x38;
	[tilespmem:$0x3C80] =	vst v63  }
0xcd: {  	v29 =	vld [tilespmem:$0x0];
	_ =	sdelay $0x4  }
0xce: {  	(v2sf) =	vpush v29, $0x5;
	_ =	sdelay $0xe  }
0xcf: {  	s19 =	spop (v2sf)  }
0xd0: {  	s20 =	sshrl.u32 s19, $0x3  }
0xd1: {  	s8 =	sshll.u32 s19, $0x7;
	s9 =	smul.u32 $0xC00, s20  }
0xd2: {  	s8 =	sand.u32 $0x380, s8  }
0xd3: {  	s8 =	sor.u32 s8, s9  }
0xd4: {  	s8 =	sshrl.u32 s8, $0x3  }
0xd5: {  	s21 =	rddreg [dreg:$0x13];
	s8 =	sadd.s32 s3, s8  }
0xd6: {  	[tilespmem:s21], [sflag:$0x1] =	stream.linear.gather [hbm4b:s8+s2], $0x80, $0x38;
	[tilespmem:$0x3C80] =	vst v63  }
0xd7: {  	s22 =	rddreg [dreg:$0x14];
	s23 =	sadd.s32 $0x80, s8  }
0xd8: {  	[tilespmem:s22], [sflag:$0x1] =	stream.linear.gather [hbm4b:s23+s2], $0x80, $0x38;
	[tilespmem:$0x3C80] =	vst v63  }
0xd9: {  	s24 =	rddreg [dreg:$0x15];
	s8 =	sadd.s32 $0x100, s8  }
0xda: {  	[tilespmem:s24], [sflag:$0x1] =	stream.linear.gather [hbm4b:s8+s2], $0x80, $0x38;
	[tilespmem:$0x3C80] =	vst v63  }
0xdb: {  	v30 =	vld [tilespmem:$0x0];
	_ =	sdelay $0x4  }
0xdc: {  	(v2sf) =	vpush v30, $0x6;
	_ =	sdelay $0xe  }
0xdd: {  	s25 =	spop (v2sf)  }
0xde: {  	s26 =	sshrl.u32 s25, $0x3  }
0xdf: {  	s8 =	sshll.u32 s25, $0x7;
	s9 =	smul.u32 $0xC00, s26  }
0xe0: {  	s8 =	sand.u32 $0x380, s8  }
0xe1: {  	s8 =	sor.u32 s8, s9  }
0xe2: {  	s8 =	sshrl.u32 s8, $0x3  }
0xe3: {  	s28 =	rddreg [dreg:$0x16];
	s8 =	sadd.s32 s3, s8  }
0xe4: {  	[tilespmem:s28], [sflag:$0x1] =	stream.linear.gather [hbm4b:s8+s2], $0x80, $0x38;
	[tilespmem:$0x3C80] =	vst v63  }
0xe5: {  	s29 =	rddreg [dreg:$0x17];
	s30 =	sadd.s32 $0x80, s8  }
0xe6: {  	[tilespmem:s29], [sflag:$0x1] =	stream.linear.gather [hbm4b:s30+s2], $0x80, $0x38;
	[tilespmem:$0x3C80] =	vst v63  }
0xe7: {  	s31 =	rddreg [dreg:$0x18];
	s8 =	sadd.s32 $0x100, s8  }
0xe8: {  	[tilespmem:s31], [sflag:$0x1] =	stream.linear.gather [hbm4b:s8+s2], $0x80, $0x38;
	[tilespmem:$0x3C80] =	vst v63  }
0xe9: {  	v31 =	vld [tilespmem:$0x0];
	_ =	sdelay $0x4  }
0xea: {  	(v2sf) =	vpush v31, $0x7;
	_ =	sdelay $0xe  }
0xeb: {  	s12 =	spop (v2sf)  }
0xec: {  	s13 =	sshrl.u32 s12, $0x3  }
0xed: {  	s8 =	sshll.u32 s12, $0x7;
	s9 =	smul.u32 $0xC00, s13  }
0xee: {  	s8 =	sand.u32 $0x380, s8  }
0xef: {  	s8 =	sor.u32 s8, s9  }
0xf0: {  	s8 =	sshrl.u32 s8, $0x3  }
0xf1: {  	s14 =	rddreg [dreg:$0x19];
	s8 =	sadd.s32 s3, s8  }
0xf2: {  	[tilespmem:s14], [sflag:$0x1] =	stream.linear.gather [hbm4b:s8+s2], $0x80, $0x38;
	[tilespmem:$0x3C80] =	vst v63  }
0xf3: {  	s15 =	rddreg [dreg:$0x1a];
	s16 =	sadd.s32 $0x80, s8  }
0xf4: {  	[tilespmem:s15], [sflag:$0x1] =	stream.linear.gather [hbm4b:s16+s2], $0x80, $0x38;
	[tilespmem:$0x3C80] =	vst v63  }
0xf5: {  	s17 =	rddreg [dreg:$0x1b];
	s8 =	sadd.s32 $0x100, s8  }
0xf6: {  	[tilespmem:s17], [sflag:$0x1] =	stream.linear.gather [hbm4b:s8+s2], $0x80, $0x38;
	[tilespmem:$0x3C80] =	vst v63  }
0xf7: {  	v32 =	vld [tilespmem:$0x0];
	_ =	sdelay $0x4  }
0xf8: {  	(v2sf) =	vpush v32, $0x8;
	_ =	sdelay $0xe  }
0xf9: {  	s18 =	spop (v2sf)  }
0xfa: {  	s19 =	sshrl.u32 s18, $0x3  }
0xfb: {  	s8 =	sshll.u32 s18, $0x7;
	s9 =	smul.u32 $0xC00, s19  }
0xfc: {  	s8 =	sand.u32 $0x380, s8  }
0xfd: {  	s8 =	sor.u32 s8, s9  }
0xfe: {  	s8 =	sshrl.u32 s8, $0x3  }
0xff: {  	s20 =	rddreg [dreg:$0x1c];
	s8 =	sadd.s32 s3, s8  }
0x100: {  	[tilespmem:s20], [sflag:$0x1] =	stream.linear.gather [hbm4b:s8+s2], $0x80, $0x38;
	[tilespmem:$0x3C80] =	vst v63  }
0x101: {  	s21 =	rddreg [dreg:$0x1d];
	s22 =	sadd.s32 $0x80, s8  }
0x102: {  	[tilespmem:s21], [sflag:$0x1] =	stream.linear.gather [hbm4b:s22+s2], $0x80, $0x38;
	[tilespmem:$0x3C80] =	vst v63  }
0x103: {  	s23 =	rddreg [dreg:$0x1e];
	s8 =	sadd.s32 $0x100, s8  }
0x104: {  	[tilespmem:s23], [sflag:$0x1] =	stream.linear.gather [hbm4b:s8+s2], $0x80, $0x38;
	[tilespmem:$0x3C80] =	vst v63  }
0x105: {  	v33 =	vld [tilespmem:$0x0];
	_ =	sdelay $0x4  }
0x106: {  	(v2sf) =	vpush v33, $0x9;
	_ =	sdelay $0xe  }
0x107: {  	s24 =	spop (v2sf)  }
0x108: {  	s25 =	sshrl.u32 s24, $0x3  }
0x109: {  	s8 =	sshll.u32 s24, $0x7;
	s9 =	smul.u32 $0xC00, s25  }
0x10a: {  	s8 =	sand.u32 $0x380, s8  }
0x10b: {  	s8 =	sor.u32 s8, s9  }
0x10c: {  	s26 =	rddreg [dreg:$0x1f];
	s8 =	sshrl.u32 s8, $0x3  }
0x10d: {  	s28 =	sld [smem:$0x7A2];
	s8 =	sadd.s32 s3, s8  }
0x10e: {  	[tilespmem:s26], [sflag:$0x1] =	stream.linear.gather [hbm4b:s8+s2], $0x80, $0x38;
	[tilespmem:$0x3C80] =	vst v63  }
0x10f: {  	s30 =	sld [smem:$0x7A3];
	s29 =	sadd.s32 $0x80, s8  }
0x110: {  	[tilespmem:s28], [sflag:$0x1] =	stream.linear.gather [hbm4b:s29+s2], $0x80, $0x38;
	[tilespmem:$0x3C80] =	vst v63  }
0x111: {  	s8 =	sadd.s32 $0x100, s8  }
0x112: {  	[tilespmem:s30], [sflag:$0x1] =	stream.linear.gather [hbm4b:s8+s2], $0x80, $0x38;
	[tilespmem:$0x3C80] =	vst v63  }
0x113: {  	v34 =	vld [tilespmem:$0x0];
	_ =	sdelay $0x4  }
0x114: {  	(v2sf) =	vpush v34, $0xA;
	_ =	sdelay $0xe  }
0x115: {  	s31 =	spop (v2sf)  }
0x116: {  	s10 =	sshrl.u32 s31, $0x3  }
0x117: {  	s8 =	sshll.u32 s31, $0x7;
	s9 =	smul.u32 $0xC00, s10  }
0x118: {  	s8 =	sand.u32 $0x380, s8  }
0x119: {  	s11 =	sld [smem:$0x7A4];
	s8 =	sor.u32 s8, s9  }
0x11a: {  	s8 =	sshrl.u32 s8, $0x3  }
0x11b: {  	s12 =	sld [smem:$0x7A5];
	s8 =	sadd.s32 s3, s8  }
0x11c: {  	[tilespmem:s11], [sflag:$0x1] =	stream.linear.gather [hbm4b:s8+s2], $0x80, $0x38;
	[tilespmem:$0x3C80] =	vst v63  }
0x11d: {  	s14 =	sld [smem:$0x7A6];
	s13 =	sadd.s32 $0x80, s8  }
0x11e: {  	[tilespmem:s12], [sflag:$0x1] =	stream.linear.gather [hbm4b:s13+s2], $0x80, $0x38;
	[tilespmem:$0x3C80] =	vst v63  }
0x11f: {  	s8 =	sadd.s32 $0x100, s8  }
0x120: {  	[tilespmem:s14], [sflag:$0x1] =	stream.linear.gather [hbm4b:s8+s2], $0x80, $0x38;
	[tilespmem:$0x3C80] =	vst v63  }
0x121: {  	v35 =	vld [tilespmem:$0x0];
	_ =	sdelay $0x4  }
0x122: {  	(v2sf) =	vpush v35, $0xB;
	_ =	sdelay $0xe  }
0x123: {  	s15 =	spop (v2sf)  }
0x124: {  	s16 =	sshrl.u32 s15, $0x3  }
0x125: {  	s8 =	sshll.u32 s15, $0x7;
	s9 =	smul.u32 $0xC00, s16  }
0x126: {  	s8 =	sand.u32 $0x380, s8  }
0x127: {  	s17 =	sld [smem:$0x7A7];
	s8 =	sor.u32 s8, s9  }
0x128: {  	s8 =	sshrl.u32 s8, $0x3  }
0x129: {  	s18 =	sld [smem:$0x7A8];
	s8 =	sadd.s32 s3, s8  }
0x12a: {  	[tilespmem:s17], [sflag:$0x1] =	stream.linear.gather [hbm4b:s8+s2], $0x80, $0x38;
	[tilespmem:$0x3C80] =	vst v63  }
0x12b: {  	s20 =	sld [smem:$0x7A9];
	s19 =	sadd.s32 $0x80, s8  }
0x12c: {  	[tilespmem:s18], [sflag:$0x1] =	stream.linear.gather [hbm4b:s19+s2], $0x80, $0x38;
	[tilespmem:$0x3C80] =	vst v63  }
0x12d: {  	s8 =	sadd.s32 $0x100, s8  }
0x12e: {  	[tilespmem:s20], [sflag:$0x1] =	stream.linear.gather [hbm4b:s8+s2], $0x80, $0x38;
	[tilespmem:$0x3C80] =	vst v63  }
0x12f: {  	v36 =	vld [tilespmem:$0x0];
	_ =	sdelay $0x4  }
0x130: {  	(v2sf) =	vpush v36, $0xC;
	_ =	sdelay $0xe  }
0x131: {  	s21 =	spop (v2sf)  }
0x132: {  	s22 =	sshrl.u32 s21, $0x3  }
0x133: {  	s8 =	sshll.u32 s21, $0x7;
	s9 =	smul.u32 $0xC00, s22  }
0x134: {  	s8 =	sand.u32 $0x380, s8  }
0x135: {  	s23 =	sld [smem:$0x7AA];
	s8 =	sor.u32 s8, s9  }
0x136: {  	s8 =	sshrl.u32 s8, $0x3  }
0x137: {  	s24 =	sld [smem:$0x7AB];
	s8 =	sadd.s32 s3, s8  }
0x138: {  	[tilespmem:s23], [sflag:$0x1] =	stream.linear.gather [hbm4b:s8+s2], $0x80, $0x38;
	[tilespmem:$0x3C80] =	vst v63  }
0x139: {  	s26 =	sld [smem:$0x7AC];
	s25 =	sadd.s32 $0x80, s8  }
0x13a: {  	[tilespmem:s24], [sflag:$0x1] =	stream.linear.gather [hbm4b:s25+s2], $0x80, $0x38;
	[tilespmem:$0x3C80] =	vst v63  }
0x13b: {  	s8 =	sadd.s32 $0x100, s8  }
0x13c: {  	[tilespmem:s26], [sflag:$0x1] =	stream.linear.gather [hbm4b:s8+s2], $0x80, $0x38;
	[tilespmem:$0x3C80] =	vst v63  }
0x13d: {  	v37 =	vld [tilespmem:$0x0];
	_ =	sdelay $0x4  }
0x13e: {  	(v2sf) =	vpush v37, $0xD;
	_ =	sdelay $0xe  }
0x13f: {  	s28 =	spop (v2sf)  }
0x140: {  	s29 =	sshrl.u32 s28, $0x3  }
0x141: {  	s8 =	sshll.u32 s28, $0x7;
	s9 =	smul.u32 $0xC00, s29  }
0x142: {  	s8 =	sand.u32 $0x380, s8  }
0x143: {  	s30 =	sld [smem:$0x7AD];
	s8 =	sor.u32 s8, s9  }
0x144: {  	s8 =	sshrl.u32 s8, $0x3  }
0x145: {  	s31 =	sld [smem:$0x7AE];
	s8 =	sadd.s32 s3, s8  }
0x146: {  	[tilespmem:s30], [sflag:$0x1] =	stream.linear.gather [hbm4b:s8+s2], $0x80, $0x38;
	[tilespmem:$0x3C80] =	vst v63  }
0x147: {  	s12 =	sld [smem:$0x7AF];
	s11 =	sadd.s32 $0x80, s8  }
0x148: {  	[tilespmem:s31], [sflag:$0x1] =	stream.linear.gather [hbm4b:s11+s2], $0x80, $0x38;
	[tilespmem:$0x3C80] =	vst v63  }
0x149: {  	s8 =	sadd.s32 $0x100, s8  }
0x14a: {  	[tilespmem:s12], [sflag:$0x1] =	stream.linear.gather [hbm4b:s8+s2], $0x80, $0x38;
	[tilespmem:$0x3C80] =	vst v63  }
0x14b: {  	v38 =	vld [tilespmem:$0x0];
	_ =	sdelay $0x4  }
0x14c: {  	(v2sf) =	vpush v38, $0xE;
	_ =	sdelay $0xe  }
0x14d: {  	s13 =	spop (v2sf)  }
0x14e: {  	s14 =	sshrl.u32 s13, $0x3  }
0x14f: {  	s8 =	sshll.u32 s13, $0x7;
	s9 =	smul.u32 $0xC00, s14  }
0x150: {  	s8 =	sand.u32 $0x380, s8  }
0x151: {  	s15 =	sld [smem:$0x7B0];
	s8 =	sor.u32 s8, s9  }
0x152: {  	s8 =	sshrl.u32 s8, $0x3  }
0x153: {  	s16 =	sld [smem:$0x7B1];
	s8 =	sadd.s32 s3, s8  }
0x154: {  	[tilespmem:s15], [sflag:$0x1] =	stream.linear.gather [hbm4b:s8+s2], $0x80, $0x38;
	[tilespmem:$0x3C80] =	vst v63  }
0x155: {  	s18 =	sld [smem:$0x7B2];
	s17 =	sadd.s32 $0x80, s8  }
0x156: {  	[tilespmem:s16], [sflag:$0x1] =	stream.linear.gather [hbm4b:s17+s2], $0x80, $0x38;
	[tilespmem:$0x3C80] =	vst v63  }
0x157: {  	s8 =	sadd.s32 $0x100, s8  }
0x158: {  	[tilespmem:s18], [sflag:$0x1] =	stream.linear.gather [hbm4b:s8+s2], $0x80, $0x38;
	[tilespmem:$0x3C80] =	vst v63  }
0x159: {  	v39 =	vld [tilespmem:$0x0];
	_ =	sdelay $0x4  }
0x15a: {  	(v2sf) =	vpush v39, $0xF;
	_ =	sdelay $0xe  }
0x15b: {  	s19 =	spop (v2sf)  }
0x15c: {  	s20 =	sshrl.u32 s19, $0x3  }
0x15d: {  	s8 =	sshll.u32 s19, $0x7;
	s9 =	smul.u32 $0xC00, s20  }
0x15e: {  	s8 =	sand.u32 $0x380, s8  }
0x15f: {  	s21 =	sld [smem:$0x7B3];
	s8 =	sor.u32 s8, s9  }
0x160: {  	s8 =	sshrl.u32 s8, $0x3  }
0x161: {  	s22 =	sld [smem:$0x7B4];
	s8 =	sadd.s32 s3, s8  }
0x162: {  	[tilespmem:s21], [sflag:$0x1] =	stream.linear.gather [hbm4b:s8+s2], $0x80, $0x38;
	[tilespmem:$0x3C80] =	vst v63  }
0x163: {  	s24 =	sld [smem:$0x7B5];
	s23 =	sadd.s32 $0x80, s8  }
0x164: {  	[tilespmem:s22], [sflag:$0x1] =	stream.linear.gather [hbm4b:s23+s2], $0x80, $0x38;
	[tilespmem:$0x3C80] =	vst v63  }
0x165: {  	s8 =	sadd.s32 $0x100, s8  }
0x166: {  	[tilespmem:s24], [sflag:$0x1] =	stream.linear.gather [hbm4b:s8+s2], $0x80, $0x38;
	[tilespmem:$0x3C80] =	vst v63  }
0x167: {  	v40 =	vld [tilespmem:$0x10];
	_ =	sdelay $0x4  }
0x168: {  	(v2sf) =	vpush v40, $0x0;
	_ =	sdelay $0xe  }
0x169: {  	s25 =	spop (v2sf)  }
0x16a: {  	s26 =	sshrl.u32 s25, $0x3  }
0x16b: {  	s8 =	sshll.u32 s25, $0x7;
	s9 =	smul.u32 $0xC00, s26  }
0x16c: {  	s8 =	sand.u32 $0x380, s8  }
0x16d: {  	s28 =	sld [smem:$0x7B6];
	s8 =	sor.u32 s8, s9  }
0x16e: {  	s8 =	sshrl.u32 s8, $0x3  }
0x16f: {  	s29 =	sld [smem:$0x7B7];
	s8 =	sadd.s32 s3, s8  }
0x170: {  	[tilespmem:s28], [sflag:$0x1] =	stream.linear.gather [hbm4b:s8+s2], $0x80, $0x38;
	[tilespmem:$0x3C80] =	vst v63  }
0x171: {  	s31 =	sld [smem:$0x7B8];
	s30 =	sadd.s32 $0x80, s8  }
0x172: {  	[tilespmem:s29], [sflag:$0x1] =	stream.linear.gather [hbm4b:s30+s2], $0x80, $0x38;
	[tilespmem:$0x3C80] =	vst v63  }
0x173: {  	s8 =	sadd.s32 $0x100, s8  }
0x174: {  	[tilespmem:s31], [sflag:$0x1] =	stream.linear.gather [hbm4b:s8+s2], $0x80, $0x38;
	[tilespmem:$0x3C80] =	vst v63  }
0x175: {  	v41 =	vld [tilespmem:$0x10];
	_ =	sdelay $0x4  }
0x176: {  	(v2sf) =	vpush v41, $0x1;
	_ =	sdelay $0xe  }
0x177: {  	s12 =	spop (v2sf)  }
0x178: {  	s13 =	sshrl.u32 s12, $0x3  }
0x179: {  	s8 =	sshll.u32 s12, $0x7;
	s9 =	smul.u32 $0xC00, s13  }
0x17a: {  	s8 =	sand.u32 $0x380, s8  }
0x17b: {  	s14 =	sld [smem:$0x7B9];
	s8 =	sor.u32 s8, s9  }
0x17c: {  	s8 =	sshrl.u32 s8, $0x3  }
0x17d: {  	s15 =	sld [smem:$0x7BA];
	s8 =	sadd.s32 s3, s8  }
0x17e: {  	[tilespmem:s14], [sflag:$0x1] =	stream.linear.gather [hbm4b:s8+s2], $0x80, $0x38;
	[tilespmem:$0x3C80] =	vst v63  }
0x17f: {  	s17 =	sld [smem:$0x7BB];
	s16 =	sadd.s32 $0x80, s8  }
0x180: {  	[tilespmem:s15], [sflag:$0x1] =	stream.linear.gather [hbm4b:s16+s2], $0x80, $0x38;
	[tilespmem:$0x3C80] =	vst v63  }
0x181: {  	s8 =	sadd.s32 $0x100, s8  }
0x182: {  	[tilespmem:s17], [sflag:$0x1] =	stream.linear.gather [hbm4b:s8+s2], $0x80, $0x38;
	[tilespmem:$0x3C80] =	vst v63  }
0x183: {  	v42 =	vld [tilespmem:$0x10];
	_ =	sdelay $0x4  }
0x184: {  	(v2sf) =	vpush v42, $0x2;
	_ =	sdelay $0xe  }
0x185: {  	s18 =	spop (v2sf)  }
0x186: {  	s19 =	sshrl.u32 s18, $0x3  }
0x187: {  	s8 =	sshll.u32 s18, $0x7;
	s9 =	smul.u32 $0xC00, s19  }
0x188: {  	s8 =	sand.u32 $0x380, s8  }
0x189: {  	s20 =	sld [smem:$0x7BC];
	s8 =	sor.u32 s8, s9  }
0x18a: {  	s8 =	sshrl.u32 s8, $0x3  }
0x18b: {  	s21 =	sld [smem:$0x7BD];
	s8 =	sadd.s32 s3, s8  }
0x18c: {  	[tilespmem:s20], [sflag:$0x1] =	stream.linear.gather [hbm4b:s8+s2], $0x80, $0x38;
	[tilespmem:$0x3C80] =	vst v63  }
0x18d: {  	s23 =	sld [smem:$0x7BE];
	s22 =	sadd.s32 $0x80, s8  }
0x18e: {  	[tilespmem:s21], [sflag:$0x1] =	stream.linear.gather [hbm4b:s22+s2], $0x80, $0x38;
	[tilespmem:$0x3C80] =	vst v63  }
0x18f: {  	s8 =	sadd.s32 $0x100, s8  }
0x190: {  	[tilespmem:s23], [sflag:$0x1] =	stream.linear.gather [hbm4b:s8+s2], $0x80, $0x38;
	[tilespmem:$0x3C80] =	vst v63  }
0x191: {  	v43 =	vld [tilespmem:$0x10];
	_ =	sdelay $0x4  }
0x192: {  	(v2sf) =	vpush v43, $0x3;
	_ =	sdelay $0xe  }
0x193: {  	s24 =	spop (v2sf)  }
0x194: {  	s25 =	sshrl.u32 s24, $0x3  }
0x195: {  	s8 =	sshll.u32 s24, $0x7;
	s9 =	smul.u32 $0xC00, s25  }
0x196: {  	s8 =	sand.u32 $0x380, s8  }
0x197: {  	s26 =	sld [smem:$0x7BF];
	s8 =	sor.u32 s8, s9  }
0x198: {  	s8 =	sshrl.u32 s8, $0x3  }
0x199: {  	s28 =	sld [smem:$0x7C0];
	s8 =	sadd.s32 s3, s8  }
0x19a: {  	[tilespmem:s26], [sflag:$0x1] =	stream.linear.gather [hbm4b:s8+s2], $0x80, $0x38;
	[tilespmem:$0x3C80] =	vst v63  }
0x19b: {  	s30 =	sld [smem:$0x7C1];
	s29 =	sadd.s32 $0x80, s8  }
0x19c: {  	[tilespmem:s28], [sflag:$0x1] =	stream.linear.gather [hbm4b:s29+s2], $0x80, $0x38;
	[tilespmem:$0x3C80] =	vst v63  }
0x19d: {  	s8 =	sadd.s32 $0x100, s8  }
0x19e: {  	[tilespmem:s30], [sflag:$0x1] =	stream.linear.gather [hbm4b:s8+s2], $0x80, $0x38;
	[tilespmem:$0x3C80] =	vst v63  }
0x19f: {  	_ =	swait.ge [sflag:s7], $0x180  }
0x1a0: {  	[sflag:s7] =	ssyncset.done $0x0  }
0x1a1: {  	[sflag:s7] =	ssyncadd.s32 $0xFFFFFE80  }
0x1a2: {  	_ =	swait.ge [sflag:s7], $0x180  }
0x1a3: {  	[sflag:s7] =	ssyncset.done $0x0  }
0x1a4: {  	[sflag:s7] =	ssyncadd.s32 $0xFFFFFE80  }
0x1a5: {  	_ =	swait.ge [sflag:s7], $0x180  }
0x1a6: {  	[sflag:s7] =	ssyncset.done $0x0  }
0x1a7: {  	[sflag:s7] =	ssyncadd.s32 $0xFFFFFE80  }
0x1a8: {  	_ =	swait.ge [sflag:s7], $0x180  }
0x1a9: {  	[sflag:s7] =	ssyncset.done $0x0  }
0x1aa: {  	[sflag:s7] =	ssyncadd.s32 $0xFFFFFE80  }
0x1ab: {  	_ =	swait.ge [sflag:s7], $0x180  }
0x1ac: {  	[sflag:s7] =	ssyncset.done $0x0  }
0x1ad: {  	[sflag:s7] =	ssyncadd.s32 $0xFFFFFE80  }
0x1ae: {  	_ =	swait.ge [sflag:s7], $0x180  }
0x1af: {  	[sflag:s7] =	ssyncset.done $0x0  }
0x1b0: {  	[sflag:s7] =	ssyncadd.s32 $0xFFFFFE80  }
0x1b1: {  	_ =	swait.ge [sflag:s7], $0x180  }
0x1b2: {  	[sflag:s7] =	ssyncset.done $0x0  }
0x1b3: {  	[sflag:s7] =	ssyncadd.s32 $0xFFFFFE80  }
0x1b4: {  	_ =	swait.ge [sflag:s7], $0x180  }
0x1b5: {  	[sflag:s7] =	ssyncset.done $0x0  }
0x1b6: {  	[sflag:s7] =	ssyncadd.s32 $0xFFFFFE80  }
0x1b7: {  	_ =	swait.ge [sflag:s7], $0x180  }
0x1b8: {  	[sflag:s7] =	ssyncset.done $0x0  }
0x1b9: {  	[sflag:s7] =	ssyncadd.s32 $0xFFFFFE80  }
0x1ba: {  	_ =	swait.ge [sflag:s7], $0x180  }
0x1bb: {  	[sflag:s7] =	ssyncset.done $0x0  }
0x1bc: {  	[sflag:s7] =	ssyncadd.s32 $0xFFFFFE80  }
0x1bd: {  	_ =	swait.ge [sflag:s7], $0x180  }
0x1be: {  	[sflag:s7] =	ssyncset.done $0x0  }
0x1bf: {  	[sflag:s7] =	ssyncadd.s32 $0xFFFFFE80  }
0x1c0: {  	_ =	swait.ge [sflag:s7], $0x180  }
0x1c1: {  	[sflag:s7] =	ssyncset.done $0x0  }
0x1c2: {  	[sflag:s7] =	ssyncadd.s32 $0xFFFFFE80  }
0x1c3: {  	_ =	swait.ge [sflag:s7], $0x180  }
0x1c4: {  	[sflag:s7] =	ssyncset.done $0x0  }
0x1c5: {  	[sflag:s7] =	ssyncadd.s32 $0xFFFFFE80  }
0x1c6: {  	_ =	swait.ge [sflag:s7], $0x180  }
0x1c7: {  	[sflag:s7] =	ssyncset.done $0x0  }
0x1c8: {  	[sflag:s7] =	ssyncadd.s32 $0xFFFFFE80  }
0x1c9: {  	_ =	swait.ge [sflag:s7], $0x180  }
0x1ca: {  	[sflag:s7] =	ssyncset.done $0x0  }
0x1cb: {  	[sflag:s7] =	ssyncadd.s32 $0xFFFFFE80  }
0x1cc: {  	_ =	swait.ge [sflag:s7], $0x180  }
0x1cd: {  	[sflag:s7] =	ssyncset.done $0x0  }
0x1ce: {  	[sflag:s7] =	ssyncadd.s32 $0xFFFFFE80  }
0x1cf: {  	_ =	swait.ge [sflag:s7], $0x180  }
0x1d0: {  	[sflag:s7] =	ssyncset.done $0x0  }
0x1d1: {  	[sflag:s7] =	ssyncadd.s32 $0xFFFFFE80  }
0x1d2: {  	_ =	swait.ge [sflag:s7], $0x180  }
0x1d3: {  	[sflag:s7] =	ssyncset.done $0x0  }
0x1d4: {  	[sflag:s7] =	ssyncadd.s32 $0xFFFFFE80  }
0x1d5: {  	_ =	swait.ge [sflag:s7], $0x180  }
0x1d6: {  	[sflag:s7] =	ssyncset.done $0x0  }
0x1d7: {  	[sflag:s7] =	ssyncadd.s32 $0xFFFFFE80  }
0x1d8: {  	_ =	swait.ge [sflag:s7], $0x180  }
0x1d9: {  	[sflag:s7] =	ssyncset.done $0x0  }
0x1da: {  	[sflag:s7] =	ssyncadd.s32 $0xFFFFFE80  }
0x1db: {  	v44 =	vld [tilespmem:$0x10];
	_ =	sdelay $0x4  }
0x1dc: {  	(v2sf) =	vpush v44, $0x4;
	_ =	sdelay $0xe  }
0x1dd: {  	s31 =	spop (v2sf)  }
0x1de: {  	s10 =	sshrl.u32 s31, $0x3  }
0x1df: {  	s8 =	sshll.u32 s31, $0x7;
	s9 =	smul.u32 $0xC00, s10  }
0x1e0: {  	s8 =	sand.u32 $0x380, s8  }
0x1e1: {  	s11 =	sld [smem:$0x7C2];
	s8 =	sor.u32 s8, s9  }
0x1e2: {  	s8 =	sshrl.u32 s8, $0x3  }
0x1e3: {  	s12 =	sld [smem:$0x7C3];
	s8 =	sadd.s32 s3, s8  }
0x1e4: {  	[tilespmem:s11], [sflag:$0x1] =	stream.linear.gather [hbm4b:s8+s2], $0x80, $0x38;
	[tilespmem:$0x3C80] =	vst v63  }
0x1e5: {  	s14 =	sld [smem:$0x7C4];
	s13 =	sadd.s32 $0x80, s8  }
0x1e6: {  	[tilespmem:s12], [sflag:$0x1] =	stream.linear.gather [hbm4b:s13+s2], $0x80, $0x38;
	[tilespmem:$0x3C80] =	vst v63  }
0x1e7: {  	s8 =	sadd.s32 $0x100, s8  }
0x1e8: {  	[tilespmem:s14], [sflag:$0x1] =	stream.linear.gather [hbm4b:s8+s2], $0x80, $0x38;
	[tilespmem:$0x3C80] =	vst v63  }
0x1e9: {  	v45 =	vld [tilespmem:$0x10];
	_ =	sdelay $0x4  }
0x1ea: {  	(v2sf) =	vpush v45, $0x5;
	_ =	sdelay $0xe  }
0x1eb: {  	s15 =	spop (v2sf)  }
0x1ec: {  	s16 =	sshrl.u32 s15, $0x3  }
0x1ed: {  	s8 =	sshll.u32 s15, $0x7;
	s9 =	smul.u32 $0xC00, s16  }
0x1ee: {  	s8 =	sand.u32 $0x380, s8  }
0x1ef: {  	s17 =	sld [smem:$0x7C5];
	s8 =	sor.u32 s8, s9  }
0x1f0: {  	s8 =	sshrl.u32 s8, $0x3  }
0x1f1: {  	s18 =	sld [smem:$0x7C6];
	s8 =	sadd.s32 s3, s8  }
0x1f2: {  	[tilespmem:s17], [sflag:$0x1] =	stream.linear.gather [hbm4b:s8+s2], $0x80, $0x38;
	[tilespmem:$0x3C80] =	vst v63  }
0x1f3: {  	s20 =	sld [smem:$0x7C7];
	s19 =	sadd.s32 $0x80, s8  }
0x1f4: {  	[tilespmem:s18], [sflag:$0x1] =	stream.linear.gather [hbm4b:s19+s2], $0x80, $0x38;
	[tilespmem:$0x3C80] =	vst v63  }
0x1f5: {  	s8 =	sadd.s32 $0x100, s8  }
0x1f6: {  	[tilespmem:s20], [sflag:$0x1] =	stream.linear.gather [hbm4b:s8+s2], $0x80, $0x38;
	[tilespmem:$0x3C80] =	vst v63  }
0x1f7: {  	v46 =	vld [tilespmem:$0x10];
	_ =	sdelay $0x4  }
0x1f8: {  	(v2sf) =	vpush v46, $0x6;
	_ =	sdelay $0xe  }
0x1f9: {  	s21 =	spop (v2sf)  }
0x1fa: {  	s22 =	sshrl.u32 s21, $0x3  }
0x1fb: {  	s8 =	sshll.u32 s21, $0x7;
	s9 =	smul.u32 $0xC00, s22  }
0x1fc: {  	s8 =	sand.u32 $0x380, s8  }
0x1fd: {  	s23 =	sld [smem:$0x7C8];
	s8 =	sor.u32 s8, s9  }
0x1fe: {  	s8 =	sshrl.u32 s8, $0x3  }
0x1ff: {  	s24 =	sld [smem:$0x7C9];
	s8 =	sadd.s32 s3, s8  }
0x200: {  	[tilespmem:s23], [sflag:$0x1] =	stream.linear.gather [hbm4b:s8+s2], $0x80, $0x38;
	[tilespmem:$0x3C80] =	vst v63  }
0x201: {  	s26 =	sld [smem:$0x7CA];
	s25 =	sadd.s32 $0x80, s8  }
0x202: {  	[tilespmem:s24], [sflag:$0x1] =	stream.linear.gather [hbm4b:s25+s2], $0x80, $0x38;
	[tilespmem:$0x3C80] =	vst v63  }
0x203: {  	s8 =	sadd.s32 $0x100, s8  }
0x204: {  	[tilespmem:s26], [sflag:$0x1] =	stream.linear.gather [hbm4b:s8+s2], $0x80, $0x38;
	[tilespmem:$0x3C80] =	vst v63  }
0x205: {  	v47 =	vld [tilespmem:$0x10];
	_ =	sdelay $0x4  }
0x206: {  	(v2sf) =	vpush v47, $0x7;
	_ =	sdelay $0xe  }
0x207: {  	s28 =	spop (v2sf)  }
0x208: {  	s29 =	sshrl.u32 s28, $0x3  }
0x209: {  	s8 =	sshll.u32 s28, $0x7;
	s9 =	smul.u32 $0xC00, s29  }
0x20a: {  	s8 =	sand.u32 $0x380, s8  }
0x20b: {  	s30 =	sld [smem:$0x7CB];
	s8 =	sor.u32 s8, s9  }
0x20c: {  	s8 =	sshrl.u32 s8, $0x3  }
0x20d: {  	s31 =	sld [smem:$0x7CC];
	s8 =	sadd.s32 s3, s8  }
0x20e: {  	[tilespmem:s30], [sflag:$0x1] =	stream.linear.gather [hbm4b:s8+s2], $0x80, $0x38;
	[tilespmem:$0x3C80] =	vst v63  }
0x20f: {  	s12 =	sld [smem:$0x7CD];
	s11 =	sadd.s32 $0x80, s8  }
0x210: {  	[tilespmem:s31], [sflag:$0x1] =	stream.linear.gather [hbm4b:s11+s2], $0x80, $0x38;
	[tilespmem:$0x3C80] =	vst v63  }
0x211: {  	s8 =	sadd.s32 $0x100, s8  }
0x212: {  	[tilespmem:s12], [sflag:$0x1] =	stream.linear.gather [hbm4b:s8+s2], $0x80, $0x38;
	[tilespmem:$0x3C80] =	vst v63  }
0x213: {  	v48 =	vld [tilespmem:$0x10];
	_ =	sdelay $0x4  }
0x214: {  	(v2sf) =	vpush v48, $0x8;
	_ =	sdelay $0xe  }
0x215: {  	s13 =	spop (v2sf)  }
0x216: {  	s14 =	sshrl.u32 s13, $0x3  }
0x217: {  	s8 =	sshll.u32 s13, $0x7;
	s9 =	smul.u32 $0xC00, s14  }
0x218: {  	s8 =	sand.u32 $0x380, s8  }
0x219: {  	s15 =	sld [smem:$0x7CE];
	s8 =	sor.u32 s8, s9  }
0x21a: {  	s8 =	sshrl.u32 s8, $0x3  }
0x21b: {  	s16 =	sld [smem:$0x7CF];
	s8 =	sadd.s32 s3, s8  }
0x21c: {  	[tilespmem:s15], [sflag:$0x1] =	stream.linear.gather [hbm4b:s8+s2], $0x80, $0x38;
	[tilespmem:$0x3C80] =	vst v63  }
0x21d: {  	s18 =	sld [smem:$0x7D0];
	s17 =	sadd.s32 $0x80, s8  }
0x21e: {  	[tilespmem:s16], [sflag:$0x1] =	stream.linear.gather [hbm4b:s17+s2], $0x80, $0x38;
	[tilespmem:$0x3C80] =	vst v63  }
0x21f: {  	s8 =	sadd.s32 $0x100, s8  }
0x220: {  	[tilespmem:s18], [sflag:$0x1] =	stream.linear.gather [hbm4b:s8+s2], $0x80, $0x38;
	[tilespmem:$0x3C80] =	vst v63  }
0x221: {  	v49 =	vld [tilespmem:$0x10];
	_ =	sdelay $0x4  }
0x222: {  	(v2sf) =	vpush v49, $0x9;
	_ =	sdelay $0xe  }
0x223: {  	s19 =	spop (v2sf)  }
0x224: {  	s20 =	sshrl.u32 s19, $0x3  }
0x225: {  	s8 =	sshll.u32 s19, $0x7;
	s9 =	smul.u32 $0xC00, s20  }
0x226: {  	s8 =	sand.u32 $0x380, s8  }
0x227: {  	s21 =	sld [smem:$0x7D1];
	s8 =	sor.u32 s8, s9  }
0x228: {  	s8 =	sshrl.u32 s8, $0x3  }
0x229: {  	s22 =	sld [smem:$0x7D2];
	s8 =	sadd.s32 s3, s8  }
0x22a: {  	[tilespmem:s21], [sflag:$0x1] =	stream.linear.gather [hbm4b:s8+s2], $0x80, $0x38;
	[tilespmem:$0x3C80] =	vst v63  }
0x22b: {  	s24 =	sld [smem:$0x7D3];
	s23 =	sadd.s32 $0x80, s8  }
0x22c: {  	[tilespmem:s22], [sflag:$0x1] =	stream.linear.gather [hbm4b:s23+s2], $0x80, $0x38;
	[tilespmem:$0x3C80] =	vst v63  }
0x22d: {  	s8 =	sadd.s32 $0x100, s8  }
0x22e: {  	[tilespmem:s24], [sflag:$0x1] =	stream.linear.gather [hbm4b:s8+s2], $0x80, $0x38;
	[tilespmem:$0x3C80] =	vst v63  }
0x22f: {  	v50 =	vld [tilespmem:$0x10];
	_ =	sdelay $0x4  }
0x230: {  	(v2sf) =	vpush v50, $0xA;
	_ =	sdelay $0xe  }
0x231: {  	s25 =	spop (v2sf)  }
0x232: {  	s26 =	sshrl.u32 s25, $0x3  }
0x233: {  	s8 =	sshll.u32 s25, $0x7;
	s9 =	smul.u32 $0xC00, s26  }
0x234: {  	s8 =	sand.u32 $0x380, s8  }
0x235: {  	s28 =	sld [smem:$0x7D4];
	s8 =	sor.u32 s8, s9  }
0x236: {  	s8 =	sshrl.u32 s8, $0x3  }
0x237: {  	s29 =	sld [smem:$0x7D5];
	s8 =	sadd.s32 s3, s8  }
0x238: {  	[tilespmem:s28], [sflag:$0x1] =	stream.linear.gather [hbm4b:s8+s2], $0x80, $0x38;
	[tilespmem:$0x3C80] =	vst v63  }
0x239: {  	s31 =	sld [smem:$0x7D6];
	s30 =	sadd.s32 $0x80, s8  }
0x23a: {  	[tilespmem:s29], [sflag:$0x1] =	stream.linear.gather [hbm4b:s30+s2], $0x80, $0x38;
	[tilespmem:$0x3C80] =	vst v63  }
0x23b: {  	s8 =	sadd.s32 $0x100, s8  }
0x23c: {  	[tilespmem:s31], [sflag:$0x1] =	stream.linear.gather [hbm4b:s8+s2], $0x80, $0x38;
	[tilespmem:$0x3C80] =	vst v63  }
0x23d: {  	v51 =	vld [tilespmem:$0x10];
	_ =	sdelay $0x4  }
0x23e: {  	(v2sf) =	vpush v51, $0xB;
	_ =	sdelay $0xe  }
0x23f: {  	s12 =	spop (v2sf)  }
0x240: {  	s13 =	sshrl.u32 s12, $0x3  }
0x241: {  	s8 =	sshll.u32 s12, $0x7;
	s9 =	smul.u32 $0xC00, s13  }
0x242: {  	s8 =	sand.u32 $0x380, s8  }
0x243: {  	s14 =	sld [smem:$0x7D7];
	s8 =	sor.u32 s8, s9  }
0x244: {  	s8 =	sshrl.u32 s8, $0x3  }
0x245: {  	s15 =	sld [smem:$0x7D8];
	s8 =	sadd.s32 s3, s8  }
0x246: {  	[tilespmem:s14], [sflag:$0x1] =	stream.linear.gather [hbm4b:s8+s2], $0x80, $0x38;
	[tilespmem:$0x3C80] =	vst v63  }
0x247: {  	s17 =	sld [smem:$0x7D9];
	s16 =	sadd.s32 $0x80, s8  }
0x248: {  	[tilespmem:s15], [sflag:$0x1] =	stream.linear.gather [hbm4b:s16+s2], $0x80, $0x38;
	[tilespmem:$0x3C80] =	vst v63  }
0x249: {  	s8 =	sadd.s32 $0x100, s8  }
0x24a: {  	[tilespmem:s17], [sflag:$0x1] =	stream.linear.gather [hbm4b:s8+s2], $0x80, $0x38;
	[tilespmem:$0x3C80] =	vst v63  }
0x24b: {  	v52 =	vld [tilespmem:$0x10];
	_ =	sdelay $0x4  }
0x24c: {  	(v2sf) =	vpush v52, $0xC;
	_ =	sdelay $0xe  }
0x24d: {  	s18 =	spop (v2sf)  }
0x24e: {  	s19 =	sshrl.u32 s18, $0x3  }
0x24f: {  	s8 =	sshll.u32 s18, $0x7;
	s9 =	smul.u32 $0xC00, s19  }
0x250: {  	s8 =	sand.u32 $0x380, s8  }
0x251: {  	s20 =	sld [smem:$0x7DA];
	s8 =	sor.u32 s8, s9  }
0x252: {  	s8 =	sshrl.u32 s8, $0x3  }
0x253: {  	s21 =	sld [smem:$0x7DB];
	s8 =	sadd.s32 s3, s8  }
0x254: {  	[tilespmem:s20], [sflag:$0x1] =	stream.linear.gather [hbm4b:s8+s2], $0x80, $0x38;
	[tilespmem:$0x3C80] =	vst v63  }
0x255: {  	s23 =	sld [smem:$0x7DC];
	s22 =	sadd.s32 $0x80, s8  }
0x256: {  	[tilespmem:s21], [sflag:$0x1] =	stream.linear.gather [hbm4b:s22+s2], $0x80, $0x38;
	[tilespmem:$0x3C80] =	vst v63  }
0x257: {  	s8 =	sadd.s32 $0x100, s8  }
0x258: {  	[tilespmem:s23], [sflag:$0x1] =	stream.linear.gather [hbm4b:s8+s2], $0x80, $0x38;
	[tilespmem:$0x3C80] =	vst v63  }
0x259: {  	v53 =	vld [tilespmem:$0x10];
	_ =	sdelay $0x4  }
0x25a: {  	(v2sf) =	vpush v53, $0xD;
	_ =	sdelay $0xe  }
0x25b: {  	s24 =	spop (v2sf)  }
0x25c: {  	s25 =	sshrl.u32 s24, $0x3  }
0x25d: {  	s8 =	sshll.u32 s24, $0x7;
	s9 =	smul.u32 $0xC00, s25  }
0x25e: {  	s8 =	sand.u32 $0x380, s8  }
0x25f: {  	s26 =	sld [smem:$0x7DD];
	s8 =	sor.u32 s8, s9  }
0x260: {  	s8 =	sshrl.u32 s8, $0x3  }
0x261: {  	s28 =	sld [smem:$0x7DE];
	s8 =	sadd.s32 s3, s8  }
0x262: {  	[tilespmem:s26], [sflag:$0x1] =	stream.linear.gather [hbm4b:s8+s2], $0x80, $0x38;
	[tilespmem:$0x3C80] =	vst v63  }
0x263: {  	s30 =	sld [smem:$0x7DF];
	s29 =	sadd.s32 $0x80, s8  }
0x264: {  	[tilespmem:s28], [sflag:$0x1] =	stream.linear.gather [hbm4b:s29+s2], $0x80, $0x38;
	[tilespmem:$0x3C80] =	vst v63  }
0x265: {  	s8 =	sadd.s32 $0x100, s8  }
0x266: {  	[tilespmem:s30], [sflag:$0x1] =	stream.linear.gather [hbm4b:s8+s2], $0x80, $0x38;
	[tilespmem:$0x3C80] =	vst v63  }
0x267: {  	v54 =	vld [tilespmem:$0x10];
	_ =	sdelay $0x4  }
0x268: {  	(v2sf) =	vpush v54, $0xE;
	_ =	sdelay $0xe  }
0x269: {  	s31 =	spop (v2sf)  }
0x26a: {  	s10 =	sshrl.u32 s31, $0x3  }
0x26b: {  	s8 =	sshll.u32 s31, $0x7;
	s9 =	smul.u32 $0xC00, s10  }
0x26c: {  	s8 =	sand.u32 $0x380, s8  }
0x26d: {  	s11 =	sld [smem:$0x7E0];
	s8 =	sor.u32 s8, s9  }
0x26e: {  	s8 =	sshrl.u32 s8, $0x3  }
0x26f: {  	s12 =	sld [smem:$0x7E1];
	s8 =	sadd.s32 s3, s8  }
0x270: {  	[tilespmem:s11], [sflag:$0x1] =	stream.linear.gather [hbm4b:s8+s2], $0x80, $0x38;
	[tilespmem:$0x3C80] =	vst v63  }
0x271: {  	s14 =	sld [smem:$0x7E2];
	s13 =	sadd.s32 $0x80, s8  }
0x272: {  	[tilespmem:s12], [sflag:$0x1] =	stream.linear.gather [hbm4b:s13+s2], $0x80, $0x38;
	[tilespmem:$0x3C80] =	vst v63  }
0x273: {  	s8 =	sadd.s32 $0x100, s8  }
0x274: {  	[tilespmem:s14], [sflag:$0x1] =	stream.linear.gather [hbm4b:s8+s2], $0x80, $0x38;
	[tilespmem:$0x3C80] =	vst v63  }
0x275: {  	v55 =	vld [tilespmem:$0x10];
	_ =	sdelay $0x4  }
0x276: {  	(v2sf) =	vpush v55, $0xF;
	_ =	sdelay $0xe  }
0x277: {  	s15 =	spop (v2sf)  }
0x278: {  	s16 =	sshrl.u32 s15, $0x3  }
0x279: {  	s8 =	sshll.u32 s15, $0x7;
	s9 =	smul.u32 $0xC00, s16  }
0x27a: {  	s8 =	sand.u32 $0x380, s8  }
0x27b: {  	s17 =	sld [smem:$0x7E3];
	s8 =	sor.u32 s8, s9  }
0x27c: {  	s8 =	sshrl.u32 s8, $0x3  }
0x27d: {  	s18 =	sld [smem:$0x7E4];
	s8 =	sadd.s32 s3, s8  }
0x27e: {  	[tilespmem:s17], [sflag:$0x1] =	stream.linear.gather [hbm4b:s8+s2], $0x80, $0x38;
	[tilespmem:$0x3C80] =	vst v63  }
0x27f: {  	s20 =	sld [smem:$0x7E5];
	s19 =	sadd.s32 $0x80, s8  }
0x280: {  	[tilespmem:s18], [sflag:$0x1] =	stream.linear.gather [hbm4b:s19+s2], $0x80, $0x38;
	[tilespmem:$0x3C80] =	vst v63  }
0x281: {  	s8 =	sadd.s32 $0x100, s8  }
0x282: {  	[tilespmem:s20], [sflag:$0x1] =	stream.linear.gather [hbm4b:s8+s2], $0x80, $0x38;
	[tilespmem:$0x3C80] =	vst v63  }
0x283: {  	v56 =	vld [tilespmem:$0x20];
	_ =	sdelay $0x4  }
0x284: {  	(v2sf) =	vpush v56, $0x0;
	_ =	sdelay $0xe  }
0x285: {  	s21 =	spop (v2sf)  }
0x286: {  	s22 =	sshrl.u32 s21, $0x3  }
0x287: {  	s8 =	sshll.u32 s21, $0x7;
	s9 =	smul.u32 $0xC00, s22  }
0x288: {  	s8 =	sand.u32 $0x380, s8  }
0x289: {  	s23 =	sld [smem:$0x7E6];
	s8 =	sor.u32 s8, s9  }
0x28a: {  	s8 =	sshrl.u32 s8, $0x3  }
0x28b: {  	s24 =	sld [smem:$0x7E7];
	s8 =	sadd.s32 s3, s8  }
0x28c: {  	[tilespmem:s23], [sflag:$0x1] =	stream.linear.gather [hbm4b:s8+s2], $0x80, $0x38;
	[tilespmem:$0x3C80] =	vst v63  }
0x28d: {  	s26 =	sld [smem:$0x7E8];
	s25 =	sadd.s32 $0x80, s8  }
0x28e: {  	[tilespmem:s24], [sflag:$0x1] =	stream.linear.gather [hbm4b:s25+s2], $0x80, $0x38;
	[tilespmem:$0x3C80] =	vst v63  }
0x28f: {  	s8 =	sadd.s32 $0x100, s8  }
0x290: {  	[tilespmem:s26], [sflag:$0x1] =	stream.linear.gather [hbm4b:s8+s2], $0x80, $0x38;
	[tilespmem:$0x3C80] =	vst v63  }
0x291: {  	v57 =	vld [tilespmem:$0x20];
	_ =	sdelay $0x4  }
0x292: {  	(v2sf) =	vpush v57, $0x1;
	_ =	sdelay $0xe  }
0x293: {  	s28 =	spop (v2sf)  }
0x294: {  	s29 =	sshrl.u32 s28, $0x3  }
0x295: {  	s8 =	sshll.u32 s28, $0x7;
	s9 =	smul.u32 $0xC00, s29  }
0x296: {  	s8 =	sand.u32 $0x380, s8  }
0x297: {  	s30 =	sld [smem:$0x7E9];
	s8 =	sor.u32 s8, s9  }
0x298: {  	s8 =	sshrl.u32 s8, $0x3  }
0x299: {  	s31 =	sld [smem:$0x7EA];
	s8 =	sadd.s32 s3, s8  }
0x29a: {  	[tilespmem:s30], [sflag:$0x1] =	stream.linear.gather [hbm4b:s8+s2], $0x80, $0x38;
	[tilespmem:$0x3C80] =	vst v63  }
0x29b: {  	s12 =	sld [smem:$0x7EB];
	s11 =	sadd.s32 $0x80, s8  }
0x29c: {  	[tilespmem:s31], [sflag:$0x1] =	stream.linear.gather [hbm4b:s11+s2], $0x80, $0x38;
	[tilespmem:$0x3C80] =	vst v63  }
0x29d: {  	s8 =	sadd.s32 $0x100, s8  }
0x29e: {  	[tilespmem:s12], [sflag:$0x1] =	stream.linear.gather [hbm4b:s8+s2], $0x80, $0x38;
	[tilespmem:$0x3C80] =	vst v63  }
0x29f: {  	v58 =	vld [tilespmem:$0x20];
	_ =	sdelay $0x4  }
0x2a0: {  	(v2sf) =	vpush v58, $0x2;
	_ =	sdelay $0xe  }
0x2a1: {  	s13 =	spop (v2sf)  }
0x2a2: {  	s14 =	sshrl.u32 s13, $0x3  }
0x2a3: {  	s8 =	sshll.u32 s13, $0x7;
	s9 =	smul.u32 $0xC00, s14  }
0x2a4: {  	s8 =	sand.u32 $0x380, s8  }
0x2a5: {  	s15 =	sld [smem:$0x7EC];
	s8 =	sor.u32 s8, s9  }
0x2a6: {  	s8 =	sshrl.u32 s8, $0x3  }
0x2a7: {  	s16 =	sld [smem:$0x7ED];
	s8 =	sadd.s32 s3, s8  }
0x2a8: {  	[tilespmem:s15], [sflag:$0x1] =	stream.linear.gather [hbm4b:s8+s2], $0x80, $0x38;
	[tilespmem:$0x3C80] =	vst v63  }
0x2a9: {  	s18 =	sld [smem:$0x7EE];
	s17 =	sadd.s32 $0x80, s8  }
0x2aa: {  	[tilespmem:s16], [sflag:$0x1] =	stream.linear.gather [hbm4b:s17+s2], $0x80, $0x38;
	[tilespmem:$0x3C80] =	vst v63  }
0x2ab: {  	s8 =	sadd.s32 $0x100, s8  }
0x2ac: {  	[tilespmem:s18], [sflag:$0x1] =	stream.linear.gather [hbm4b:s8+s2], $0x80, $0x38;
	[tilespmem:$0x3C80] =	vst v63  }
0x2ad: {  	v59 =	vld [tilespmem:$0x20];
	_ =	sdelay $0x4  }
0x2ae: {  	(v2sf) =	vpush v59, $0x3;
	_ =	sdelay $0xe  }
0x2af: {  	s19 =	spop (v2sf)  }
0x2b0: {  	s20 =	sshrl.u32 s19, $0x3  }
0x2b1: {  	s8 =	sshll.u32 s19, $0x7;
	s9 =	smul.u32 $0xC00, s20  }
0x2b2: {  	s8 =	sand.u32 $0x380, s8  }
0x2b3: {  	s21 =	sld [smem:$0x7EF];
	s8 =	sor.u32 s8, s9  }
0x2b4: {  	s8 =	sshrl.u32 s8, $0x3  }
0x2b5: {  	s22 =	sld [smem:$0x7F0];
	s8 =	sadd.s32 s3, s8  }
0x2b6: {  	[tilespmem:s21], [sflag:$0x1] =	stream.linear.gather [hbm4b:s8+s2], $0x80, $0x38;
	[tilespmem:$0x3C80] =	vst v63  }
0x2b7: {  	s24 =	sld [smem:$0x7F1];
	s23 =	sadd.s32 $0x80, s8  }
0x2b8: {  	[tilespmem:s22], [sflag:$0x1] =	stream.linear.gather [hbm4b:s23+s2], $0x80, $0x38;
	[tilespmem:$0x3C80] =	vst v63  }
0x2b9: {  	s8 =	sadd.s32 $0x100, s8  }
0x2ba: {  	[tilespmem:s24], [sflag:$0x1] =	stream.linear.gather [hbm4b:s8+s2], $0x80, $0x38;
	[tilespmem:$0x3C80] =	vst v63  }
0x2bb: {  	v60 =	vld [tilespmem:$0x20];
	_ =	sdelay $0x4  }
0x2bc: {  	(v2sf) =	vpush v60, $0x4;
	_ =	sdelay $0xe  }
0x2bd: {  	s25 =	spop (v2sf)  }
0x2be: {  	s26 =	sshrl.u32 s25, $0x3  }
0x2bf: {  	s8 =	sshll.u32 s25, $0x7;
	s9 =	smul.u32 $0xC00, s26  }
0x2c0: {  	s8 =	sand.u32 $0x380, s8  }
0x2c1: {  	s28 =	sld [smem:$0x7F2];
	s8 =	sor.u32 s8, s9  }
0x2c2: {  	s8 =	sshrl.u32 s8, $0x3  }
0x2c3: {  	s29 =	sld [smem:$0x7F3];
	s8 =	sadd.s32 s3, s8  }
0x2c4: {  	[tilespmem:s28], [sflag:$0x1] =	stream.linear.gather [hbm4b:s8+s2], $0x80, $0x38;
	[tilespmem:$0x3C80] =	vst v63  }
0x2c5: {  	s31 =	sld [smem:$0x7F4];
	s30 =	sadd.s32 $0x80, s8  }
0x2c6: {  	[tilespmem:s29], [sflag:$0x1] =	stream.linear.gather [hbm4b:s30+s2], $0x80, $0x38;
	[tilespmem:$0x3C80] =	vst v63  }
0x2c7: {  	s8 =	sadd.s32 $0x100, s8  }
0x2c8: {  	[tilespmem:s31], [sflag:$0x1] =	stream.linear.gather [hbm4b:s8+s2], $0x80, $0x38;
	[tilespmem:$0x3C80] =	vst v63  }
0x2c9: {  	v61 =	vld [tilespmem:$0x20];
	_ =	sdelay $0x4  }
0x2ca: {  	(v2sf) =	vpush v61, $0x5;
	_ =	sdelay $0xe  }
0x2cb: {  	s12 =	spop (v2sf)  }
0x2cc: {  	s13 =	sshrl.u32 s12, $0x3  }
0x2cd: {  	s8 =	sshll.u32 s12, $0x7;
	s9 =	smul.u32 $0xC00, s13  }
0x2ce: {  	s8 =	sand.u32 $0x380, s8  }
0x2cf: {  	s14 =	sld [smem:$0x7F5];
	s8 =	sor.u32 s8, s9  }
0x2d0: {  	s8 =	sshrl.u32 s8, $0x3  }
0x2d1: {  	s15 =	sld [smem:$0x7F6];
	s8 =	sadd.s32 s3, s8  }
0x2d2: {  	[tilespmem:s14], [sflag:$0x1] =	stream.linear.gather [hbm4b:s8+s2], $0x80, $0x38;
	[tilespmem:$0x3C80] =	vst v63  }
0x2d3: {  	s17 =	sld [smem:$0x7F7];
	s16 =	sadd.s32 $0x80, s8  }
0x2d4: {  	[tilespmem:s15], [sflag:$0x1] =	stream.linear.gather [hbm4b:s16+s2], $0x80, $0x38;
	[tilespmem:$0x3C80] =	vst v63  }
0x2d5: {  	s8 =	sadd.s32 $0x100, s8  }
0x2d6: {  	[tilespmem:s17], [sflag:$0x1] =	stream.linear.gather [hbm4b:s8+s2], $0x80, $0x38;
	[tilespmem:$0x3C80] =	vst v63  }
0x2d7: {  	v62 =	vld [tilespmem:$0x20];
	_ =	sdelay $0x4  }
0x2d8: {  	(v2sf) =	vpush v62, $0x6;
	_ =	sdelay $0xe  }
0x2d9: {  	s18 =	spop (v2sf)  }
0x2da: {  	s19 =	sshrl.u32 s18, $0x3  }
0x2db: {  	s8 =	sshll.u32 s18, $0x7;
	s9 =	smul.u32 $0xC00, s19  }
0x2dc: {  	s8 =	sand.u32 $0x380, s8  }
0x2dd: {  	s20 =	sld [smem:$0x7F8];
	s8 =	sor.u32 s8, s9  }
0x2de: {  	s8 =	sshrl.u32 s8, $0x3  }
0x2df: {  	s21 =	sld [smem:$0x7F9];
	s8 =	sadd.s32 s3, s8  }
0x2e0: {  	[tilespmem:s20], [sflag:$0x1] =	stream.linear.gather [hbm4b:s8+s2], $0x80, $0x38;
	[tilespmem:$0x3C80] =	vst v63  }
0x2e1: {  	s23 =	sld [smem:$0x7FA];
	s22 =	sadd.s32 $0x80, s8  }
0x2e2: {  	[tilespmem:s21], [sflag:$0x1] =	stream.linear.gather [hbm4b:s22+s2], $0x80, $0x38;
	[tilespmem:$0x3C80] =	vst v63  }
0x2e3: {  	s8 =	sadd.s32 $0x100, s8  }
0x2e4: {  	[tilespmem:s23], [sflag:$0x1] =	stream.linear.gather [hbm4b:s8+s2], $0x80, $0x38;
	[tilespmem:$0x3C80] =	vst v63  }
0x2e5: {  	v63 =	vld [tilespmem:$0x20];
	_ =	sdelay $0x4  }
0x2e6: {  	(v2sf) =	vpush v63, $0x7;
	_ =	sdelay $0xe  }
0x2e7: {  	s24 =	spop (v2sf)  }
0x2e8: {  	s25 =	sshrl.u32 s24, $0x3  }
0x2e9: {  	s8 =	sshll.u32 s24, $0x7;
	s9 =	smul.u32 $0xC00, s25  }
0x2ea: {  	s8 =	sand.u32 $0x380, s8  }
0x2eb: {  	s26 =	sld [smem:$0x7FB];
	s8 =	sor.u32 s8, s9  }
0x2ec: {  	s8 =	sshrl.u32 s8, $0x3  }
0x2ed: {  	s28 =	sld [smem:$0x7FC];
	s8 =	sadd.s32 s3, s8  }
0x2ee: {  	[tilespmem:s26], [sflag:$0x1] =	stream.linear.gather [hbm4b:s8+s2], $0x80, $0x38;
	[tilespmem:$0x3C80] =	vst v63  }
0x2ef: {  	s30 =	sld [smem:$0x7FD];
	s29 =	sadd.s32 $0x80, s8  }
0x2f0: {  	[tilespmem:s28], [sflag:$0x1] =	stream.linear.gather [hbm4b:s29+s2], $0x80, $0x38;
	[tilespmem:$0x3C80] =	vst v63  }
0x2f1: {  	s8 =	sadd.s32 $0x100, s8  }
0x2f2: {  	[tilespmem:s30], [sflag:$0x1] =	stream.linear.gather [hbm4b:s8+s2], $0x80, $0x38;
	[tilespmem:$0x3C80] =	vst v63  }
0x2f3: {  	_ =	swait.ge [sflag:s7], $0x180  }
0x2f4: {  	[sflag:s7] =	ssyncset.done $0x0  }
0x2f5: {  	[sflag:s7] =	ssyncadd.s32 $0xFFFFFE80  }
0x2f6: {  	_ =	swait.ge [sflag:s7], $0x180  }
0x2f7: {  	[sflag:s7] =	ssyncset.done $0x0  }
0x2f8: {  	[sflag:s7] =	ssyncadd.s32 $0xFFFFFE80  }
0x2f9: {  	_ =	swait.ge [sflag:s7], $0x180  }
0x2fa: {  	[sflag:s7] =	ssyncset.done $0x0  }
0x2fb: {  	[sflag:s7] =	ssyncadd.s32 $0xFFFFFE80  }
0x2fc: {  	_ =	swait.ge [sflag:s7], $0x180  }
0x2fd: {  	[sflag:s7] =	ssyncset.done $0x0  }
0x2fe: {  	[sflag:s7] =	ssyncadd.s32 $0xFFFFFE80  }
0x2ff: {  	_ =	swait.ge [sflag:s7], $0x180  }
0x300: {  	[sflag:s7] =	ssyncset.done $0x0  }
0x301: {  	[sflag:s7] =	ssyncadd.s32 $0xFFFFFE80  }
0x302: {  	_ =	swait.ge [sflag:s7], $0x180  }
0x303: {  	[sflag:s7] =	ssyncset.done $0x0  }
0x304: {  	[sflag:s7] =	ssyncadd.s32 $0xFFFFFE80  }
0x305: {  	_ =	swait.ge [sflag:s7], $0x180  }
0x306: {  	[sflag:s7] =	ssyncset.done $0x0  }
0x307: {  	[sflag:s7] =	ssyncadd.s32 $0xFFFFFE80  }
0x308: {  	_ =	swait.ge [sflag:s7], $0x180  }
0x309: {  	[sflag:s7] =	ssyncset.done $0x0  }
0x30a: {  	[sflag:s7] =	ssyncadd.s32 $0xFFFFFE80  }
0x30b: {  	_ =	swait.ge [sflag:s7], $0x180  }
0x30c: {  	[sflag:s7] =	ssyncset.done $0x0  }
0x30d: {  	[sflag:s7] =	ssyncadd.s32 $0xFFFFFE80  }
0x30e: {  	_ =	swait.ge [sflag:s7], $0x180  }
0x30f: {  	[sflag:s7] =	ssyncset.done $0x0  }
0x310: {  	[sflag:s7] =	ssyncadd.s32 $0xFFFFFE80  }
0x311: {  	_ =	swait.ge [sflag:s7], $0x180  }
0x312: {  	[sflag:s7] =	ssyncset.done $0x0  }
0x313: {  	[sflag:s7] =	ssyncadd.s32 $0xFFFFFE80  }
0x314: {  	_ =	swait.ge [sflag:s7], $0x180  }
0x315: {  	[sflag:s7] =	ssyncset.done $0x0  }
0x316: {  	[sflag:s7] =	ssyncadd.s32 $0xFFFFFE80  }
0x317: {  	_ =	swait.ge [sflag:s7], $0x180  }
0x318: {  	[sflag:s7] =	ssyncset.done $0x0  }
0x319: {  	[sflag:s7] =	ssyncadd.s32 $0xFFFFFE80  }
0x31a: {  	_ =	swait.ge [sflag:s7], $0x180  }
0x31b: {  	[sflag:s7] =	ssyncset.done $0x0  }
0x31c: {  	[sflag:s7] =	ssyncadd.s32 $0xFFFFFE80  }
0x31d: {  	_ =	swait.ge [sflag:s7], $0x180  }
0x31e: {  	[sflag:s7] =	ssyncset.done $0x0  }
0x31f: {  	[sflag:s7] =	ssyncadd.s32 $0xFFFFFE80  }
0x320: {  	_ =	swait.ge [sflag:s7], $0x180  }
0x321: {  	[sflag:s7] =	ssyncset.done $0x0  }
0x322: {  	[sflag:s7] =	ssyncadd.s32 $0xFFFFFE80  }
0x323: {  	_ =	swait.ge [sflag:s7], $0x180  }
0x324: {  	[sflag:s7] =	ssyncset.done $0x0  }
0x325: {  	[sflag:s7] =	ssyncadd.s32 $0xFFFFFE80  }
0x326: {  	_ =	swait.ge [sflag:s7], $0x180  }
0x327: {  	[sflag:s7] =	ssyncset.done $0x0  }
0x328: {  	[sflag:s7] =	ssyncadd.s32 $0xFFFFFE80  }
0x329: {  	_ =	swait.ge [sflag:s7], $0x180  }
0x32a: {  	[sflag:s7] =	ssyncset.done $0x0  }
0x32b: {  	[sflag:s7] =	ssyncadd.s32 $0xFFFFFE80  }
0x32c: {  	_ =	swait.ge [sflag:s7], $0x180  }
0x32d: {  	p0 =	sne.s32 s4, $0x1;
	[sflag:s7] =	ssyncset.done $0x0  }
.Ltmp1:
0x32e: {  	s31 =	rddreg [dreg:$0x3];
	[sflag:s7] =	ssyncadd.s32 $0xFFFFFE80;
	(pc) =	sbr.rel @p0 .LBB2_2-.Ltmp1, $4  }
0x32f: {  	[hbm4b:s31+s2] =	stream.linear.scatter [tilespmem:s6], [sflag:$0x2], $0x3C00, $0x38;
	[tilespmem:$0x3C80] =	vst v63  }
0x330: {  	_ =	swait.ge [sflag:s5], $0x3C00  }
0x331: {  	[sflag:s5] =	ssyncset.done $0x0  }
0x332: {  	s4 =	sadd.s32 $0xFFFFFFFF, s4;
	[sflag:s5] =	ssyncadd.s32 $0xFFFFC400  }
.LBB2_3:
0x333: {  	_ =	sfence.sel $0x180000  }
0x334: {  	[bflag:$0x0] =	sbarrier.arrive $0xFFFF  }
0x335: {  	p0 =	sne.s32 s1, $0x0;
	_ =	strace $0x90000047  }
0x336: {  	s0 =	sadd.s32 @!p0 $0x100000, s0;
	[bflag:$0x2] =	sbarrier.arrive $0xFFFF  }
0x337: {  	[sflag:s0] =	ssyncadd.tile.s32 @!p0 $0x1;
	_ =	shalt  }
.Lfunc_end2:
_tile_overlayer_lowered:
.L_overlay_start_2:
0x338: {  	(tag) =	ssettag $0x2  }
0x339: {  	s0 =	rddreg [dreg:$0x0];
	s2 =	stileid.u32  }
0x33a: {  	s1 =	rddreg [dreg:$0x1];
	p0 =	sne.s32 s2, $0x0  }
0x33b: {  	s3 =	rddreg [dreg:$0x2];
	[bflag:$0x3] =	sbarrier.arrive $0xFFFF;
	s2 =	simm.s32 @!p0 $0x1C02  }
0x33c: {  	[timem:s3], [sflag:s2] =	dma.local @!p0 [hbm:s0], s1  }
0x33d: {  	s0 =	simm.s32 @!p0 $0x2  }
0x33e: {  	_ =	swait.ge @!p0 [sflag:s0], s1  }
0x33f: {  	s1 =	ssub.s32 @!p0 $0x0, s1;
	[sflag:s0] =	ssyncset.done @!p0 $0x0  }
0x340: {  	[sflag:s0] =	ssyncadd.s32 @!p0 s1  }
0x341: {  	[bflag:$0x3] =	sbarrier.arrive $0xFFFF  }
0x342: {  	_ =	shalt  }

</sc_bundles>
